<compile_context>
chip_gen: v7x
topology: tpu7x:2x2x1
jax: 0.10.2.dev20260603
libtpu: 0.0.44.dev20260713+nightly
codegen_flags: <defaults>
</compile_context>

<pallas_src>
import functools

import jax
import jax.numpy as jnp
from jax import lax
from jax.experimental import pallas as pl
from jax.experimental.pallas import tpu as pltpu
from jax.experimental.pallas import tpu_sc as plsc

BATCH = 16384
VOCAB = 100000
EMB = 128
CTX = 6
OUT = 91

NUM_WORKERS = 32
NBUF = 3
CHUNK_SIZES = (8192, 4096, 4096)
CHUNK_OFFS = (0, 8192, 12288)
STREAM_ROWS = (256, 256, 256)


def _gather_body(off, bch, upw, CHUNK, table_hbm, idxT_hbm, out_hbm, idx_v, *rest):
    spans = bch // CHUNK
    bufs = rest[:NBUF]
    gsems = rest[NBUF:2 * NBUF]
    isem = rest[2 * NBUF]
    wid = lax.axis_index("s") * 2 + lax.axis_index("c")
    u0 = wid * upw
    js = []
    ics = []
    for t in range(upw):
        u = u0 + t
        j = u // spans
        s = u % spans
        js.append((j, s))
        ics.append(pltpu.async_copy(
            idxT_hbm.at[j, pl.ds(off + s * CHUNK, CHUNK)],
            idx_v.at[pl.ds(t * CHUNK, CHUNK)], isem))
    for ic in ics:
        ic.wait()

    def src(t):
        return table_hbm.at[idx_v.at[pl.ds(t * CHUNK, CHUNK)]]

    def dst(t):
        j, s = js[t]
        return out_hbm.at[pl.ds(j * bch + s * CHUNK, CHUNK)]

    gcs = [None] * NBUF
    for t in range(min(NBUF, upw)):
        gcs[t] = pltpu.async_copy(src(t), bufs[t], gsems[t])
    for c in range(upw):
        k = c % NBUF
        gcs[k].wait()
        pltpu.sync_copy(bufs[k], dst(c))
        if c + NBUF < upw:
            gcs[k] = pltpu.async_copy(src(c + NBUF), bufs[k], gsems[k])


def _make_gather(off, bch, chunk):
    upw = CTX * (bch // chunk) // NUM_WORKERS
    return pl.kernel(
        functools.partial(_gather_body, off, bch, upw, chunk),
        out_type=jax.ShapeDtypeStruct((CTX * bch, EMB), jnp.float32),
        mesh=plsc.VectorSubcoreMesh(core_axis_name="c", subcore_axis_name="s"),
        scratch_types=(
            [pltpu.VMEM((upw * chunk,), jnp.int32)]
            + [pltpu.VMEM((chunk, EMB), jnp.float32) for _ in range(NBUF)]
            + [pltpu.SemaphoreType.DMA for _ in range(NBUF + 1)]
        ),
    )


_gathers = [_make_gather(o, b, s)
            for o, b, s in zip(CHUNK_OFFS, CHUNK_SIZES, STREAM_ROWS)]


def _mlp_body(x_ref, w1_ref, b1_ref, w2t_ref, b2_ref, *refs):
    out_ref = refs[-1]
    h = jnp.broadcast_to(b1_ref[...].astype(jnp.float32), (x_ref.shape[1], EMB))
    for j in range(CTX):
        h = h + jax.lax.dot_general(
            x_ref[j], w1_ref[j], (((1,), (0,)), ((), ())),
            preferred_element_type=jnp.float32)
    h = jnp.maximum(h, 0.0)
    logits_t = jax.lax.dot_general(w2t_ref[...], h, (((1,), (1,)), ((), ())),
                                   preferred_element_type=jnp.float32) + b2_ref[...]
    m = jnp.max(logits_t, axis=0, keepdims=True)
    s = logits_t - m
    lse = jnp.log(jnp.sum(jnp.exp(s), axis=0, keepdims=True))
    out_ref[...] = s - lse


BLOCK_B = 1024


def _mlp_chunk(off, bch, x3, W1r, b1, W2t, b2, prev=None):
    grid = (bch // BLOCK_B,)
    blk0 = off // BLOCK_B
    in_specs = [
        pl.BlockSpec((CTX, BLOCK_B, EMB), lambda i: (0, i, 0)),
        pl.BlockSpec((CTX, EMB, EMB), lambda i: (0, 0, 0)),
        pl.BlockSpec((1, EMB), lambda i: (0, 0)),
        pl.BlockSpec((OUT, EMB), lambda i: (0, 0)),
        pl.BlockSpec((OUT, 1), lambda i: (0, 0)),
    ]
    args = [x3, W1r, b1, W2t, b2]
    aliases = {}
    if prev is not None:
        in_specs.append(pl.BlockSpec((OUT, BLOCK_B), lambda i: (0, i + blk0)))
        args.append(prev)
        aliases = {5: 0}
    return pl.pallas_call(
        _mlp_body,
        grid=grid,
        in_specs=in_specs,
        out_specs=pl.BlockSpec((OUT, BLOCK_B), lambda i: (0, i + blk0)),
        out_shape=jax.ShapeDtypeStruct((OUT, BATCH), jnp.float32),
        input_output_aliases=aliases,
    )(*args)


@jax.jit
def kernel(inputs, emb, W1, b1, W2, b2):
    idxT = jnp.transpose(inputs)
    W1r = W1.reshape(CTX, EMB, EMB)
    b1r = b1.reshape(1, EMB)
    W2t = jnp.transpose(W2)
    b2r = b2.reshape(OUT, 1)
    out = None
    for c, (off, bch) in enumerate(zip(CHUNK_OFFS, CHUNK_SIZES)):
        g = _gathers[c](emb, idxT)
        x3 = g.reshape(CTX, bch, EMB)
        out = _mlp_chunk(off, bch, x3, W1r, b1r, W2t, b2r, out)
    return jnp.transpose(out)

# --- scband reference (transcript-rebuilt; emitter-appended) ---
"""Pipeline reference for scband-dependency-model-10299331576118 (READ-ONLY COPY).

The authoritative reference and input builder live on the scoring server;
editing this copy changes nothing except your own understanding.
"""

import jax, jax.numpy as jnp
import numpy as np

BATCH = 16384
VOCAB = 100000
EMB = 128
CTX = 6
OUT = 91


def setup_inputs(seed: int = 0) -> dict:
    key = jax.random.key(seed)
    k1, k2, k3, k4 = jax.random.split(key, 4)
    inputs = jax.random.randint(k1, (BATCH, CTX), 0, VOCAB, dtype=jnp.int64 if jax.config.jax_enable_x64 else jnp.int32).astype(jnp.int32)
    emb = jax.random.normal(k2, (VOCAB, EMB), dtype=jnp.float32) * 0.02
    W1 = jax.random.normal(k3, (CTX * EMB, EMB), dtype=jnp.float32) * 0.02
    b1 = jnp.zeros((EMB,), dtype=jnp.float32)
    W2 = jax.random.normal(k4, (EMB, OUT), dtype=jnp.float32) * 0.02
    b2 = jnp.zeros((OUT,), dtype=jnp.float32)
    return {"inputs": inputs, "emb": emb, "W1": W1, "b1": b1, "W2": W2, "b2": b2}


def reference(inputs, emb, W1, b1, W2, b2):
    # Embedding lookup: [B, 6] -> [B, 6, 128] -> [B, 768]
    x = jnp.take(emb, inputs, axis=0)
    x = x.reshape(x.shape[0], -1)
    # Hidden layer + relu
    h = jax.nn.relu(x @ W1 + b1)
    # Output layer + log_softmax
    logits = h @ W2 + b2
    return jax.nn.log_softmax(logits, axis=1)

if __name__ == "__main__":
    import jax
    _d = setup_inputs()
    print(jax.jit(kernel)(*tuple(_d.values())))

</pallas_src>

<mosaic_0001>
#map = affine_map<(d0, d1) -> (0, 0)>
module attributes {stable_mosaic.version = 14 : i64} {
  func.func @_gather_body(%arg0: i32, %arg1: i32, %arg2: memref<100000x128xf32, #tpu.memory_space<hbm>>, %arg3: memref<6x16384xi32, #tpu.memory_space<hbm>>, %arg4: memref<49152x128xf32, #tpu.memory_space<hbm>>, %arg5: memref<1536xi32, #tpu.memory_space<vmem>>, %arg6: memref<256x128xf32, #tpu.memory_space<vmem>>, %arg7: memref<256x128xf32, #tpu.memory_space<vmem>>, %arg8: memref<256x128xf32, #tpu.memory_space<vmem>>, %arg9: memref<!tpu.dma_semaphore, #tpu.memory_space<semaphore_mem>>, %arg10: memref<!tpu.dma_semaphore, #tpu.memory_space<semaphore_mem>>, %arg11: memref<!tpu.dma_semaphore, #tpu.memory_space<semaphore_mem>>, %arg12: memref<!tpu.dma_semaphore, #tpu.memory_space<semaphore_mem>>) attributes {dimension_semantics = [#tpu.dimension_semantics<core_parallel>, #tpu.dimension_semantics<subcore_parallel>], iteration_bounds = array<i64: 2, 16>, scalar_prefetch = 0 : i64, scratch_operands = 8 : i64, tpu.core_type = #tpu.core_type<sc_vector_subcore>, window_params = [{transform_indices = #map}, {transform_indices = #map}, {transform_indices = #map}]} {
    %mul3A = arith.constant 2 : i32
    %mul3A_0 = arith.muli %arg1, %mul3A : i32
    %add3A = arith.addi %mul3A_0, %arg0 : i32
    %mul3A_1 = arith.constant 6 : i32
    %mul3A_2 = arith.muli %add3A, %mul3A_1 : i32
    %add3A_3 = arith.constant 0 : i32
    %add3A_4 = arith.addi %mul3A_2, %add3A_3 : i32
    %jit3A = arith.constant 32 : i32
    %div3A = arith.divsi %add3A_4, %jit3A : i32
    %sign3A = arith.constant 0 : i32
    %sign3A_5 = arith.cmpi sgt, %add3A_4, %sign3A : i32
    %sign3A_6 = arith.extui %sign3A_5 : i1 to i32
    %sign3A_7 = arith.constant 0 : i32
    %sign3A_8 = arith.cmpi slt, %add3A_4, %sign3A_7 : i32
    %sign3A_9 = arith.extui %sign3A_8 : i1 to i32
    %sign3A_10 = arith.subi %sign3A_6, %sign3A_9 : i32
    %sign3A_11 = arith.constant 0 : i32
    %sign3A_12 = arith.cmpi sgt, %jit3A, %sign3A_11 : i32
    %sign3A_13 = arith.extui %sign3A_12 : i1 to i32
    %sign3A_14 = arith.constant 0 : i32
    %sign3A_15 = arith.cmpi slt, %jit3A, %sign3A_14 : i32
    %sign3A_16 = arith.extui %sign3A_15 : i1 to i32
    %sign3A_17 = arith.subi %sign3A_13, %sign3A_16 : i32
    %ne3A = arith.cmpi ne, %sign3A_10, %sign3A_17 : i32
    %rem3A = arith.remsi %add3A_4, %jit3A : i32
    %ne3A_18 = arith.constant 0 : i32
    %ne3A_19 = arith.cmpi ne, %rem3A, %ne3A_18 : i32
    %and3A = arith.andi %ne3A, %ne3A_19 : i1
    %sub3A = arith.constant 1 : i32
    %sub3A_20 = arith.subi %div3A, %sub3A : i32
    %select_n3A = arith.select %and3A, %sub3A_20, %div3A : i32
    %jit3A_21 = arith.constant 32 : i32
    %eq3A = arith.constant 0 : i32
    %eq3A_22 = arith.cmpi eq, %jit3A_21, %eq3A : i32
    %jit3A_23 = arith.constant 1 : i32
    %select_n3A_24 = arith.select %eq3A_22, %jit3A_23, %jit3A_21 : i32
    %rem3A_25 = arith.remsi %add3A_4, %select_n3A_24 : i32
    %ne3A_26 = arith.constant 0 : i32
    %ne3A_27 = arith.cmpi ne, %rem3A_25, %ne3A_26 : i32
    %lt3A = arith.constant 0 : i32
    %lt3A_28 = arith.cmpi slt, %rem3A_25, %lt3A : i32
    %lt3A_29 = arith.constant 0 : i32
    %lt3A_30 = arith.cmpi slt, %select_n3A_24, %lt3A_29 : i32
    %ne3A_31 = arith.xori %lt3A_28, %lt3A_30 : i1
    %and3A_32 = arith.andi %ne3A_31, %ne3A_27 : i1
    %add3A_33 = arith.addi %rem3A_25, %select_n3A_24 : i32
    %select_n3A_34 = arith.select %and3A_32, %add3A_33, %rem3A_25 : i32
    %mul3A_35 = arith.constant 256 : i32
    %mul3A_36 = arith.muli %select_n3A_34, %mul3A_35 : i32
    %add3A_37 = arith.constant 0 : i32
    %add3A_38 = arith.addi %add3A_37, %mul3A_36 : i32
    %dma_start3A = arith.constant 0 : i32
    %dma_start3A_39 = tpu.memref_slice %arg5[%dma_start3A] : memref<1536xi32, #tpu.memory_space<vmem>> -> memref<256xi32, #tpu.memory_space<vmem>>
    %dma_start3A_40 = tpu.memref_slice %arg3[%select_n3A, %add3A_38] : memref<6x16384xi32, #tpu.memory_space<hbm>> -> memref<1x256xi32, #tpu.memory_space<hbm>>
    %dma_start3A_41 = tpu.memref_squeeze %dma_start3A_40 : memref<1x256xi32, #tpu.memory_space<hbm>> -> memref<256xi32, #tpu.memory_space<hbm>>
    %dma_start3A_42 = arith.constant 0 : i32
    %dma_start3A_43 = tpu.memref_slice %arg5[%dma_start3A_42] : memref<1536xi32, #tpu.memory_space<vmem>> -> memref<256xi32, #tpu.memory_space<vmem>>
    %dma_start3A_44 = tpu.memref_slice %arg3[%select_n3A, %add3A_38] : memref<6x16384xi32, #tpu.memory_space<hbm>> -> memref<1x256xi32, #tpu.memory_space<hbm>>
    %dma_start3A_45 = tpu.memref_squeeze %dma_start3A_44 : memref<1x256xi32, #tpu.memory_space<hbm>> -> memref<256xi32, #tpu.memory_space<hbm>>
    tpu.enqueue_dma source(%dma_start3A_45 : memref<256xi32, #tpu.memory_space<hbm>>) target(%dma_start3A_43 : memref<256xi32, #tpu.memory_space<vmem>>) target_semaphore(%arg12 : memref<!tpu.dma_semaphore, #tpu.memory_space<semaphore_mem>>)
    %add3A_46 = arith.constant 1 : i32
    %add3A_47 = arith.addi %mul3A_2, %add3A_46 : i32
    %jit3A_48 = arith.constant 32 : i32
    %div3A_49 = arith.divsi %add3A_47, %jit3A_48 : i32
    %sign3A_50 = arith.constant 0 : i32
    %sign3A_51 = arith.cmpi sgt, %add3A_47, %sign3A_50 : i32
    %sign3A_52 = arith.extui %sign3A_51 : i1 to i32
    %sign3A_53 = arith.constant 0 : i32
    %sign3A_54 = arith.cmpi slt, %add3A_47, %sign3A_53 : i32
    %sign3A_55 = arith.extui %sign3A_54 : i1 to i32
    %sign3A_56 = arith.subi %sign3A_52, %sign3A_55 : i32
    %sign3A_57 = arith.constant 0 : i32
    %sign3A_58 = arith.cmpi sgt, %jit3A_48, %sign3A_57 : i32
    %sign3A_59 = arith.extui %sign3A_58 : i1 to i32
    %sign3A_60 = arith.constant 0 : i32
    %sign3A_61 = arith.cmpi slt, %jit3A_48, %sign3A_60 : i32
    %sign3A_62 = arith.extui %sign3A_61 : i1 to i32
    %sign3A_63 = arith.subi %sign3A_59, %sign3A_62 : i32
    %ne3A_64 = arith.cmpi ne, %sign3A_56, %sign3A_63 : i32
    %rem3A_65 = arith.remsi %add3A_47, %jit3A_48 : i32
    %ne3A_66 = arith.constant 0 : i32
    %ne3A_67 = arith.cmpi ne, %rem3A_65, %ne3A_66 : i32
    %and3A_68 = arith.andi %ne3A_64, %ne3A_67 : i1
    %sub3A_69 = arith.constant 1 : i32
    %sub3A_70 = arith.subi %div3A_49, %sub3A_69 : i32
    %select_n3A_71 = arith.select %and3A_68, %sub3A_70, %div3A_49 : i32
    %jit3A_72 = arith.constant 32 : i32
    %eq3A_73 = arith.constant 0 : i32
    %eq3A_74 = arith.cmpi eq, %jit3A_72, %eq3A_73 : i32
    %jit3A_75 = arith.constant 1 : i32
    %select_n3A_76 = arith.select %eq3A_74, %jit3A_75, %jit3A_72 : i32
    %rem3A_77 = arith.remsi %add3A_47, %select_n3A_76 : i32
    %ne3A_78 = arith.constant 0 : i32
    %ne3A_79 = arith.cmpi ne, %rem3A_77, %ne3A_78 : i32
    %lt3A_80 = arith.constant 0 : i32
    %lt3A_81 = arith.cmpi slt, %rem3A_77, %lt3A_80 : i32
    %lt3A_82 = arith.constant 0 : i32
    %lt3A_83 = arith.cmpi slt, %select_n3A_76, %lt3A_82 : i32
    %ne3A_84 = arith.xori %lt3A_81, %lt3A_83 : i1
    %and3A_85 = arith.andi %ne3A_84, %ne3A_79 : i1
    %add3A_86 = arith.addi %rem3A_77, %select_n3A_76 : i32
    %select_n3A_87 = arith.select %and3A_85, %add3A_86, %rem3A_77 : i32
    %mul3A_88 = arith.constant 256 : i32
    %mul3A_89 = arith.muli %select_n3A_87, %mul3A_88 : i32
    %add3A_90 = arith.constant 0 : i32
    %add3A_91 = arith.addi %add3A_90, %mul3A_89 : i32
    %dma_start3A_92 = arith.constant 256 : i32
    %dma_start3A_93 = tpu.memref_slice %arg5[%dma_start3A_92] : memref<1536xi32, #tpu.memory_space<vmem>> -> memref<256xi32, #tpu.memory_space<vmem>>
    %dma_start3A_94 = tpu.memref_slice %arg3[%select_n3A_71, %add3A_91] : memref<6x16384xi32, #tpu.memory_space<hbm>> -> memref<1x256xi32, #tpu.memory_space<hbm>>
    %dma_start3A_95 = tpu.memref_squeeze %dma_start3A_94 : memref<1x256xi32, #tpu.memory_space<hbm>> -> memref<256xi32, #tpu.memory_space<hbm>>
    %dma_start3A_96 = arith.constant 256 : i32
    %dma_start3A_97 = tpu.memref_slice %arg5[%dma_start3A_96] : memref<1536xi32, #tpu.memory_space<vmem>> -> memref<256xi32, #tpu.memory_space<vmem>>
    %dma_start3A_98 = tpu.memref_slice %arg3[%select_n3A_71, %add3A_91] : memref<6x16384xi32, #tpu.memory_space<hbm>> -> memref<1x256xi32, #tpu.memory_space<hbm>>
    %dma_start3A_99 = tpu.memref_squeeze %dma_start3A_98 : memref<1x256xi32, #tpu.memory_space<hbm>> -> memref<256xi32, #tpu.memory_space<hbm>>
    tpu.enqueue_dma source(%dma_start3A_99 : memref<256xi32, #tpu.memory_space<hbm>>) target(%dma_start3A_97 : memref<256xi32, #tpu.memory_space<vmem>>) target_semaphore(%arg12 : memref<!tpu.dma_semaphore, #tpu.memory_space<semaphore_mem>>)
    %add3A_100 = arith.constant 2 : i32
    %add3A_101 = arith.addi %mul3A_2, %add3A_100 : i32
    %jit3A_102 = arith.constant 32 : i32
    %div3A_103 = arith.divsi %add3A_101, %jit3A_102 : i32
    %sign3A_104 = arith.constant 0 : i32
    %sign3A_105 = arith.cmpi sgt, %add3A_101, %sign3A_104 : i32
    %sign3A_106 = arith.extui %sign3A_105 : i1 to i32
    %sign3A_107 = arith.constant 0 : i32
    %sign3A_108 = arith.cmpi slt, %add3A_101, %sign3A_107 : i32
    %sign3A_109 = arith.extui %sign3A_108 : i1 to i32
    %sign3A_110 = arith.subi %sign3A_106, %sign3A_109 : i32
    %sign3A_111 = arith.constant 0 : i32
    %sign3A_112 = arith.cmpi sgt, %jit3A_102, %sign3A_111 : i32
    %sign3A_113 = arith.extui %sign3A_112 : i1 to i32
    %sign3A_114 = arith.constant 0 : i32
    %sign3A_115 = arith.cmpi slt, %jit3A_102, %sign3A_114 : i32
    %sign3A_116 = arith.extui %sign3A_115 : i1 to i32
    %sign3A_117 = arith.subi %sign3A_113, %sign3A_116 : i32
    %ne3A_118 = arith.cmpi ne, %sign3A_110, %sign3A_117 : i32
    %rem3A_119 = arith.remsi %add3A_101, %jit3A_102 : i32
    %ne3A_120 = arith.constant 0 : i32
    %ne3A_121 = arith.cmpi ne, %rem3A_119, %ne3A_120 : i32
    %and3A_122 = arith.andi %ne3A_118, %ne3A_121 : i1
    %sub3A_123 = arith.constant 1 : i32
    %sub3A_124 = arith.subi %div3A_103, %sub3A_123 : i32
    %select_n3A_125 = arith.select %and3A_122, %sub3A_124, %div3A_103 : i32
    %jit3A_126 = arith.constant 32 : i32
    %eq3A_127 = arith.constant 0 : i32
    %eq3A_128 = arith.cmpi eq, %jit3A_126, %eq3A_127 : i32
    %jit3A_129 = arith.constant 1 : i32
    %select_n3A_130 = arith.select %eq3A_128, %jit3A_129, %jit3A_126 : i32
    %rem3A_131 = arith.remsi %add3A_101, %select_n3A_130 : i32
    %ne3A_132 = arith.constant 0 : i32
    %ne3A_133 = arith.cmpi ne, %rem3A_131, %ne3A_132 : i32
    %lt3A_134 = arith.constant 0 : i32
    %lt3A_135 = arith.cmpi slt, %rem3A_131, %lt3A_134 : i32
    %lt3A_136 = arith.constant 0 : i32
    %lt3A_137 = arith.cmpi slt, %select_n3A_130, %lt3A_136 : i32
    %ne3A_138 = arith.xori %lt3A_135, %lt3A_137 : i1
    %and3A_139 = arith.andi %ne3A_138, %ne3A_133 : i1
    %add3A_140 = arith.addi %rem3A_131, %select_n3A_130 : i32
    %select_n3A_141 = arith.select %and3A_139, %add3A_140, %rem3A_131 : i32
    %mul3A_142 = arith.constant 256 : i32
    %mul3A_143 = arith.muli %select_n3A_141, %mul3A_142 : i32
    %add3A_144 = arith.constant 0 : i32
    %add3A_145 = arith.addi %add3A_144, %mul3A_143 : i32
    %dma_start3A_146 = arith.constant 512 : i32
    %dma_start3A_147 = tpu.memref_slice %arg5[%dma_start3A_146] : memref<1536xi32, #tpu.memory_space<vmem>> -> memref<256xi32, #tpu.memory_space<vmem>>
    %dma_start3A_148 = tpu.memref_slice %arg3[%select_n3A_125, %add3A_145] : memref<6x16384xi32, #tpu.memory_space<hbm>> -> memref<1x256xi32, #tpu.memory_space<hbm>>
    %dma_start3A_149 = tpu.memref_squeeze %dma_start3A_148 : memref<1x256xi32, #tpu.memory_space<hbm>> -> memref<256xi32, #tpu.memory_space<hbm>>
    %dma_start3A_150 = arith.constant 512 : i32
    %dma_start3A_151 = tpu.memref_slice %arg5[%dma_start3A_150] : memref<1536xi32, #tpu.memory_space<vmem>> -> memref<256xi32, #tpu.memory_space<vmem>>
    %dma_start3A_152 = tpu.memref_slice %arg3[%select_n3A_125, %add3A_145] : memref<6x16384xi32, #tpu.memory_space<hbm>> -> memref<1x256xi32, #tpu.memory_space<hbm>>
    %dma_start3A_153 = tpu.memref_squeeze %dma_start3A_152 : memref<1x256xi32, #tpu.memory_space<hbm>> -> memref<256xi32, #tpu.memory_space<hbm>>
    tpu.enqueue_dma source(%dma_start3A_153 : memref<256xi32, #tpu.memory_space<hbm>>) target(%dma_start3A_151 : memref<256xi32, #tpu.memory_space<vmem>>) target_semaphore(%arg12 : memref<!tpu.dma_semaphore, #tpu.memory_space<semaphore_mem>>)
    %add3A_154 = arith.constant 3 : i32
    %add3A_155 = arith.addi %mul3A_2, %add3A_154 : i32
    %jit3A_156 = arith.constant 32 : i32
    %div3A_157 = arith.divsi %add3A_155, %jit3A_156 : i32
    %sign3A_158 = arith.constant 0 : i32
    %sign3A_159 = arith.cmpi sgt, %add3A_155, %sign3A_158 : i32
    %sign3A_160 = arith.extui %sign3A_159 : i1 to i32
    %sign3A_161 = arith.constant 0 : i32
    %sign3A_162 = arith.cmpi slt, %add3A_155, %sign3A_161 : i32
    %sign3A_163 = arith.extui %sign3A_162 : i1 to i32
    %sign3A_164 = arith.subi %sign3A_160, %sign3A_163 : i32
    %sign3A_165 = arith.constant 0 : i32
    %sign3A_166 = arith.cmpi sgt, %jit3A_156, %sign3A_165 : i32
    %sign3A_167 = arith.extui %sign3A_166 : i1 to i32
    %sign3A_168 = arith.constant 0 : i32
    %sign3A_169 = arith.cmpi slt, %jit3A_156, %sign3A_168 : i32
    %sign3A_170 = arith.extui %sign3A_169 : i1 to i32
    %sign3A_171 = arith.subi %sign3A_167, %sign3A_170 : i32
    %ne3A_172 = arith.cmpi ne, %sign3A_164, %sign3A_171 : i32
    %rem3A_173 = arith.remsi %add3A_155, %jit3A_156 : i32
    %ne3A_174 = arith.constant 0 : i32
    %ne3A_175 = arith.cmpi ne, %rem3A_173, %ne3A_174 : i32
    %and3A_176 = arith.andi %ne3A_172, %ne3A_175 : i1
    %sub3A_177 = arith.constant 1 : i32
    %sub3A_178 = arith.subi %div3A_157, %sub3A_177 : i32
    %select_n3A_179 = arith.select %and3A_176, %sub3A_178, %div3A_157 : i32
    %jit3A_180 = arith.constant 32 : i32
    %eq3A_181 = arith.constant 0 : i32
    %eq3A_182 = arith.cmpi eq, %jit3A_180, %eq3A_181 : i32
    %jit3A_183 = arith.constant 1 : i32
    %select_n3A_184 = arith.select %eq3A_182, %jit3A_183, %jit3A_180 : i32
    %rem3A_185 = arith.remsi %add3A_155, %select_n3A_184 : i32
    %ne3A_186 = arith.constant 0 : i32
    %ne3A_187 = arith.cmpi ne, %rem3A_185, %ne3A_186 : i32
    %lt3A_188 = arith.constant 0 : i32
    %lt3A_189 = arith.cmpi slt, %rem3A_185, %lt3A_188 : i32
    %lt3A_190 = arith.constant 0 : i32
    %lt3A_191 = arith.cmpi slt, %select_n3A_184, %lt3A_190 : i32
    %ne3A_192 = arith.xori %lt3A_189, %lt3A_191 : i1
    %and3A_193 = arith.andi %ne3A_192, %ne3A_187 : i1
    %add3A_194 = arith.addi %rem3A_185, %select_n3A_184 : i32
    %select_n3A_195 = arith.select %and3A_193, %add3A_194, %rem3A_185 : i32
    %mul3A_196 = arith.constant 256 : i32
    %mul3A_197 = arith.muli %select_n3A_195, %mul3A_196 : i32
    %add3A_198 = arith.constant 0 : i32
    %add3A_199 = arith.addi %add3A_198, %mul3A_197 : i32
    %dma_start3A_200 = arith.constant 768 : i32
    %dma_start3A_201 = tpu.memref_slice %arg5[%dma_start3A_200] : memref<1536xi32, #tpu.memory_space<vmem>> -> memref<256xi32, #tpu.memory_space<vmem>>
    %dma_start3A_202 = tpu.memref_slice %arg3[%select_n3A_179, %add3A_199] : memref<6x16384xi32, #tpu.memory_space<hbm>> -> memref<1x256xi32, #tpu.memory_space<hbm>>
    %dma_start3A_203 = tpu.memref_squeeze %dma_start3A_202 : memref<1x256xi32, #tpu.memory_space<hbm>> -> memref<256xi32, #tpu.memory_space<hbm>>
    %dma_start3A_204 = arith.constant 768 : i32
    %dma_start3A_205 = tpu.memref_slice %arg5[%dma_start3A_204] : memref<1536xi32, #tpu.memory_space<vmem>> -> memref<256xi32, #tpu.memory_space<vmem>>
    %dma_start3A_206 = tpu.memref_slice %arg3[%select_n3A_179, %add3A_199] : memref<6x16384xi32, #tpu.memory_space<hbm>> -> memref<1x256xi32, #tpu.memory_space<hbm>>
    %dma_start3A_207 = tpu.memref_squeeze %dma_start3A_206 : memref<1x256xi32, #tpu.memory_space<hbm>> -> memref<256xi32, #tpu.memory_space<hbm>>
    tpu.enqueue_dma source(%dma_start3A_207 : memref<256xi32, #tpu.memory_space<hbm>>) target(%dma_start3A_205 : memref<256xi32, #tpu.memory_space<vmem>>) target_semaphore(%arg12 : memref<!tpu.dma_semaphore, #tpu.memory_space<semaphore_mem>>)
    %add3A_208 = arith.constant 4 : i32
    %add3A_209 = arith.addi %mul3A_2, %add3A_208 : i32
    %jit3A_210 = arith.constant 32 : i32
    %div3A_211 = arith.divsi %add3A_209, %jit3A_210 : i32
    %sign3A_212 = arith.constant 0 : i32
    %sign3A_213 = arith.cmpi sgt, %add3A_209, %sign3A_212 : i32
    %sign3A_214 = arith.extui %sign3A_213 : i1 to i32
    %sign3A_215 = arith.constant 0 : i32
    %sign3A_216 = arith.cmpi slt, %add3A_209, %sign3A_215 : i32
    %sign3A_217 = arith.extui %sign3A_216 : i1 to i32
    %sign3A_218 = arith.subi %sign3A_214, %sign3A_217 : i32
    %sign3A_219 = arith.constant 0 : i32
    %sign3A_220 = arith.cmpi sgt, %jit3A_210, %sign3A_219 : i32
    %sign3A_221 = arith.extui %sign3A_220 : i1 to i32
    %sign3A_222 = arith.constant 0 : i32
    %sign3A_223 = arith.cmpi slt, %jit3A_210, %sign3A_222 : i32
    %sign3A_224 = arith.extui %sign3A_223 : i1 to i32
    %sign3A_225 = arith.subi %sign3A_221, %sign3A_224 : i32
    %ne3A_226 = arith.cmpi ne, %sign3A_218, %sign3A_225 : i32
    %rem3A_227 = arith.remsi %add3A_209, %jit3A_210 : i32
    %ne3A_228 = arith.constant 0 : i32
    %ne3A_229 = arith.cmpi ne, %rem3A_227, %ne3A_228 : i32
    %and3A_230 = arith.andi %ne3A_226, %ne3A_229 : i1
    %sub3A_231 = arith.constant 1 : i32
    %sub3A_232 = arith.subi %div3A_211, %sub3A_231 : i32
    %select_n3A_233 = arith.select %and3A_230, %sub3A_232, %div3A_211 : i32
    %jit3A_234 = arith.constant 32 : i32
    %eq3A_235 = arith.constant 0 : i32
    %eq3A_236 = arith.cmpi eq, %jit3A_234, %eq3A_235 : i32
    %jit3A_237 = arith.constant 1 : i32
    %select_n3A_238 = arith.select %eq3A_236, %jit3A_237, %jit3A_234 : i32
    %rem3A_239 = arith.remsi %add3A_209, %select_n3A_238 : i32
    %ne3A_240 = arith.constant 0 : i32
    %ne3A_241 = arith.cmpi ne, %rem3A_239, %ne3A_240 : i32
    %lt3A_242 = arith.constant 0 : i32
    %lt3A_243 = arith.cmpi slt, %rem3A_239, %lt3A_242 : i32
    %lt3A_244 = arith.constant 0 : i32
    %lt3A_245 = arith.cmpi slt, %select_n3A_238, %lt3A_244 : i32
    %ne3A_246 = arith.xori %lt3A_243, %lt3A_245 : i1
    %and3A_247 = arith.andi %ne3A_246, %ne3A_241 : i1
    %add3A_248 = arith.addi %rem3A_239, %select_n3A_238 : i32
    %select_n3A_249 = arith.select %and3A_247, %add3A_248, %rem3A_239 : i32
    %mul3A_250 = arith.constant 256 : i32
    %mul3A_251 = arith.muli %select_n3A_249, %mul3A_250 : i32
    %add3A_252 = arith.constant 0 : i32
    %add3A_253 = arith.addi %add3A_252, %mul3A_251 : i32
    %dma_start3A_254 = arith.constant 1024 : i32
    %dma_start3A_255 = tpu.memref_slice %arg5[%dma_start3A_254] : memref<1536xi32, #tpu.memory_space<vmem>> -> memref<256xi32, #tpu.memory_space<vmem>>
    %dma_start3A_256 = tpu.memref_slice %arg3[%select_n3A_233, %add3A_253] : memref<6x16384xi32, #tpu.memory_space<hbm>> -> memref<1x256xi32, #tpu.memory_space<hbm>>
    %dma_start3A_257 = tpu.memref_squeeze %dma_start3A_256 : memref<1x256xi32, #tpu.memory_space<hbm>> -> memref<256xi32, #tpu.memory_space<hbm>>
    %dma_start3A_258 = arith.constant 1024 : i32
    %dma_start3A_259 = tpu.memref_slice %arg5[%dma_start3A_258] : memref<1536xi32, #tpu.memory_space<vmem>> -> memref<256xi32, #tpu.memory_space<vmem>>
    %dma_start3A_260 = tpu.memref_slice %arg3[%select_n3A_233, %add3A_253] : memref<6x16384xi32, #tpu.memory_space<hbm>> -> memref<1x256xi32, #tpu.memory_space<hbm>>
    %dma_start3A_261 = tpu.memref_squeeze %dma_start3A_260 : memref<1x256xi32, #tpu.memory_space<hbm>> -> memref<256xi32, #tpu.memory_space<hbm>>
    tpu.enqueue_dma source(%dma_start3A_261 : memref<256xi32, #tpu.memory_space<hbm>>) target(%dma_start3A_259 : memref<256xi32, #tpu.memory_space<vmem>>) target_semaphore(%arg12 : memref<!tpu.dma_semaphore, #tpu.memory_space<semaphore_mem>>)
    %add3A_262 = arith.constant 5 : i32
    %add3A_263 = arith.addi %mul3A_2, %add3A_262 : i32
    %jit3A_264 = arith.constant 32 : i32
    %div3A_265 = arith.divsi %add3A_263, %jit3A_264 : i32
    %sign3A_266 = arith.constant 0 : i32
    %sign3A_267 = arith.cmpi sgt, %add3A_263, %sign3A_266 : i32
    %sign3A_268 = arith.extui %sign3A_267 : i1 to i32
    %sign3A_269 = arith.constant 0 : i32
    %sign3A_270 = arith.cmpi slt, %add3A_263, %sign3A_269 : i32
    %sign3A_271 = arith.extui %sign3A_270 : i1 to i32
    %sign3A_272 = arith.subi %sign3A_268, %sign3A_271 : i32
    %sign3A_273 = arith.constant 0 : i32
    %sign3A_274 = arith.cmpi sgt, %jit3A_264, %sign3A_273 : i32
    %sign3A_275 = arith.extui %sign3A_274 : i1 to i32
    %sign3A_276 = arith.constant 0 : i32
    %sign3A_277 = arith.cmpi slt, %jit3A_264, %sign3A_276 : i32
    %sign3A_278 = arith.extui %sign3A_277 : i1 to i32
    %sign3A_279 = arith.subi %sign3A_275, %sign3A_278 : i32
    %ne3A_280 = arith.cmpi ne, %sign3A_272, %sign3A_279 : i32
    %rem3A_281 = arith.remsi %add3A_263, %jit3A_264 : i32
    %ne3A_282 = arith.constant 0 : i32
    %ne3A_283 = arith.cmpi ne, %rem3A_281, %ne3A_282 : i32
    %and3A_284 = arith.andi %ne3A_280, %ne3A_283 : i1
    %sub3A_285 = arith.constant 1 : i32
    %sub3A_286 = arith.subi %div3A_265, %sub3A_285 : i32
    %select_n3A_287 = arith.select %and3A_284, %sub3A_286, %div3A_265 : i32
    %jit3A_288 = arith.constant 32 : i32
    %eq3A_289 = arith.constant 0 : i32
    %eq3A_290 = arith.cmpi eq, %jit3A_288, %eq3A_289 : i32
    %jit3A_291 = arith.constant 1 : i32
    %select_n3A_292 = arith.select %eq3A_290, %jit3A_291, %jit3A_288 : i32
    %rem3A_293 = arith.remsi %add3A_263, %select_n3A_292 : i32
    %ne3A_294 = arith.constant 0 : i32
    %ne3A_295 = arith.cmpi ne, %rem3A_293, %ne3A_294 : i32
    %lt3A_296 = arith.constant 0 : i32
    %lt3A_297 = arith.cmpi slt, %rem3A_293, %lt3A_296 : i32
    %lt3A_298 = arith.constant 0 : i32
    %lt3A_299 = arith.cmpi slt, %select_n3A_292, %lt3A_298 : i32
    %ne3A_300 = arith.xori %lt3A_297, %lt3A_299 : i1
    %and3A_301 = arith.andi %ne3A_300, %ne3A_295 : i1
    %add3A_302 = arith.addi %rem3A_293, %select_n3A_292 : i32
    %select_n3A_303 = arith.select %and3A_301, %add3A_302, %rem3A_293 : i32
    %mul3A_304 = arith.constant 256 : i32
    %mul3A_305 = arith.muli %select_n3A_303, %mul3A_304 : i32
    %add3A_306 = arith.constant 0 : i32
    %add3A_307 = arith.addi %add3A_306, %mul3A_305 : i32
    %dma_start3A_308 = arith.constant 1280 : i32
    %dma_start3A_309 = tpu.memref_slice %arg5[%dma_start3A_308] : memref<1536xi32, #tpu.memory_space<vmem>> -> memref<256xi32, #tpu.memory_space<vmem>>
    %dma_start3A_310 = tpu.memref_slice %arg3[%select_n3A_287, %add3A_307] : memref<6x16384xi32, #tpu.memory_space<hbm>> -> memref<1x256xi32, #tpu.memory_space<hbm>>
    %dma_start3A_311 = tpu.memref_squeeze %dma_start3A_310 : memref<1x256xi32, #tpu.memory_space<hbm>> -> memref<256xi32, #tpu.memory_space<hbm>>
    %dma_start3A_312 = arith.constant 1280 : i32
    %dma_start3A_313 = tpu.memref_slice %arg5[%dma_start3A_312] : memref<1536xi32, #tpu.memory_space<vmem>> -> memref<256xi32, #tpu.memory_space<vmem>>
    %dma_start3A_314 = tpu.memref_slice %arg3[%select_n3A_287, %add3A_307] : memref<6x16384xi32, #tpu.memory_space<hbm>> -> memref<1x256xi32, #tpu.memory_space<hbm>>
    %dma_start3A_315 = tpu.memref_squeeze %dma_start3A_314 : memref<1x256xi32, #tpu.memory_space<hbm>> -> memref<256xi32, #tpu.memory_space<hbm>>
    tpu.enqueue_dma source(%dma_start3A_315 : memref<256xi32, #tpu.memory_space<hbm>>) target(%dma_start3A_313 : memref<256xi32, #tpu.memory_space<vmem>>) target_semaphore(%arg12 : memref<!tpu.dma_semaphore, #tpu.memory_space<semaphore_mem>>)
    %dma_wait3A = arith.constant 0 : i32
    %dma_wait3A_316 = tpu.memref_slice %arg5[%dma_wait3A] : memref<1536xi32, #tpu.memory_space<vmem>> -> memref<256xi32, #tpu.memory_space<vmem>>
    %dma_wait3A_317 = tpu.memref_slice %arg3[%select_n3A, %add3A_38] : memref<6x16384xi32, #tpu.memory_space<hbm>> -> memref<1x256xi32, #tpu.memory_space<hbm>>
    %dma_wait3A_318 = tpu.memref_squeeze %dma_wait3A_317 : memref<1x256xi32, #tpu.memory_space<hbm>> -> memref<256xi32, #tpu.memory_space<hbm>>
    %dma_wait3A_319 = arith.constant 0 : i32
    %dma_wait3A_320 = tpu.memref_slice %arg5[%dma_wait3A_319] : memref<1536xi32, #tpu.memory_space<vmem>> -> memref<256xi32, #tpu.memory_space<vmem>>
    %dma_wait3A_321 = tpu.memref_slice %arg3[%select_n3A, %add3A_38] : memref<6x16384xi32, #tpu.memory_space<hbm>> -> memref<1x256xi32, #tpu.memory_space<hbm>>
    %dma_wait3A_322 = tpu.memref_squeeze %dma_wait3A_321 : memref<1x256xi32, #tpu.memory_space<hbm>> -> memref<256xi32, #tpu.memory_space<hbm>>
    tpu.wait_dma2 semaphore(%arg12 : memref<!tpu.dma_semaphore, #tpu.memory_space<semaphore_mem>>) src(%dma_wait3A_322 : memref<256xi32, #tpu.memory_space<hbm>>) dst(%dma_wait3A_320 : memref<256xi32, #tpu.memory_space<vmem>>)
    %dma_wait3A_323 = arith.constant 256 : i32
    %dma_wait3A_324 = tpu.memref_slice %arg5[%dma_wait3A_323] : memref<1536xi32, #tpu.memory_space<vmem>> -> memref<256xi32, #tpu.memory_space<vmem>>
    %dma_wait3A_325 = tpu.memref_slice %arg3[%select_n3A_71, %add3A_91] : memref<6x16384xi32, #tpu.memory_space<hbm>> -> memref<1x256xi32, #tpu.memory_space<hbm>>
    %dma_wait3A_326 = tpu.memref_squeeze %dma_wait3A_325 : memref<1x256xi32, #tpu.memory_space<hbm>> -> memref<256xi32, #tpu.memory_space<hbm>>
    %dma_wait3A_327 = arith.constant 256 : i32
    %dma_wait3A_328 = tpu.memref_slice %arg5[%dma_wait3A_327] : memref<1536xi32, #tpu.memory_space<vmem>> -> memref<256xi32, #tpu.memory_space<vmem>>
    %dma_wait3A_329 = tpu.memref_slice %arg3[%select_n3A_71, %add3A_91] : memref<6x16384xi32, #tpu.memory_space<hbm>> -> memref<1x256xi32, #tpu.memory_space<hbm>>
    %dma_wait3A_330 = tpu.memref_squeeze %dma_wait3A_329 : memref<1x256xi32, #tpu.memory_space<hbm>> -> memref<256xi32, #tpu.memory_space<hbm>>
    tpu.wait_dma2 semaphore(%arg12 : memref<!tpu.dma_semaphore, #tpu.memory_space<semaphore_mem>>) src(%dma_wait3A_330 : memref<256xi32, #tpu.memory_space<hbm>>) dst(%dma_wait3A_328 : memref<256xi32, #tpu.memory_space<vmem>>)
    %dma_wait3A_331 = arith.constant 512 : i32
    %dma_wait3A_332 = tpu.memref_slice %arg5[%dma_wait3A_331] : memref<1536xi32, #tpu.memory_space<vmem>> -> memref<256xi32, #tpu.memory_space<vmem>>
    %dma_wait3A_333 = tpu.memref_slice %arg3[%select_n3A_125, %add3A_145] : memref<6x16384xi32, #tpu.memory_space<hbm>> -> memref<1x256xi32, #tpu.memory_space<hbm>>
    %dma_wait3A_334 = tpu.memref_squeeze %dma_wait3A_333 : memref<1x256xi32, #tpu.memory_space<hbm>> -> memref<256xi32, #tpu.memory_space<hbm>>
    %dma_wait3A_335 = arith.constant 512 : i32
    %dma_wait3A_336 = tpu.memref_slice %arg5[%dma_wait3A_335] : memref<1536xi32, #tpu.memory_space<vmem>> -> memref<256xi32, #tpu.memory_space<vmem>>
    %dma_wait3A_337 = tpu.memref_slice %arg3[%select_n3A_125, %add3A_145] : memref<6x16384xi32, #tpu.memory_space<hbm>> -> memref<1x256xi32, #tpu.memory_space<hbm>>
    %dma_wait3A_338 = tpu.memref_squeeze %dma_wait3A_337 : memref<1x256xi32, #tpu.memory_space<hbm>> -> memref<256xi32, #tpu.memory_space<hbm>>
    tpu.wait_dma2 semaphore(%arg12 : memref<!tpu.dma_semaphore, #tpu.memory_space<semaphore_mem>>) src(%dma_wait3A_338 : memref<256xi32, #tpu.memory_space<hbm>>) dst(%dma_wait3A_336 : memref<256xi32, #tpu.memory_space<vmem>>)
    %dma_wait3A_339 = arith.constant 768 : i32
    %dma_wait3A_340 = tpu.memref_slice %arg5[%dma_wait3A_339] : memref<1536xi32, #tpu.memory_space<vmem>> -> memref<256xi32, #tpu.memory_space<vmem>>
    %dma_wait3A_341 = tpu.memref_slice %arg3[%select_n3A_179, %add3A_199] : memref<6x16384xi32, #tpu.memory_space<hbm>> -> memref<1x256xi32, #tpu.memory_space<hbm>>
    %dma_wait3A_342 = tpu.memref_squeeze %dma_wait3A_341 : memref<1x256xi32, #tpu.memory_space<hbm>> -> memref<256xi32, #tpu.memory_space<hbm>>
    %dma_wait3A_343 = arith.constant 768 : i32
    %dma_wait3A_344 = tpu.memref_slice %arg5[%dma_wait3A_343] : memref<1536xi32, #tpu.memory_space<vmem>> -> memref<256xi32, #tpu.memory_space<vmem>>
    %dma_wait3A_345 = tpu.memref_slice %arg3[%select_n3A_179, %add3A_199] : memref<6x16384xi32, #tpu.memory_space<hbm>> -> memref<1x256xi32, #tpu.memory_space<hbm>>
    %dma_wait3A_346 = tpu.memref_squeeze %dma_wait3A_345 : memref<1x256xi32, #tpu.memory_space<hbm>> -> memref<256xi32, #tpu.memory_space<hbm>>
    tpu.wait_dma2 semaphore(%arg12 : memref<!tpu.dma_semaphore, #tpu.memory_space<semaphore_mem>>) src(%dma_wait3A_346 : memref<256xi32, #tpu.memory_space<hbm>>) dst(%dma_wait3A_344 : memref<256xi32, #tpu.memory_space<vmem>>)
    %dma_wait3A_347 = arith.constant 1024 : i32
    %dma_wait3A_348 = tpu.memref_slice %arg5[%dma_wait3A_347] : memref<1536xi32, #tpu.memory_space<vmem>> -> memref<256xi32, #tpu.memory_space<vmem>>
    %dma_wait3A_349 = tpu.memref_slice %arg3[%select_n3A_233, %add3A_253] : memref<6x16384xi32, #tpu.memory_space<hbm>> -> memref<1x256xi32, #tpu.memory_space<hbm>>
    %dma_wait3A_350 = tpu.memref_squeeze %dma_wait3A_349 : memref<1x256xi32, #tpu.memory_space<hbm>> -> memref<256xi32, #tpu.memory_space<hbm>>
    %dma_wait3A_351 = arith.constant 1024 : i32
    %dma_wait3A_352 = tpu.memref_slice %arg5[%dma_wait3A_351] : memref<1536xi32, #tpu.memory_space<vmem>> -> memref<256xi32, #tpu.memory_space<vmem>>
    %dma_wait3A_353 = tpu.memref_slice %arg3[%select_n3A_233, %add3A_253] : memref<6x16384xi32, #tpu.memory_space<hbm>> -> memref<1x256xi32, #tpu.memory_space<hbm>>
    %dma_wait3A_354 = tpu.memref_squeeze %dma_wait3A_353 : memref<1x256xi32, #tpu.memory_space<hbm>> -> memref<256xi32, #tpu.memory_space<hbm>>
    tpu.wait_dma2 semaphore(%arg12 : memref<!tpu.dma_semaphore, #tpu.memory_space<semaphore_mem>>) src(%dma_wait3A_354 : memref<256xi32, #tpu.memory_space<hbm>>) dst(%dma_wait3A_352 : memref<256xi32, #tpu.memory_space<vmem>>)
    %dma_wait3A_355 = arith.constant 1280 : i32
    %dma_wait3A_356 = tpu.memref_slice %arg5[%dma_wait3A_355] : memref<1536xi32, #tpu.memory_space<vmem>> -> memref<256xi32, #tpu.memory_space<vmem>>
    %dma_wait3A_357 = tpu.memref_slice %arg3[%select_n3A_287, %add3A_307] : memref<6x16384xi32, #tpu.memory_space<hbm>> -> memref<1x256xi32, #tpu.memory_space<hbm>>
    %dma_wait3A_358 = tpu.memref_squeeze %dma_wait3A_357 : memref<1x256xi32, #tpu.memory_space<hbm>> -> memref<256xi32, #tpu.memory_space<hbm>>
    %dma_wait3A_359 = arith.constant 1280 : i32
    %dma_wait3A_360 = tpu.memref_slice %arg5[%dma_wait3A_359] : memref<1536xi32, #tpu.memory_space<vmem>> -> memref<256xi32, #tpu.memory_space<vmem>>
    %dma_wait3A_361 = tpu.memref_slice %arg3[%select_n3A_287, %add3A_307] : memref<6x16384xi32, #tpu.memory_space<hbm>> -> memref<1x256xi32, #tpu.memory_space<hbm>>
    %dma_wait3A_362 = tpu.memref_squeeze %dma_wait3A_361 : memref<1x256xi32, #tpu.memory_space<hbm>> -> memref<256xi32, #tpu.memory_space<hbm>>
    tpu.wait_dma2 semaphore(%arg12 : memref<!tpu.dma_semaphore, #tpu.memory_space<semaphore_mem>>) src(%dma_wait3A_362 : memref<256xi32, #tpu.memory_space<hbm>>) dst(%dma_wait3A_360 : memref<256xi32, #tpu.memory_space<vmem>>)
    %dma_start3A_363 = arith.constant 0 : i32
    %dma_start3A_364 = tpu.memref_slice %arg5[%dma_start3A_363] : memref<1536xi32, #tpu.memory_space<vmem>> -> memref<256xi32, #tpu.memory_space<vmem>>
    %dma_start3A_365 = arith.constant 0 : i32
    %dma_start3A_366 = arith.constant 0 : i32
    %dma_start3A_367 = tpu.memref_slice %arg2[%dma_start3A_365, %dma_start3A_366] : memref<100000x128xf32, #tpu.memory_space<hbm>> -> memref<100000x128xf32, #tpu.memory_space<hbm>>
    tpu.enqueue_indirect_dma source(%dma_start3A_367 : memref<100000x128xf32, #tpu.memory_space<hbm>>) target(%arg6 : memref<256x128xf32, #tpu.memory_space<vmem>>) offsets(%dma_start3A_364 : memref<256xi32, #tpu.memory_space<vmem>>) semaphore(%arg9 : memref<!tpu.dma_semaphore, #tpu.memory_space<semaphore_mem>>)
    %dma_start3A_368 = arith.constant 256 : i32
    %dma_start3A_369 = tpu.memref_slice %arg5[%dma_start3A_368] : memref<1536xi32, #tpu.memory_space<vmem>> -> memref<256xi32, #tpu.memory_space<vmem>>
    %dma_start3A_370 = arith.constant 0 : i32
    %dma_start3A_371 = arith.constant 0 : i32
    %dma_start3A_372 = tpu.memref_slice %arg2[%dma_start3A_370, %dma_start3A_371] : memref<100000x128xf32, #tpu.memory_space<hbm>> -> memref<100000x128xf32, #tpu.memory_space<hbm>>
    tpu.enqueue_indirect_dma source(%dma_start3A_372 : memref<100000x128xf32, #tpu.memory_space<hbm>>) target(%arg7 : memref<256x128xf32, #tpu.memory_space<vmem>>) offsets(%dma_start3A_369 : memref<256xi32, #tpu.memory_space<vmem>>) semaphore(%arg10 : memref<!tpu.dma_semaphore, #tpu.memory_space<semaphore_mem>>)
    %dma_start3A_373 = arith.constant 512 : i32
    %dma_start3A_374 = tpu.memref_slice %arg5[%dma_start3A_373] : memref<1536xi32, #tpu.memory_space<vmem>> -> memref<256xi32, #tpu.memory_space<vmem>>
    %dma_start3A_375 = arith.constant 0 : i32
    %dma_start3A_376 = arith.constant 0 : i32
    %dma_start3A_377 = tpu.memref_slice %arg2[%dma_start3A_375, %dma_start3A_376] : memref<100000x128xf32, #tpu.memory_space<hbm>> -> memref<100000x128xf32, #tpu.memory_space<hbm>>
    tpu.enqueue_indirect_dma source(%dma_start3A_377 : memref<100000x128xf32, #tpu.memory_space<hbm>>) target(%arg8 : memref<256x128xf32, #tpu.memory_space<vmem>>) offsets(%dma_start3A_374 : memref<256xi32, #tpu.memory_space<vmem>>) semaphore(%arg11 : memref<!tpu.dma_semaphore, #tpu.memory_space<semaphore_mem>>)
    %dma_wait3A_378 = arith.constant 0 : i32
    %dma_wait3A_379 = tpu.memref_slice %arg5[%dma_wait3A_378] : memref<1536xi32, #tpu.memory_space<vmem>> -> memref<256xi32, #tpu.memory_space<vmem>>
    %dma_wait3A_380 = arith.constant 0 : i32
    %dma_wait3A_381 = arith.constant 0 : i32
    %dma_wait3A_382 = tpu.memref_slice %arg2[%dma_wait3A_380, %dma_wait3A_381] : memref<100000x128xf32, #tpu.memory_space<hbm>> -> memref<100000x128xf32, #tpu.memory_space<hbm>>
    tpu.wait_indirect_dma semaphore(%arg9 : memref<!tpu.dma_semaphore, #tpu.memory_space<semaphore_mem>>) src(%dma_wait3A_382 : memref<100000x128xf32, #tpu.memory_space<hbm>>) dst(%arg6 : memref<256x128xf32, #tpu.memory_space<vmem>>)
    %mul3A_383 = arith.constant 8192 : i32
    %mul3A_384 = arith.muli %select_n3A, %mul3A_383 : i32
    %mul3A_385 = arith.constant 256 : i32
    %mul3A_386 = arith.muli %select_n3A_34, %mul3A_385 : i32
    %add3A_387 = arith.addi %mul3A_384, %mul3A_386 : i32
    "tpu.region"() ({
      %run_scoped3A = tpu.sem_alloc : memref<!tpu.dma_semaphore, #tpu.memory_space<semaphore_mem>>
      %dma_start3A_453 = arith.constant 0 : i32
      %dma_start3A_454 = tpu.memref_slice %arg4[%add3A_387, %dma_start3A_453] : memref<49152x128xf32, #tpu.memory_space<hbm>> -> memref<256x128xf32, #tpu.memory_space<hbm>>
      %dma_start3A_455 = arith.constant 0 : i32
      %dma_start3A_456 = tpu.memref_slice %arg4[%add3A_387, %dma_start3A_455] : memref<49152x128xf32, #tpu.memory_space<hbm>> -> memref<256x128xf32, #tpu.memory_space<hbm>>
      tpu.enqueue_dma source(%arg6 : memref<256x128xf32, #tpu.memory_space<vmem>>) target(%dma_start3A_456 : memref<256x128xf32, #tpu.memory_space<hbm>>) target_semaphore(%run_scoped3A : memref<!tpu.dma_semaphore, #tpu.memory_space<semaphore_mem>>)
      %dma_wait3A_457 = arith.constant 0 : i32
      %dma_wait3A_458 = tpu.memref_slice %arg4[%add3A_387, %dma_wait3A_457] : memref<49152x128xf32, #tpu.memory_space<hbm>> -> memref<256x128xf32, #tpu.memory_space<hbm>>
      %dma_wait3A_459 = arith.constant 0 : i32
      %dma_wait3A_460 = tpu.memref_slice %arg4[%add3A_387, %dma_wait3A_459] : memref<49152x128xf32, #tpu.memory_space<hbm>> -> memref<256x128xf32, #tpu.memory_space<hbm>>
      tpu.wait_dma2 semaphore(%run_scoped3A : memref<!tpu.dma_semaphore, #tpu.memory_space<semaphore_mem>>) src(%arg6 : memref<256x128xf32, #tpu.memory_space<vmem>>) dst(%dma_wait3A_460 : memref<256x128xf32, #tpu.memory_space<hbm>>)
      tpu.yield
    }) : () -> ()
    %dma_start3A_388 = arith.constant 768 : i32
    %dma_start3A_389 = tpu.memref_slice %arg5[%dma_start3A_388] : memref<1536xi32, #tpu.memory_space<vmem>> -> memref<256xi32, #tpu.memory_space<vmem>>
    %dma_start3A_390 = arith.constant 0 : i32
    %dma_start3A_391 = arith.constant 0 : i32
    %dma_start3A_392 = tpu.memref_slice %arg2[%dma_start3A_390, %dma_start3A_391] : memref<100000x128xf32, #tpu.memory_space<hbm>> -> memref<100000x128xf32, #tpu.memory_space<hbm>>
    tpu.enqueue_indirect_dma source(%dma_start3A_392 : memref<100000x128xf32, #tpu.memory_space<hbm>>) target(%arg6 : memref<256x128xf32, #tpu.memory_space<vmem>>) offsets(%dma_start3A_389 : memref<256xi32, #tpu.memory_space<vmem>>) semaphore(%arg9 : memref<!tpu.dma_semaphore, #tpu.memory_space<semaphore_mem>>)
    %dma_wait3A_393 = arith.constant 256 : i32
    %dma_wait3A_394 = tpu.memref_slice %arg5[%dma_wait3A_393] : memref<1536xi32, #tpu.memory_space<vmem>> -> memref<256xi32, #tpu.memory_space<vmem>>
    %dma_wait3A_395 = arith.constant 0 : i32
    %dma_wait3A_396 = arith.constant 0 : i32
    %dma_wait3A_397 = tpu.memref_slice %arg2[%dma_wait3A_395, %dma_wait3A_396] : memref<100000x128xf32, #tpu.memory_space<hbm>> -> memref<100000x128xf32, #tpu.memory_space<hbm>>
    tpu.wait_indirect_dma semaphore(%arg10 : memref<!tpu.dma_semaphore, #tpu.memory_space<semaphore_mem>>) src(%dma_wait3A_397 : memref<100000x128xf32, #tpu.memory_space<hbm>>) dst(%arg7 : memref<256x128xf32, #tpu.memory_space<vmem>>)
    %mul3A_398 = arith.constant 8192 : i32
    %mul3A_399 = arith.muli %select_n3A_71, %mul3A_398 : i32
    %mul3A_400 = arith.constant 256 : i32
    %mul3A_401 = arith.muli %select_n3A_87, %mul3A_400 : i32
    %add3A_402 = arith.addi %mul3A_399, %mul3A_401 : i32
    "tpu.region"() ({
      %run_scoped3A = tpu.sem_alloc : memref<!tpu.dma_semaphore, #tpu.memory_space<semaphore_mem>>
      %dma_start3A_453 = arith.constant 0 : i32
      %dma_start3A_454 = tpu.memref_slice %arg4[%add3A_402, %dma_start3A_453] : memref<49152x128xf32, #tpu.memory_space<hbm>> -> memref<256x128xf32, #tpu.memory_space<hbm>>
      %dma_start3A_455 = arith.constant 0 : i32
      %dma_start3A_456 = tpu.memref_slice %arg4[%add3A_402, %dma_start3A_455] : memref<49152x128xf32, #tpu.memory_space<hbm>> -> memref<256x128xf32, #tpu.memory_space<hbm>>
      tpu.enqueue_dma source(%arg7 : memref<256x128xf32, #tpu.memory_space<vmem>>) target(%dma_start3A_456 : memref<256x128xf32, #tpu.memory_space<hbm>>) target_semaphore(%run_scoped3A : memref<!tpu.dma_semaphore, #tpu.memory_space<semaphore_mem>>)
      %dma_wait3A_457 = arith.constant 0 : i32
      %dma_wait3A_458 = tpu.memref_slice %arg4[%add3A_402, %dma_wait3A_457] : memref<49152x128xf32, #tpu.memory_space<hbm>> -> memref<256x128xf32, #tpu.memory_space<hbm>>
      %dma_wait3A_459 = arith.constant 0 : i32
      %dma_wait3A_460 = tpu.memref_slice %arg4[%add3A_402, %dma_wait3A_459] : memref<49152x128xf32, #tpu.memory_space<hbm>> -> memref<256x128xf32, #tpu.memory_space<hbm>>
      tpu.wait_dma2 semaphore(%run_scoped3A : memref<!tpu.dma_semaphore, #tpu.memory_space<semaphore_mem>>) src(%arg7 : memref<256x128xf32, #tpu.memory_space<vmem>>) dst(%dma_wait3A_460 : memref<256x128xf32, #tpu.memory_space<hbm>>)
      tpu.yield
    }) : () -> ()
    %dma_start3A_403 = arith.constant 1024 : i32
    %dma_start3A_404 = tpu.memref_slice %arg5[%dma_start3A_403] : memref<1536xi32, #tpu.memory_space<vmem>> -> memref<256xi32, #tpu.memory_space<vmem>>
    %dma_start3A_405 = arith.constant 0 : i32
    %dma_start3A_406 = arith.constant 0 : i32
    %dma_start3A_407 = tpu.memref_slice %arg2[%dma_start3A_405, %dma_start3A_406] : memref<100000x128xf32, #tpu.memory_space<hbm>> -> memref<100000x128xf32, #tpu.memory_space<hbm>>
    tpu.enqueue_indirect_dma source(%dma_start3A_407 : memref<100000x128xf32, #tpu.memory_space<hbm>>) target(%arg7 : memref<256x128xf32, #tpu.memory_space<vmem>>) offsets(%dma_start3A_404 : memref<256xi32, #tpu.memory_space<vmem>>) semaphore(%arg10 : memref<!tpu.dma_semaphore, #tpu.memory_space<semaphore_mem>>)
    %dma_wait3A_408 = arith.constant 512 : i32
    %dma_wait3A_409 = tpu.memref_slice %arg5[%dma_wait3A_408] : memref<1536xi32, #tpu.memory_space<vmem>> -> memref<256xi32, #tpu.memory_space<vmem>>
    %dma_wait3A_410 = arith.constant 0 : i32
    %dma_wait3A_411 = arith.constant 0 : i32
    %dma_wait3A_412 = tpu.memref_slice %arg2[%dma_wait3A_410, %dma_wait3A_411] : memref<100000x128xf32, #tpu.memory_space<hbm>> -> memref<100000x128xf32, #tpu.memory_space<hbm>>
    tpu.wait_indirect_dma semaphore(%arg11 : memref<!tpu.dma_semaphore, #tpu.memory_space<semaphore_mem>>) src(%dma_wait3A_412 : memref<100000x128xf32, #tpu.memory_space<hbm>>) dst(%arg8 : memref<256x128xf32, #tpu.memory_space<vmem>>)
    %mul3A_413 = arith.constant 8192 : i32
    %mul3A_414 = arith.muli %select_n3A_125, %mul3A_413 : i32
    %mul3A_415 = arith.constant 256 : i32
    %mul3A_416 = arith.muli %select_n3A_141, %mul3A_415 : i32
    %add3A_417 = arith.addi %mul3A_414, %mul3A_416 : i32
    "tpu.region"() ({
      %run_scoped3A = tpu.sem_alloc : memref<!tpu.dma_semaphore, #tpu.memory_space<semaphore_mem>>
      %dma_start3A_453 = arith.constant 0 : i32
      %dma_start3A_454 = tpu.memref_slice %arg4[%add3A_417, %dma_start3A_453] : memref<49152x128xf32, #tpu.memory_space<hbm>> -> memref<256x128xf32, #tpu.memory_space<hbm>>
      %dma_start3A_455 = arith.constant 0 : i32
      %dma_start3A_456 = tpu.memref_slice %arg4[%add3A_417, %dma_start3A_455] : memref<49152x128xf32, #tpu.memory_space<hbm>> -> memref<256x128xf32, #tpu.memory_space<hbm>>
      tpu.enqueue_dma source(%arg8 : memref<256x128xf32, #tpu.memory_space<vmem>>) target(%dma_start3A_456 : memref<256x128xf32, #tpu.memory_space<hbm>>) target_semaphore(%run_scoped3A : memref<!tpu.dma_semaphore, #tpu.memory_space<semaphore_mem>>)
      %dma_wait3A_457 = arith.constant 0 : i32
      %dma_wait3A_458 = tpu.memref_slice %arg4[%add3A_417, %dma_wait3A_457] : memref<49152x128xf32, #tpu.memory_space<hbm>> -> memref<256x128xf32, #tpu.memory_space<hbm>>
      %dma_wait3A_459 = arith.constant 0 : i32
      %dma_wait3A_460 = tpu.memref_slice %arg4[%add3A_417, %dma_wait3A_459] : memref<49152x128xf32, #tpu.memory_space<hbm>> -> memref<256x128xf32, #tpu.memory_space<hbm>>
      tpu.wait_dma2 semaphore(%run_scoped3A : memref<!tpu.dma_semaphore, #tpu.memory_space<semaphore_mem>>) src(%arg8 : memref<256x128xf32, #tpu.memory_space<vmem>>) dst(%dma_wait3A_460 : memref<256x128xf32, #tpu.memory_space<hbm>>)
      tpu.yield
    }) : () -> ()
    %dma_start3A_418 = arith.constant 1280 : i32
    %dma_start3A_419 = tpu.memref_slice %arg5[%dma_start3A_418] : memref<1536xi32, #tpu.memory_space<vmem>> -> memref<256xi32, #tpu.memory_space<vmem>>
    %dma_start3A_420 = arith.constant 0 : i32
    %dma_start3A_421 = arith.constant 0 : i32
    %dma_start3A_422 = tpu.memref_slice %arg2[%dma_start3A_420, %dma_start3A_421] : memref<100000x128xf32, #tpu.memory_space<hbm>> -> memref<100000x128xf32, #tpu.memory_space<hbm>>
    tpu.enqueue_indirect_dma source(%dma_start3A_422 : memref<100000x128xf32, #tpu.memory_space<hbm>>) target(%arg8 : memref<256x128xf32, #tpu.memory_space<vmem>>) offsets(%dma_start3A_419 : memref<256xi32, #tpu.memory_space<vmem>>) semaphore(%arg11 : memref<!tpu.dma_semaphore, #tpu.memory_space<semaphore_mem>>)
    %dma_wait3A_423 = arith.constant 768 : i32
    %dma_wait3A_424 = tpu.memref_slice %arg5[%dma_wait3A_423] : memref<1536xi32, #tpu.memory_space<vmem>> -> memref<256xi32, #tpu.memory_space<vmem>>
    %dma_wait3A_425 = arith.constant 0 : i32
    %dma_wait3A_426 = arith.constant 0 : i32
    %dma_wait3A_427 = tpu.memref_slice %arg2[%dma_wait3A_425, %dma_wait3A_426] : memref<100000x128xf32, #tpu.memory_space<hbm>> -> memref<100000x128xf32, #tpu.memory_space<hbm>>
    tpu.wait_indirect_dma semaphore(%arg9 : memref<!tpu.dma_semaphore, #tpu.memory_space<semaphore_mem>>) src(%dma_wait3A_427 : memref<100000x128xf32, #tpu.memory_space<hbm>>) dst(%arg6 : memref<256x128xf32, #tpu.memory_space<vmem>>)
    %mul3A_428 = arith.constant 8192 : i32
    %mul3A_429 = arith.muli %select_n3A_179, %mul3A_428 : i32
    %mul3A_430 = arith.constant 256 : i32
    %mul3A_431 = arith.muli %select_n3A_195, %mul3A_430 : i32
    %add3A_432 = arith.addi %mul3A_429, %mul3A_431 : i32
    "tpu.region"() ({
      %run_scoped3A = tpu.sem_alloc : memref<!tpu.dma_semaphore, #tpu.memory_space<semaphore_mem>>
      %dma_start3A_453 = arith.constant 0 : i32
      %dma_start3A_454 = tpu.memref_slice %arg4[%add3A_432, %dma_start3A_453] : memref<49152x128xf32, #tpu.memory_space<hbm>> -> memref<256x128xf32, #tpu.memory_space<hbm>>
      %dma_start3A_455 = arith.constant 0 : i32
      %dma_start3A_456 = tpu.memref_slice %arg4[%add3A_432, %dma_start3A_455] : memref<49152x128xf32, #tpu.memory_space<hbm>> -> memref<256x128xf32, #tpu.memory_space<hbm>>
      tpu.enqueue_dma source(%arg6 : memref<256x128xf32, #tpu.memory_space<vmem>>) target(%dma_start3A_456 : memref<256x128xf32, #tpu.memory_space<hbm>>) target_semaphore(%run_scoped3A : memref<!tpu.dma_semaphore, #tpu.memory_space<semaphore_mem>>)
      %dma_wait3A_457 = arith.constant 0 : i32
      %dma_wait3A_458 = tpu.memref_slice %arg4[%add3A_432, %dma_wait3A_457] : memref<49152x128xf32, #tpu.memory_space<hbm>> -> memref<256x128xf32, #tpu.memory_space<hbm>>
      %dma_wait3A_459 = arith.constant 0 : i32
      %dma_wait3A_460 = tpu.memref_slice %arg4[%add3A_432, %dma_wait3A_459] : memref<49152x128xf32, #tpu.memory_space<hbm>> -> memref<256x128xf32, #tpu.memory_space<hbm>>
      tpu.wait_dma2 semaphore(%run_scoped3A : memref<!tpu.dma_semaphore, #tpu.memory_space<semaphore_mem>>) src(%arg6 : memref<256x128xf32, #tpu.memory_space<vmem>>) dst(%dma_wait3A_460 : memref<256x128xf32, #tpu.memory_space<hbm>>)
      tpu.yield
    }) : () -> ()
    %dma_wait3A_433 = arith.constant 1024 : i32
    %dma_wait3A_434 = tpu.memref_slice %arg5[%dma_wait3A_433] : memref<1536xi32, #tpu.memory_space<vmem>> -> memref<256xi32, #tpu.memory_space<vmem>>
    %dma_wait3A_435 = arith.constant 0 : i32
    %dma_wait3A_436 = arith.constant 0 : i32
    %dma_wait3A_437 = tpu.memref_slice %arg2[%dma_wait3A_435, %dma_wait3A_436] : memref<100000x128xf32, #tpu.memory_space<hbm>> -> memref<100000x128xf32, #tpu.memory_space<hbm>>
    tpu.wait_indirect_dma semaphore(%arg10 : memref<!tpu.dma_semaphore, #tpu.memory_space<semaphore_mem>>) src(%dma_wait3A_437 : memref<100000x128xf32, #tpu.memory_space<hbm>>) dst(%arg7 : memref<256x128xf32, #tpu.memory_space<vmem>>)
    %mul3A_438 = arith.constant 8192 : i32
    %mul3A_439 = arith.muli %select_n3A_233, %mul3A_438 : i32
    %mul3A_440 = arith.constant 256 : i32
    %mul3A_441 = arith.muli %select_n3A_249, %mul3A_440 : i32
    %add3A_442 = arith.addi %mul3A_439, %mul3A_441 : i32
    "tpu.region"() ({
      %run_scoped3A = tpu.sem_alloc : memref<!tpu.dma_semaphore, #tpu.memory_space<semaphore_mem>>
      %dma_start3A_453 = arith.constant 0 : i32
      %dma_start3A_454 = tpu.memref_slice %arg4[%add3A_442, %dma_start3A_453] : memref<49152x128xf32, #tpu.memory_space<hbm>> -> memref<256x128xf32, #tpu.memory_space<hbm>>
      %dma_start3A_455 = arith.constant 0 : i32
      %dma_start3A_456 = tpu.memref_slice %arg4[%add3A_442, %dma_start3A_455] : memref<49152x128xf32, #tpu.memory_space<hbm>> -> memref<256x128xf32, #tpu.memory_space<hbm>>
      tpu.enqueue_dma source(%arg7 : memref<256x128xf32, #tpu.memory_space<vmem>>) target(%dma_start3A_456 : memref<256x128xf32, #tpu.memory_space<hbm>>) target_semaphore(%run_scoped3A : memref<!tpu.dma_semaphore, #tpu.memory_space<semaphore_mem>>)
      %dma_wait3A_457 = arith.constant 0 : i32
      %dma_wait3A_458 = tpu.memref_slice %arg4[%add3A_442, %dma_wait3A_457] : memref<49152x128xf32, #tpu.memory_space<hbm>> -> memref<256x128xf32, #tpu.memory_space<hbm>>
      %dma_wait3A_459 = arith.constant 0 : i32
      %dma_wait3A_460 = tpu.memref_slice %arg4[%add3A_442, %dma_wait3A_459] : memref<49152x128xf32, #tpu.memory_space<hbm>> -> memref<256x128xf32, #tpu.memory_space<hbm>>
      tpu.wait_dma2 semaphore(%run_scoped3A : memref<!tpu.dma_semaphore, #tpu.memory_space<semaphore_mem>>) src(%arg7 : memref<256x128xf32, #tpu.memory_space<vmem>>) dst(%dma_wait3A_460 : memref<256x128xf32, #tpu.memory_space<hbm>>)
      tpu.yield
    }) : () -> ()
    %dma_wait3A_443 = arith.constant 1280 : i32
    %dma_wait3A_444 = tpu.memref_slice %arg5[%dma_wait3A_443] : memref<1536xi32, #tpu.memory_space<vmem>> -> memref<256xi32, #tpu.memory_space<vmem>>
    %dma_wait3A_445 = arith.constant 0 : i32
    %dma_wait3A_446 = arith.constant 0 : i32
    %dma_wait3A_447 = tpu.memref_slice %arg2[%dma_wait3A_445, %dma_wait3A_446] : memref<100000x128xf32, #tpu.memory_space<hbm>> -> memref<100000x128xf32, #tpu.memory_space<hbm>>
    tpu.wait_indirect_dma semaphore(%arg11 : memref<!tpu.dma_semaphore, #tpu.memory_space<semaphore_mem>>) src(%dma_wait3A_447 : memref<100000x128xf32, #tpu.memory_space<hbm>>) dst(%arg8 : memref<256x128xf32, #tpu.memory_space<vmem>>)
    %mul3A_448 = arith.constant 8192 : i32
    %mul3A_449 = arith.muli %select_n3A_287, %mul3A_448 : i32
    %mul3A_450 = arith.constant 256 : i32
    %mul3A_451 = arith.muli %select_n3A_303, %mul3A_450 : i32
    %add3A_452 = arith.addi %mul3A_449, %mul3A_451 : i32
    "tpu.region"() ({
      %run_scoped3A = tpu.sem_alloc : memref<!tpu.dma_semaphore, #tpu.memory_space<semaphore_mem>>
      %dma_start3A_453 = arith.constant 0 : i32
      %dma_start3A_454 = tpu.memref_slice %arg4[%add3A_452, %dma_start3A_453] : memref<49152x128xf32, #tpu.memory_space<hbm>> -> memref<256x128xf32, #tpu.memory_space<hbm>>
      %dma_start3A_455 = arith.constant 0 : i32
      %dma_start3A_456 = tpu.memref_slice %arg4[%add3A_452, %dma_start3A_455] : memref<49152x128xf32, #tpu.memory_space<hbm>> -> memref<256x128xf32, #tpu.memory_space<hbm>>
      tpu.enqueue_dma source(%arg8 : memref<256x128xf32, #tpu.memory_space<vmem>>) target(%dma_start3A_456 : memref<256x128xf32, #tpu.memory_space<hbm>>) target_semaphore(%run_scoped3A : memref<!tpu.dma_semaphore, #tpu.memory_space<semaphore_mem>>)
      %dma_wait3A_457 = arith.constant 0 : i32
      %dma_wait3A_458 = tpu.memref_slice %arg4[%add3A_452, %dma_wait3A_457] : memref<49152x128xf32, #tpu.memory_space<hbm>> -> memref<256x128xf32, #tpu.memory_space<hbm>>
      %dma_wait3A_459 = arith.constant 0 : i32
      %dma_wait3A_460 = tpu.memref_slice %arg4[%add3A_452, %dma_wait3A_459] : memref<49152x128xf32, #tpu.memory_space<hbm>> -> memref<256x128xf32, #tpu.memory_space<hbm>>
      tpu.wait_dma2 semaphore(%run_scoped3A : memref<!tpu.dma_semaphore, #tpu.memory_space<semaphore_mem>>) src(%arg8 : memref<256x128xf32, #tpu.memory_space<vmem>>) dst(%dma_wait3A_460 : memref<256x128xf32, #tpu.memory_space<hbm>>)
      tpu.yield
    }) : () -> ()
    return
  }
}

#map = affine_map<(d0, d1) -> (0, 0)>
module attributes {stable_mosaic.version = 14 : i64} {
  func.func @_gather_body(%arg0: i32, %arg1: i32, %arg2: memref<100000x128xf32, #tpu.memory_space<hbm>>, %arg3: memref<6x16384xi32, #tpu.memory_space<hbm>>, %arg4: memref<24576x128xf32, #tpu.memory_space<hbm>>, %arg5: memref<768xi32, #tpu.memory_space<vmem>>, %arg6: memref<256x128xf32, #tpu.memory_space<vmem>>, %arg7: memref<256x128xf32, #tpu.memory_space<vmem>>, %arg8: memref<256x128xf32, #tpu.memory_space<vmem>>, %arg9: memref<!tpu.dma_semaphore, #tpu.memory_space<semaphore_mem>>, %arg10: memref<!tpu.dma_semaphore, #tpu.memory_space<semaphore_mem>>, %arg11: memref<!tpu.dma_semaphore, #tpu.memory_space<semaphore_mem>>, %arg12: memref<!tpu.dma_semaphore, #tpu.memory_space<semaphore_mem>>) attributes {dimension_semantics = [#tpu.dimension_semantics<core_parallel>, #tpu.dimension_semantics<subcore_parallel>], iteration_bounds = array<i64: 2, 16>, scalar_prefetch = 0 : i64, scratch_operands = 8 : i64, tpu.core_type = #tpu.core_type<sc_vector_subcore>, window_params = [{transform_indices = #map}, {transform_indices = #map}, {transform_indices = #map}]} {
    %mul3A = arith.constant 2 : i32
    %mul3A_0 = arith.muli %arg1, %mul3A : i32
    %add3A = arith.addi %mul3A_0, %arg0 : i32
    %mul3A_1 = arith.constant 3 : i32
    %mul3A_2 = arith.muli %add3A, %mul3A_1 : i32
    %add3A_3 = arith.constant 0 : i32
    %add3A_4 = arith.addi %mul3A_2, %add3A_3 : i32
    %jit3A = arith.constant 16 : i32
    %div3A = arith.divsi %add3A_4, %jit3A : i32
    %sign3A = arith.constant 0 : i32
    %sign3A_5 = arith.cmpi sgt, %add3A_4, %sign3A : i32
    %sign3A_6 = arith.extui %sign3A_5 : i1 to i32
    %sign3A_7 = arith.constant 0 : i32
    %sign3A_8 = arith.cmpi slt, %add3A_4, %sign3A_7 : i32
    %sign3A_9 = arith.extui %sign3A_8 : i1 to i32
    %sign3A_10 = arith.subi %sign3A_6, %sign3A_9 : i32
    %sign3A_11 = arith.constant 0 : i32
    %sign3A_12 = arith.cmpi sgt, %jit3A, %sign3A_11 : i32
    %sign3A_13 = arith.extui %sign3A_12 : i1 to i32
    %sign3A_14 = arith.constant 0 : i32
    %sign3A_15 = arith.cmpi slt, %jit3A, %sign3A_14 : i32
    %sign3A_16 = arith.extui %sign3A_15 : i1 to i32
    %sign3A_17 = arith.subi %sign3A_13, %sign3A_16 : i32
    %ne3A = arith.cmpi ne, %sign3A_10, %sign3A_17 : i32
    %rem3A = arith.remsi %add3A_4, %jit3A : i32
    %ne3A_18 = arith.constant 0 : i32
    %ne3A_19 = arith.cmpi ne, %rem3A, %ne3A_18 : i32
    %and3A = arith.andi %ne3A, %ne3A_19 : i1
    %sub3A = arith.constant 1 : i32
    %sub3A_20 = arith.subi %div3A, %sub3A : i32
    %select_n3A = arith.select %and3A, %sub3A_20, %div3A : i32
    %jit3A_21 = arith.constant 16 : i32
    %eq3A = arith.constant 0 : i32
    %eq3A_22 = arith.cmpi eq, %jit3A_21, %eq3A : i32
    %jit3A_23 = arith.constant 1 : i32
    %select_n3A_24 = arith.select %eq3A_22, %jit3A_23, %jit3A_21 : i32
    %rem3A_25 = arith.remsi %add3A_4, %select_n3A_24 : i32
    %ne3A_26 = arith.constant 0 : i32
    %ne3A_27 = arith.cmpi ne, %rem3A_25, %ne3A_26 : i32
    %lt3A = arith.constant 0 : i32
    %lt3A_28 = arith.cmpi slt, %rem3A_25, %lt3A : i32
    %lt3A_29 = arith.constant 0 : i32
    %lt3A_30 = arith.cmpi slt, %select_n3A_24, %lt3A_29 : i32
    %ne3A_31 = arith.xori %lt3A_28, %lt3A_30 : i1
    %and3A_32 = arith.andi %ne3A_31, %ne3A_27 : i1
    %add3A_33 = arith.addi %rem3A_25, %select_n3A_24 : i32
    %select_n3A_34 = arith.select %and3A_32, %add3A_33, %rem3A_25 : i32
    %mul3A_35 = arith.constant 256 : i32
    %mul3A_36 = arith.muli %select_n3A_34, %mul3A_35 : i32
    %add3A_37 = arith.constant 12288 : i32
    %add3A_38 = arith.addi %add3A_37, %mul3A_36 : i32
    %dma_start3A = arith.constant 0 : i32
    %dma_start3A_39 = tpu.memref_slice %arg5[%dma_start3A] : memref<768xi32, #tpu.memory_space<vmem>> -> memref<256xi32, #tpu.memory_space<vmem>>
    %dma_start3A_40 = tpu.memref_slice %arg3[%select_n3A, %add3A_38] : memref<6x16384xi32, #tpu.memory_space<hbm>> -> memref<1x256xi32, #tpu.memory_space<hbm>>
    %dma_start3A_41 = tpu.memref_squeeze %dma_start3A_40 : memref<1x256xi32, #tpu.memory_space<hbm>> -> memref<256xi32, #tpu.memory_space<hbm>>
    %dma_start3A_42 = arith.constant 0 : i32
    %dma_start3A_43 = tpu.memref_slice %arg5[%dma_start3A_42] : memref<768xi32, #tpu.memory_space<vmem>> -> memref<256xi32, #tpu.memory_space<vmem>>
    %dma_start3A_44 = tpu.memref_slice %arg3[%select_n3A, %add3A_38] : memref<6x16384xi32, #tpu.memory_space<hbm>> -> memref<1x256xi32, #tpu.memory_space<hbm>>
    %dma_start3A_45 = tpu.memref_squeeze %dma_start3A_44 : memref<1x256xi32, #tpu.memory_space<hbm>> -> memref<256xi32, #tpu.memory_space<hbm>>
    tpu.enqueue_dma source(%dma_start3A_45 : memref<256xi32, #tpu.memory_space<hbm>>) target(%dma_start3A_43 : memref<256xi32, #tpu.memory_space<vmem>>) target_semaphore(%arg12 : memref<!tpu.dma_semaphore, #tpu.memory_space<semaphore_mem>>)
    %add3A_46 = arith.constant 1 : i32
    %add3A_47 = arith.addi %mul3A_2, %add3A_46 : i32
    %jit3A_48 = arith.constant 16 : i32
    %div3A_49 = arith.divsi %add3A_47, %jit3A_48 : i32
    %sign3A_50 = arith.constant 0 : i32
    %sign3A_51 = arith.cmpi sgt, %add3A_47, %sign3A_50 : i32
    %sign3A_52 = arith.extui %sign3A_51 : i1 to i32
    %sign3A_53 = arith.constant 0 : i32
    %sign3A_54 = arith.cmpi slt, %add3A_47, %sign3A_53 : i32
    %sign3A_55 = arith.extui %sign3A_54 : i1 to i32
    %sign3A_56 = arith.subi %sign3A_52, %sign3A_55 : i32
    %sign3A_57 = arith.constant 0 : i32
    %sign3A_58 = arith.cmpi sgt, %jit3A_48, %sign3A_57 : i32
    %sign3A_59 = arith.extui %sign3A_58 : i1 to i32
    %sign3A_60 = arith.constant 0 : i32
    %sign3A_61 = arith.cmpi slt, %jit3A_48, %sign3A_60 : i32
    %sign3A_62 = arith.extui %sign3A_61 : i1 to i32
    %sign3A_63 = arith.subi %sign3A_59, %sign3A_62 : i32
    %ne3A_64 = arith.cmpi ne, %sign3A_56, %sign3A_63 : i32
    %rem3A_65 = arith.remsi %add3A_47, %jit3A_48 : i32
    %ne3A_66 = arith.constant 0 : i32
    %ne3A_67 = arith.cmpi ne, %rem3A_65, %ne3A_66 : i32
    %and3A_68 = arith.andi %ne3A_64, %ne3A_67 : i1
    %sub3A_69 = arith.constant 1 : i32
    %sub3A_70 = arith.subi %div3A_49, %sub3A_69 : i32
    %select_n3A_71 = arith.select %and3A_68, %sub3A_70, %div3A_49 : i32
    %jit3A_72 = arith.constant 16 : i32
    %eq3A_73 = arith.constant 0 : i32
    %eq3A_74 = arith.cmpi eq, %jit3A_72, %eq3A_73 : i32
    %jit3A_75 = arith.constant 1 : i32
    %select_n3A_76 = arith.select %eq3A_74, %jit3A_75, %jit3A_72 : i32
    %rem3A_77 = arith.remsi %add3A_47, %select_n3A_76 : i32
    %ne3A_78 = arith.constant 0 : i32
    %ne3A_79 = arith.cmpi ne, %rem3A_77, %ne3A_78 : i32
    %lt3A_80 = arith.constant 0 : i32
    %lt3A_81 = arith.cmpi slt, %rem3A_77, %lt3A_80 : i32
    %lt3A_82 = arith.constant 0 : i32
    %lt3A_83 = arith.cmpi slt, %select_n3A_76, %lt3A_82 : i32
    %ne3A_84 = arith.xori %lt3A_81, %lt3A_83 : i1
    %and3A_85 = arith.andi %ne3A_84, %ne3A_79 : i1
    %add3A_86 = arith.addi %rem3A_77, %select_n3A_76 : i32
    %select_n3A_87 = arith.select %and3A_85, %add3A_86, %rem3A_77 : i32
    %mul3A_88 = arith.constant 256 : i32
    %mul3A_89 = arith.muli %select_n3A_87, %mul3A_88 : i32
    %add3A_90 = arith.constant 12288 : i32
    %add3A_91 = arith.addi %add3A_90, %mul3A_89 : i32
    %dma_start3A_92 = arith.constant 256 : i32
    %dma_start3A_93 = tpu.memref_slice %arg5[%dma_start3A_92] : memref<768xi32, #tpu.memory_space<vmem>> -> memref<256xi32, #tpu.memory_space<vmem>>
    %dma_start3A_94 = tpu.memref_slice %arg3[%select_n3A_71, %add3A_91] : memref<6x16384xi32, #tpu.memory_space<hbm>> -> memref<1x256xi32, #tpu.memory_space<hbm>>
    %dma_start3A_95 = tpu.memref_squeeze %dma_start3A_94 : memref<1x256xi32, #tpu.memory_space<hbm>> -> memref<256xi32, #tpu.memory_space<hbm>>
    %dma_start3A_96 = arith.constant 256 : i32
    %dma_start3A_97 = tpu.memref_slice %arg5[%dma_start3A_96] : memref<768xi32, #tpu.memory_space<vmem>> -> memref<256xi32, #tpu.memory_space<vmem>>
    %dma_start3A_98 = tpu.memref_slice %arg3[%select_n3A_71, %add3A_91] : memref<6x16384xi32, #tpu.memory_space<hbm>> -> memref<1x256xi32, #tpu.memory_space<hbm>>
    %dma_start3A_99 = tpu.memref_squeeze %dma_start3A_98 : memref<1x256xi32, #tpu.memory_space<hbm>> -> memref<256xi32, #tpu.memory_space<hbm>>
    tpu.enqueue_dma source(%dma_start3A_99 : memref<256xi32, #tpu.memory_space<hbm>>) target(%dma_start3A_97 : memref<256xi32, #tpu.memory_space<vmem>>) target_semaphore(%arg12 : memref<!tpu.dma_semaphore, #tpu.memory_space<semaphore_mem>>)
    %add3A_100 = arith.constant 2 : i32
    %add3A_101 = arith.addi %mul3A_2, %add3A_100 : i32
    %jit3A_102 = arith.constant 16 : i32
    %div3A_103 = arith.divsi %add3A_101, %jit3A_102 : i32
    %sign3A_104 = arith.constant 0 : i32
    %sign3A_105 = arith.cmpi sgt, %add3A_101, %sign3A_104 : i32
    %sign3A_106 = arith.extui %sign3A_105 : i1 to i32
    %sign3A_107 = arith.constant 0 : i32
    %sign3A_108 = arith.cmpi slt, %add3A_101, %sign3A_107 : i32
    %sign3A_109 = arith.extui %sign3A_108 : i1 to i32
    %sign3A_110 = arith.subi %sign3A_106, %sign3A_109 : i32
    %sign3A_111 = arith.constant 0 : i32
    %sign3A_112 = arith.cmpi sgt, %jit3A_102, %sign3A_111 : i32
    %sign3A_113 = arith.extui %sign3A_112 : i1 to i32
    %sign3A_114 = arith.constant 0 : i32
    %sign3A_115 = arith.cmpi slt, %jit3A_102, %sign3A_114 : i32
    %sign3A_116 = arith.extui %sign3A_115 : i1 to i32
    %sign3A_117 = arith.subi %sign3A_113, %sign3A_116 : i32
    %ne3A_118 = arith.cmpi ne, %sign3A_110, %sign3A_117 : i32
    %rem3A_119 = arith.remsi %add3A_101, %jit3A_102 : i32
    %ne3A_120 = arith.constant 0 : i32
    %ne3A_121 = arith.cmpi ne, %rem3A_119, %ne3A_120 : i32
    %and3A_122 = arith.andi %ne3A_118, %ne3A_121 : i1
    %sub3A_123 = arith.constant 1 : i32
    %sub3A_124 = arith.subi %div3A_103, %sub3A_123 : i32
    %select_n3A_125 = arith.select %and3A_122, %sub3A_124, %div3A_103 : i32
    %jit3A_126 = arith.constant 16 : i32
    %eq3A_127 = arith.constant 0 : i32
    %eq3A_128 = arith.cmpi eq, %jit3A_126, %eq3A_127 : i32
    %jit3A_129 = arith.constant 1 : i32
    %select_n3A_130 = arith.select %eq3A_128, %jit3A_129, %jit3A_126 : i32
    %rem3A_131 = arith.remsi %add3A_101, %select_n3A_130 : i32
    %ne3A_132 = arith.constant 0 : i32
    %ne3A_133 = arith.cmpi ne, %rem3A_131, %ne3A_132 : i32
    %lt3A_134 = arith.constant 0 : i32
    %lt3A_135 = arith.cmpi slt, %rem3A_131, %lt3A_134 : i32
    %lt3A_136 = arith.constant 0 : i32
    %lt3A_137 = arith.cmpi slt, %select_n3A_130, %lt3A_136 : i32
    %ne3A_138 = arith.xori %lt3A_135, %lt3A_137 : i1
    %and3A_139 = arith.andi %ne3A_138, %ne3A_133 : i1
    %add3A_140 = arith.addi %rem3A_131, %select_n3A_130 : i32
    %select_n3A_141 = arith.select %and3A_139, %add3A_140, %rem3A_131 : i32
    %mul3A_142 = arith.constant 256 : i32
    %mul3A_143 = arith.muli %select_n3A_141, %mul3A_142 : i32
    %add3A_144 = arith.constant 12288 : i32
    %add3A_145 = arith.addi %add3A_144, %mul3A_143 : i32
    %dma_start3A_146 = arith.constant 512 : i32
    %dma_start3A_147 = tpu.memref_slice %arg5[%dma_start3A_146] : memref<768xi32, #tpu.memory_space<vmem>> -> memref<256xi32, #tpu.memory_space<vmem>>
    %dma_start3A_148 = tpu.memref_slice %arg3[%select_n3A_125, %add3A_145] : memref<6x16384xi32, #tpu.memory_space<hbm>> -> memref<1x256xi32, #tpu.memory_space<hbm>>
    %dma_start3A_149 = tpu.memref_squeeze %dma_start3A_148 : memref<1x256xi32, #tpu.memory_space<hbm>> -> memref<256xi32, #tpu.memory_space<hbm>>
    %dma_start3A_150 = arith.constant 512 : i32
    %dma_start3A_151 = tpu.memref_slice %arg5[%dma_start3A_150] : memref<768xi32, #tpu.memory_space<vmem>> -> memref<256xi32, #tpu.memory_space<vmem>>
    %dma_start3A_152 = tpu.memref_slice %arg3[%select_n3A_125, %add3A_145] : memref<6x16384xi32, #tpu.memory_space<hbm>> -> memref<1x256xi32, #tpu.memory_space<hbm>>
    %dma_start3A_153 = tpu.memref_squeeze %dma_start3A_152 : memref<1x256xi32, #tpu.memory_space<hbm>> -> memref<256xi32, #tpu.memory_space<hbm>>
    tpu.enqueue_dma source(%dma_start3A_153 : memref<256xi32, #tpu.memory_space<hbm>>) target(%dma_start3A_151 : memref<256xi32, #tpu.memory_space<vmem>>) target_semaphore(%arg12 : memref<!tpu.dma_semaphore, #tpu.memory_space<semaphore_mem>>)
    %dma_wait3A = arith.constant 0 : i32
    %dma_wait3A_154 = tpu.memref_slice %arg5[%dma_wait3A] : memref<768xi32, #tpu.memory_space<vmem>> -> memref<256xi32, #tpu.memory_space<vmem>>
    %dma_wait3A_155 = tpu.memref_slice %arg3[%select_n3A, %add3A_38] : memref<6x16384xi32, #tpu.memory_space<hbm>> -> memref<1x256xi32, #tpu.memory_space<hbm>>
    %dma_wait3A_156 = tpu.memref_squeeze %dma_wait3A_155 : memref<1x256xi32, #tpu.memory_space<hbm>> -> memref<256xi32, #tpu.memory_space<hbm>>
    %dma_wait3A_157 = arith.constant 0 : i32
    %dma_wait3A_158 = tpu.memref_slice %arg5[%dma_wait3A_157] : memref<768xi32, #tpu.memory_space<vmem>> -> memref<256xi32, #tpu.memory_space<vmem>>
    %dma_wait3A_159 = tpu.memref_slice %arg3[%select_n3A, %add3A_38] : memref<6x16384xi32, #tpu.memory_space<hbm>> -> memref<1x256xi32, #tpu.memory_space<hbm>>
    %dma_wait3A_160 = tpu.memref_squeeze %dma_wait3A_159 : memref<1x256xi32, #tpu.memory_space<hbm>> -> memref<256xi32, #tpu.memory_space<hbm>>
    tpu.wait_dma2 semaphore(%arg12 : memref<!tpu.dma_semaphore, #tpu.memory_space<semaphore_mem>>) src(%dma_wait3A_160 : memref<256xi32, #tpu.memory_space<hbm>>) dst(%dma_wait3A_158 : memref<256xi32, #tpu.memory_space<vmem>>)
    %dma_wait3A_161 = arith.constant 256 : i32
    %dma_wait3A_162 = tpu.memref_slice %arg5[%dma_wait3A_161] : memref<768xi32, #tpu.memory_space<vmem>> -> memref<256xi32, #tpu.memory_space<vmem>>
    %dma_wait3A_163 = tpu.memref_slice %arg3[%select_n3A_71, %add3A_91] : memref<6x16384xi32, #tpu.memory_space<hbm>> -> memref<1x256xi32, #tpu.memory_space<hbm>>
    %dma_wait3A_164 = tpu.memref_squeeze %dma_wait3A_163 : memref<1x256xi32, #tpu.memory_space<hbm>> -> memref<256xi32, #tpu.memory_space<hbm>>
    %dma_wait3A_165 = arith.constant 256 : i32
    %dma_wait3A_166 = tpu.memref_slice %arg5[%dma_wait3A_165] : memref<768xi32, #tpu.memory_space<vmem>> -> memref<256xi32, #tpu.memory_space<vmem>>
    %dma_wait3A_167 = tpu.memref_slice %arg3[%select_n3A_71, %add3A_91] : memref<6x16384xi32, #tpu.memory_space<hbm>> -> memref<1x256xi32, #tpu.memory_space<hbm>>
    %dma_wait3A_168 = tpu.memref_squeeze %dma_wait3A_167 : memref<1x256xi32, #tpu.memory_space<hbm>> -> memref<256xi32, #tpu.memory_space<hbm>>
    tpu.wait_dma2 semaphore(%arg12 : memref<!tpu.dma_semaphore, #tpu.memory_space<semaphore_mem>>) src(%dma_wait3A_168 : memref<256xi32, #tpu.memory_space<hbm>>) dst(%dma_wait3A_166 : memref<256xi32, #tpu.memory_space<vmem>>)
    %dma_wait3A_169 = arith.constant 512 : i32
    %dma_wait3A_170 = tpu.memref_slice %arg5[%dma_wait3A_169] : memref<768xi32, #tpu.memory_space<vmem>> -> memref<256xi32, #tpu.memory_space<vmem>>
    %dma_wait3A_171 = tpu.memref_slice %arg3[%select_n3A_125, %add3A_145] : memref<6x16384xi32, #tpu.memory_space<hbm>> -> memref<1x256xi32, #tpu.memory_space<hbm>>
    %dma_wait3A_172 = tpu.memref_squeeze %dma_wait3A_171 : memref<1x256xi32, #tpu.memory_space<hbm>> -> memref<256xi32, #tpu.memory_space<hbm>>
    %dma_wait3A_173 = arith.constant 512 : i32
    %dma_wait3A_174 = tpu.memref_slice %arg5[%dma_wait3A_173] : memref<768xi32, #tpu.memory_space<vmem>> -> memref<256xi32, #tpu.memory_space<vmem>>
    %dma_wait3A_175 = tpu.memref_slice %arg3[%select_n3A_125, %add3A_145] : memref<6x16384xi32, #tpu.memory_space<hbm>> -> memref<1x256xi32, #tpu.memory_space<hbm>>
    %dma_wait3A_176 = tpu.memref_squeeze %dma_wait3A_175 : memref<1x256xi32, #tpu.memory_space<hbm>> -> memref<256xi32, #tpu.memory_space<hbm>>
    tpu.wait_dma2 semaphore(%arg12 : memref<!tpu.dma_semaphore, #tpu.memory_space<semaphore_mem>>) src(%dma_wait3A_176 : memref<256xi32, #tpu.memory_space<hbm>>) dst(%dma_wait3A_174 : memref<256xi32, #tpu.memory_space<vmem>>)
    %dma_start3A_177 = arith.constant 0 : i32
    %dma_start3A_178 = tpu.memref_slice %arg5[%dma_start3A_177] : memref<768xi32, #tpu.memory_space<vmem>> -> memref<256xi32, #tpu.memory_space<vmem>>
    %dma_start3A_179 = arith.constant 0 : i32
    %dma_start3A_180 = arith.constant 0 : i32
    %dma_start3A_181 = tpu.memref_slice %arg2[%dma_start3A_179, %dma_start3A_180] : memref<100000x128xf32, #tpu.memory_space<hbm>> -> memref<100000x128xf32, #tpu.memory_space<hbm>>
    tpu.enqueue_indirect_dma source(%dma_start3A_181 : memref<100000x128xf32, #tpu.memory_space<hbm>>) target(%arg6 : memref<256x128xf32, #tpu.memory_space<vmem>>) offsets(%dma_start3A_178 : memref<256xi32, #tpu.memory_space<vmem>>) semaphore(%arg9 : memref<!tpu.dma_semaphore, #tpu.memory_space<semaphore_mem>>)
    %dma_start3A_182 = arith.constant 256 : i32
    %dma_start3A_183 = tpu.memref_slice %arg5[%dma_start3A_182] : memref<768xi32, #tpu.memory_space<vmem>> -> memref<256xi32, #tpu.memory_space<vmem>>
    %dma_start3A_184 = arith.constant 0 : i32
    %dma_start3A_185 = arith.constant 0 : i32
    %dma_start3A_186 = tpu.memref_slice %arg2[%dma_start3A_184, %dma_start3A_185] : memref<100000x128xf32, #tpu.memory_space<hbm>> -> memref<100000x128xf32, #tpu.memory_space<hbm>>
    tpu.enqueue_indirect_dma source(%dma_start3A_186 : memref<100000x128xf32, #tpu.memory_space<hbm>>) target(%arg7 : memref<256x128xf32, #tpu.memory_space<vmem>>) offsets(%dma_start3A_183 : memref<256xi32, #tpu.memory_space<vmem>>) semaphore(%arg10 : memref<!tpu.dma_semaphore, #tpu.memory_space<semaphore_mem>>)
    %dma_start3A_187 = arith.constant 512 : i32
    %dma_start3A_188 = tpu.memref_slice %arg5[%dma_start3A_187] : memref<768xi32, #tpu.memory_space<vmem>> -> memref<256xi32, #tpu.memory_space<vmem>>
    %dma_start3A_189 = arith.constant 0 : i32
    %dma_start3A_190 = arith.constant 0 : i32
    %dma_start3A_191 = tpu.memref_slice %arg2[%dma_start3A_189, %dma_start3A_190] : memref<100000x128xf32, #tpu.memory_space<hbm>> -> memref<100000x128xf32, #tpu.memory_space<hbm>>
    tpu.enqueue_indirect_dma source(%dma_start3A_191 : memref<100000x128xf32, #tpu.memory_space<hbm>>) target(%arg8 : memref<256x128xf32, #tpu.memory_space<vmem>>) offsets(%dma_start3A_188 : memref<256xi32, #tpu.memory_space<vmem>>) semaphore(%arg11 : memref<!tpu.dma_semaphore, #tpu.memory_space<semaphore_mem>>)
    %dma_wait3A_192 = arith.constant 0 : i32
    %dma_wait3A_193 = tpu.memref_slice %arg5[%dma_wait3A_192] : memref<768xi32, #tpu.memory_space<vmem>> -> memref<256xi32, #tpu.memory_space<vmem>>
    %dma_wait3A_194 = arith.constant 0 : i32
    %dma_wait3A_195 = arith.constant 0 : i32
    %dma_wait3A_196 = tpu.memref_slice %arg2[%dma_wait3A_194, %dma_wait3A_195] : memref<100000x128xf32, #tpu.memory_space<hbm>> -> memref<100000x128xf32, #tpu.memory_space<hbm>>
    tpu.wait_indirect_dma semaphore(%arg9 : memref<!tpu.dma_semaphore, #tpu.memory_space<semaphore_mem>>) src(%dma_wait3A_196 : memref<100000x128xf32, #tpu.memory_space<hbm>>) dst(%arg6 : memref<256x128xf32, #tpu.memory_space<vmem>>)
    %mul3A_197 = arith.constant 4096 : i32
    %mul3A_198 = arith.muli %select_n3A, %mul3A_197 : i32
    %mul3A_199 = arith.constant 256 : i32
    %mul3A_200 = arith.muli %select_n3A_34, %mul3A_199 : i32
    %add3A_201 = arith.addi %mul3A_198, %mul3A_200 : i32
    "tpu.region"() ({
      %run_scoped3A = tpu.sem_alloc : memref<!tpu.dma_semaphore, #tpu.memory_space<semaphore_mem>>
      %dma_start3A_222 = arith.constant 0 : i32
      %dma_start3A_223 = tpu.memref_slice %arg4[%add3A_201, %dma_start3A_222] : memref<24576x128xf32, #tpu.memory_space<hbm>> -> memref<256x128xf32, #tpu.memory_space<hbm>>
      %dma_start3A_224 = arith.constant 0 : i32
      %dma_start3A_225 = tpu.memref_slice %arg4[%add3A_201, %dma_start3A_224] : memref<24576x128xf32, #tpu.memory_space<hbm>> -> memref<256x128xf32, #tpu.memory_space<hbm>>
      tpu.enqueue_dma source(%arg6 : memref<256x128xf32, #tpu.memory_space<vmem>>) target(%dma_start3A_225 : memref<256x128xf32, #tpu.memory_space<hbm>>) target_semaphore(%run_scoped3A : memref<!tpu.dma_semaphore, #tpu.memory_space<semaphore_mem>>)
      %dma_wait3A_226 = arith.constant 0 : i32
      %dma_wait3A_227 = tpu.memref_slice %arg4[%add3A_201, %dma_wait3A_226] : memref<24576x128xf32, #tpu.memory_space<hbm>> -> memref<256x128xf32, #tpu.memory_space<hbm>>
      %dma_wait3A_228 = arith.constant 0 : i32
      %dma_wait3A_229 = tpu.memref_slice %arg4[%add3A_201, %dma_wait3A_228] : memref<24576x128xf32, #tpu.memory_space<hbm>> -> memref<256x128xf32, #tpu.memory_space<hbm>>
      tpu.wait_dma2 semaphore(%run_scoped3A : memref<!tpu.dma_semaphore, #tpu.memory_space<semaphore_mem>>) src(%arg6 : memref<256x128xf32, #tpu.memory_space<vmem>>) dst(%dma_wait3A_229 : memref<256x128xf32, #tpu.memory_space<hbm>>)
      tpu.yield
    }) : () -> ()
    %dma_wait3A_202 = arith.constant 256 : i32
    %dma_wait3A_203 = tpu.memref_slice %arg5[%dma_wait3A_202] : memref<768xi32, #tpu.memory_space<vmem>> -> memref<256xi32, #tpu.memory_space<vmem>>
    %dma_wait3A_204 = arith.constant 0 : i32
    %dma_wait3A_205 = arith.constant 0 : i32
    %dma_wait3A_206 = tpu.memref_slice %arg2[%dma_wait3A_204, %dma_wait3A_205] : memref<100000x128xf32, #tpu.memory_space<hbm>> -> memref<100000x128xf32, #tpu.memory_space<hbm>>
    tpu.wait_indirect_dma semaphore(%arg10 : memref<!tpu.dma_semaphore, #tpu.memory_space<semaphore_mem>>) src(%dma_wait3A_206 : memref<100000x128xf32, #tpu.memory_space<hbm>>) dst(%arg7 : memref<256x128xf32, #tpu.memory_space<vmem>>)
    %mul3A_207 = arith.constant 4096 : i32
    %mul3A_208 = arith.muli %select_n3A_71, %mul3A_207 : i32
    %mul3A_209 = arith.constant 256 : i32
    %mul3A_210 = arith.muli %select_n3A_87, %mul3A_209 : i32
    %add3A_211 = arith.addi %mul3A_208, %mul3A_210 : i32
    "tpu.region"() ({
      %run_scoped3A = tpu.sem_alloc : memref<!tpu.dma_semaphore, #tpu.memory_space<semaphore_mem>>
      %dma_start3A_222 = arith.constant 0 : i32
      %dma_start3A_223 = tpu.memref_slice %arg4[%add3A_211, %dma_start3A_222] : memref<24576x128xf32, #tpu.memory_space<hbm>> -> memref<256x128xf32, #tpu.memory_space<hbm>>
      %dma_start3A_224 = arith.constant 0 : i32
      %dma_start3A_225 = tpu.memref_slice %arg4[%add3A_211, %dma_start3A_224] : memref<24576x128xf32, #tpu.memory_space<hbm>> -> memref<256x128xf32, #tpu.memory_space<hbm>>
      tpu.enqueue_dma source(%arg7 : memref<256x128xf32, #tpu.memory_space<vmem>>) target(%dma_start3A_225 : memref<256x128xf32, #tpu.memory_space<hbm>>) target_semaphore(%run_scoped3A : memref<!tpu.dma_semaphore, #tpu.memory_space<semaphore_mem>>)
      %dma_wait3A_226 = arith.constant 0 : i32
      %dma_wait3A_227 = tpu.memref_slice %arg4[%add3A_211, %dma_wait3A_226] : memref<24576x128xf32, #tpu.memory_space<hbm>> -> memref<256x128xf32, #tpu.memory_space<hbm>>
      %dma_wait3A_228 = arith.constant 0 : i32
      %dma_wait3A_229 = tpu.memref_slice %arg4[%add3A_211, %dma_wait3A_228] : memref<24576x128xf32, #tpu.memory_space<hbm>> -> memref<256x128xf32, #tpu.memory_space<hbm>>
      tpu.wait_dma2 semaphore(%run_scoped3A : memref<!tpu.dma_semaphore, #tpu.memory_space<semaphore_mem>>) src(%arg7 : memref<256x128xf32, #tpu.memory_space<vmem>>) dst(%dma_wait3A_229 : memref<256x128xf32, #tpu.memory_space<hbm>>)
      tpu.yield
    }) : () -> ()
    %dma_wait3A_212 = arith.constant 512 : i32
    %dma_wait3A_213 = tpu.memref_slice %arg5[%dma_wait3A_212] : memref<768xi32, #tpu.memory_space<vmem>> -> memref<256xi32, #tpu.memory_space<vmem>>
    %dma_wait3A_214 = arith.constant 0 : i32
    %dma_wait3A_215 = arith.constant 0 : i32
    %dma_wait3A_216 = tpu.memref_slice %arg2[%dma_wait3A_214, %dma_wait3A_215] : memref<100000x128xf32, #tpu.memory_space<hbm>> -> memref<100000x128xf32, #tpu.memory_space<hbm>>
    tpu.wait_indirect_dma semaphore(%arg11 : memref<!tpu.dma_semaphore, #tpu.memory_space<semaphore_mem>>) src(%dma_wait3A_216 : memref<100000x128xf32, #tpu.memory_space<hbm>>) dst(%arg8 : memref<256x128xf32, #tpu.memory_space<vmem>>)
    %mul3A_217 = arith.constant 4096 : i32
    %mul3A_218 = arith.muli %select_n3A_125, %mul3A_217 : i32
    %mul3A_219 = arith.constant 256 : i32
    %mul3A_220 = arith.muli %select_n3A_141, %mul3A_219 : i32
    %add3A_221 = arith.addi %mul3A_218, %mul3A_220 : i32
    "tpu.region"() ({
      %run_scoped3A = tpu.sem_alloc : memref<!tpu.dma_semaphore, #tpu.memory_space<semaphore_mem>>
      %dma_start3A_222 = arith.constant 0 : i32
      %dma_start3A_223 = tpu.memref_slice %arg4[%add3A_221, %dma_start3A_222] : memref<24576x128xf32, #tpu.memory_space<hbm>> -> memref<256x128xf32, #tpu.memory_space<hbm>>
      %dma_start3A_224 = arith.constant 0 : i32
      %dma_start3A_225 = tpu.memref_slice %arg4[%add3A_221, %dma_start3A_224] : memref<24576x128xf32, #tpu.memory_space<hbm>> -> memref<256x128xf32, #tpu.memory_space<hbm>>
      tpu.enqueue_dma source(%arg8 : memref<256x128xf32, #tpu.memory_space<vmem>>) target(%dma_start3A_225 : memref<256x128xf32, #tpu.memory_space<hbm>>) target_semaphore(%run_scoped3A : memref<!tpu.dma_semaphore, #tpu.memory_space<semaphore_mem>>)
      %dma_wait3A_226 = arith.constant 0 : i32
      %dma_wait3A_227 = tpu.memref_slice %arg4[%add3A_221, %dma_wait3A_226] : memref<24576x128xf32, #tpu.memory_space<hbm>> -> memref<256x128xf32, #tpu.memory_space<hbm>>
      %dma_wait3A_228 = arith.constant 0 : i32
      %dma_wait3A_229 = tpu.memref_slice %arg4[%add3A_221, %dma_wait3A_228] : memref<24576x128xf32, #tpu.memory_space<hbm>> -> memref<256x128xf32, #tpu.memory_space<hbm>>
      tpu.wait_dma2 semaphore(%run_scoped3A : memref<!tpu.dma_semaphore, #tpu.memory_space<semaphore_mem>>) src(%arg8 : memref<256x128xf32, #tpu.memory_space<vmem>>) dst(%dma_wait3A_229 : memref<256x128xf32, #tpu.memory_space<hbm>>)
      tpu.yield
    }) : () -> ()
    return
  }
}

#map = affine_map<(d0, d1) -> (0, 0)>
module attributes {stable_mosaic.version = 14 : i64} {
  func.func @_gather_body(%arg0: i32, %arg1: i32, %arg2: memref<100000x128xf32, #tpu.memory_space<hbm>>, %arg3: memref<6x16384xi32, #tpu.memory_space<hbm>>, %arg4: memref<24576x128xf32, #tpu.memory_space<hbm>>, %arg5: memref<768xi32, #tpu.memory_space<vmem>>, %arg6: memref<256x128xf32, #tpu.memory_space<vmem>>, %arg7: memref<256x128xf32, #tpu.memory_space<vmem>>, %arg8: memref<256x128xf32, #tpu.memory_space<vmem>>, %arg9: memref<!tpu.dma_semaphore, #tpu.memory_space<semaphore_mem>>, %arg10: memref<!tpu.dma_semaphore, #tpu.memory_space<semaphore_mem>>, %arg11: memref<!tpu.dma_semaphore, #tpu.memory_space<semaphore_mem>>, %arg12: memref<!tpu.dma_semaphore, #tpu.memory_space<semaphore_mem>>) attributes {dimension_semantics = [#tpu.dimension_semantics<core_parallel>, #tpu.dimension_semantics<subcore_parallel>], iteration_bounds = array<i64: 2, 16>, scalar_prefetch = 0 : i64, scratch_operands = 8 : i64, tpu.core_type = #tpu.core_type<sc_vector_subcore>, window_params = [{transform_indices = #map}, {transform_indices = #map}, {transform_indices = #map}]} {
    %mul3A = arith.constant 2 : i32
    %mul3A_0 = arith.muli %arg1, %mul3A : i32
    %add3A = arith.addi %mul3A_0, %arg0 : i32
    %mul3A_1 = arith.constant 3 : i32
    %mul3A_2 = arith.muli %add3A, %mul3A_1 : i32
    %add3A_3 = arith.constant 0 : i32
    %add3A_4 = arith.addi %mul3A_2, %add3A_3 : i32
    %jit3A = arith.constant 16 : i32
    %div3A = arith.divsi %add3A_4, %jit3A : i32
    %sign3A = arith.constant 0 : i32
    %sign3A_5 = arith.cmpi sgt, %add3A_4, %sign3A : i32
    %sign3A_6 = arith.extui %sign3A_5 : i1 to i32
    %sign3A_7 = arith.constant 0 : i32
    %sign3A_8 = arith.cmpi slt, %add3A_4, %sign3A_7 : i32
    %sign3A_9 = arith.extui %sign3A_8 : i1 to i32
    %sign3A_10 = arith.subi %sign3A_6, %sign3A_9 : i32
    %sign3A_11 = arith.constant 0 : i32
    %sign3A_12 = arith.cmpi sgt, %jit3A, %sign3A_11 : i32
    %sign3A_13 = arith.extui %sign3A_12 : i1 to i32
    %sign3A_14 = arith.constant 0 : i32
    %sign3A_15 = arith.cmpi slt, %jit3A, %sign3A_14 : i32
    %sign3A_16 = arith.extui %sign3A_15 : i1 to i32
    %sign3A_17 = arith.subi %sign3A_13, %sign3A_16 : i32
    %ne3A = arith.cmpi ne, %sign3A_10, %sign3A_17 : i32
    %rem3A = arith.remsi %add3A_4, %jit3A : i32
    %ne3A_18 = arith.constant 0 : i32
    %ne3A_19 = arith.cmpi ne, %rem3A, %ne3A_18 : i32
    %and3A = arith.andi %ne3A, %ne3A_19 : i1
    %sub3A = arith.constant 1 : i32
    %sub3A_20 = arith.subi %div3A, %sub3A : i32
    %select_n3A = arith.select %and3A, %sub3A_20, %div3A : i32
    %jit3A_21 = arith.constant 16 : i32
    %eq3A = arith.constant 0 : i32
    %eq3A_22 = arith.cmpi eq, %jit3A_21, %eq3A : i32
    %jit3A_23 = arith.constant 1 : i32
    %select_n3A_24 = arith.select %eq3A_22, %jit3A_23, %jit3A_21 : i32
    %rem3A_25 = arith.remsi %add3A_4, %select_n3A_24 : i32
    %ne3A_26 = arith.constant 0 : i32
    %ne3A_27 = arith.cmpi ne, %rem3A_25, %ne3A_26 : i32
    %lt3A = arith.constant 0 : i32
    %lt3A_28 = arith.cmpi slt, %rem3A_25, %lt3A : i32
    %lt3A_29 = arith.constant 0 : i32
    %lt3A_30 = arith.cmpi slt, %select_n3A_24, %lt3A_29 : i32
    %ne3A_31 = arith.xori %lt3A_28, %lt3A_30 : i1
    %and3A_32 = arith.andi %ne3A_31, %ne3A_27 : i1
    %add3A_33 = arith.addi %rem3A_25, %select_n3A_24 : i32
    %select_n3A_34 = arith.select %and3A_32, %add3A_33, %rem3A_25 : i32
    %mul3A_35 = arith.constant 256 : i32
    %mul3A_36 = arith.muli %select_n3A_34, %mul3A_35 : i32
    %add3A_37 = arith.constant 8192 : i32
    %add3A_38 = arith.addi %add3A_37, %mul3A_36 : i32
    %dma_start3A = arith.constant 0 : i32
    %dma_start3A_39 = tpu.memref_slice %arg5[%dma_start3A] : memref<768xi32, #tpu.memory_space<vmem>> -> memref<256xi32, #tpu.memory_space<vmem>>
    %dma_start3A_40 = tpu.memref_slice %arg3[%select_n3A, %add3A_38] : memref<6x16384xi32, #tpu.memory_space<hbm>> -> memref<1x256xi32, #tpu.memory_space<hbm>>
    %dma_start3A_41 = tpu.memref_squeeze %dma_start3A_40 : memref<1x256xi32, #tpu.memory_space<hbm>> -> memref<256xi32, #tpu.memory_space<hbm>>
    %dma_start3A_42 = arith.constant 0 : i32
    %dma_start3A_43 = tpu.memref_slice %arg5[%dma_start3A_42] : memref<768xi32, #tpu.memory_space<vmem>> -> memref<256xi32, #tpu.memory_space<vmem>>
    %dma_start3A_44 = tpu.memref_slice %arg3[%select_n3A, %add3A_38] : memref<6x16384xi32, #tpu.memory_space<hbm>> -> memref<1x256xi32, #tpu.memory_space<hbm>>
    %dma_start3A_45 = tpu.memref_squeeze %dma_start3A_44 : memref<1x256xi32, #tpu.memory_space<hbm>> -> memref<256xi32, #tpu.memory_space<hbm>>
    tpu.enqueue_dma source(%dma_start3A_45 : memref<256xi32, #tpu.memory_space<hbm>>) target(%dma_start3A_43 : memref<256xi32, #tpu.memory_space<vmem>>) target_semaphore(%arg12 : memref<!tpu.dma_semaphore, #tpu.memory_space<semaphore_mem>>)
    %add3A_46 = arith.constant 1 : i32
    %add3A_47 = arith.addi %mul3A_2, %add3A_46 : i32
    %jit3A_48 = arith.constant 16 : i32
    %div3A_49 = arith.divsi %add3A_47, %jit3A_48 : i32
    %sign3A_50 = arith.constant 0 : i32
    %sign3A_51 = arith.cmpi sgt, %add3A_47, %sign3A_50 : i32
    %sign3A_52 = arith.extui %sign3A_51 : i1 to i32
    %sign3A_53 = arith.constant 0 : i32
    %sign3A_54 = arith.cmpi slt, %add3A_47, %sign3A_53 : i32
    %sign3A_55 = arith.extui %sign3A_54 : i1 to i32
    %sign3A_56 = arith.subi %sign3A_52, %sign3A_55 : i32
    %sign3A_57 = arith.constant 0 : i32
    %sign3A_58 = arith.cmpi sgt, %jit3A_48, %sign3A_57 : i32
    %sign3A_59 = arith.extui %sign3A_58 : i1 to i32
    %sign3A_60 = arith.constant 0 : i32
    %sign3A_61 = arith.cmpi slt, %jit3A_48, %sign3A_60 : i32
    %sign3A_62 = arith.extui %sign3A_61 : i1 to i32
    %sign3A_63 = arith.subi %sign3A_59, %sign3A_62 : i32
    %ne3A_64 = arith.cmpi ne, %sign3A_56, %sign3A_63 : i32
    %rem3A_65 = arith.remsi %add3A_47, %jit3A_48 : i32
    %ne3A_66 = arith.constant 0 : i32
    %ne3A_67 = arith.cmpi ne, %rem3A_65, %ne3A_66 : i32
    %and3A_68 = arith.andi %ne3A_64, %ne3A_67 : i1
    %sub3A_69 = arith.constant 1 : i32
    %sub3A_70 = arith.subi %div3A_49, %sub3A_69 : i32
    %select_n3A_71 = arith.select %and3A_68, %sub3A_70, %div3A_49 : i32
    %jit3A_72 = arith.constant 16 : i32
    %eq3A_73 = arith.constant 0 : i32
    %eq3A_74 = arith.cmpi eq, %jit3A_72, %eq3A_73 : i32
    %jit3A_75 = arith.constant 1 : i32
    %select_n3A_76 = arith.select %eq3A_74, %jit3A_75, %jit3A_72 : i32
    %rem3A_77 = arith.remsi %add3A_47, %select_n3A_76 : i32
    %ne3A_78 = arith.constant 0 : i32
    %ne3A_79 = arith.cmpi ne, %rem3A_77, %ne3A_78 : i32
    %lt3A_80 = arith.constant 0 : i32
    %lt3A_81 = arith.cmpi slt, %rem3A_77, %lt3A_80 : i32
    %lt3A_82 = arith.constant 0 : i32
    %lt3A_83 = arith.cmpi slt, %select_n3A_76, %lt3A_82 : i32
    %ne3A_84 = arith.xori %lt3A_81, %lt3A_83 : i1
    %and3A_85 = arith.andi %ne3A_84, %ne3A_79 : i1
    %add3A_86 = arith.addi %rem3A_77, %select_n3A_76 : i32
    %select_n3A_87 = arith.select %and3A_85, %add3A_86, %rem3A_77 : i32
    %mul3A_88 = arith.constant 256 : i32
    %mul3A_89 = arith.muli %select_n3A_87, %mul3A_88 : i32
    %add3A_90 = arith.constant 8192 : i32
    %add3A_91 = arith.addi %add3A_90, %mul3A_89 : i32
    %dma_start3A_92 = arith.constant 256 : i32
    %dma_start3A_93 = tpu.memref_slice %arg5[%dma_start3A_92] : memref<768xi32, #tpu.memory_space<vmem>> -> memref<256xi32, #tpu.memory_space<vmem>>
    %dma_start3A_94 = tpu.memref_slice %arg3[%select_n3A_71, %add3A_91] : memref<6x16384xi32, #tpu.memory_space<hbm>> -> memref<1x256xi32, #tpu.memory_space<hbm>>
    %dma_start3A_95 = tpu.memref_squeeze %dma_start3A_94 : memref<1x256xi32, #tpu.memory_space<hbm>> -> memref<256xi32, #tpu.memory_space<hbm>>
    %dma_start3A_96 = arith.constant 256 : i32
    %dma_start3A_97 = tpu.memref_slice %arg5[%dma_start3A_96] : memref<768xi32, #tpu.memory_space<vmem>> -> memref<256xi32, #tpu.memory_space<vmem>>
    %dma_start3A_98 = tpu.memref_slice %arg3[%select_n3A_71, %add3A_91] : memref<6x16384xi32, #tpu.memory_space<hbm>> -> memref<1x256xi32, #tpu.memory_space<hbm>>
    %dma_start3A_99 = tpu.memref_squeeze %dma_start3A_98 : memref<1x256xi32, #tpu.memory_space<hbm>> -> memref<256xi32, #tpu.memory_space<hbm>>
    tpu.enqueue_dma source(%dma_start3A_99 : memref<256xi32, #tpu.memory_space<hbm>>) target(%dma_start3A_97 : memref<256xi32, #tpu.memory_space<vmem>>) target_semaphore(%arg12 : memref<!tpu.dma_semaphore, #tpu.memory_space<semaphore_mem>>)
    %add3A_100 = arith.constant 2 : i32
    %add3A_101 = arith.addi %mul3A_2, %add3A_100 : i32
    %jit3A_102 = arith.constant 16 : i32
    %div3A_103 = arith.divsi %add3A_101, %jit3A_102 : i32
    %sign3A_104 = arith.constant 0 : i32
    %sign3A_105 = arith.cmpi sgt, %add3A_101, %sign3A_104 : i32
    %sign3A_106 = arith.extui %sign3A_105 : i1 to i32
    %sign3A_107 = arith.constant 0 : i32
    %sign3A_108 = arith.cmpi slt, %add3A_101, %sign3A_107 : i32
    %sign3A_109 = arith.extui %sign3A_108 : i1 to i32
    %sign3A_110 = arith.subi %sign3A_106, %sign3A_109 : i32
    %sign3A_111 = arith.constant 0 : i32
    %sign3A_112 = arith.cmpi sgt, %jit3A_102, %sign3A_111 : i32
    %sign3A_113 = arith.extui %sign3A_112 : i1 to i32
    %sign3A_114 = arith.constant 0 : i32
    %sign3A_115 = arith.cmpi slt, %jit3A_102, %sign3A_114 : i32
    %sign3A_116 = arith.extui %sign3A_115 : i1 to i32
    %sign3A_117 = arith.subi %sign3A_113, %sign3A_116 : i32
    %ne3A_118 = arith.cmpi ne, %sign3A_110, %sign3A_117 : i32
    %rem3A_119 = arith.remsi %add3A_101, %jit3A_102 : i32
    %ne3A_120 = arith.constant 0 : i32
    %ne3A_121 = arith.cmpi ne, %rem3A_119, %ne3A_120 : i32
    %and3A_122 = arith.andi %ne3A_118, %ne3A_121 : i1
    %sub3A_123 = arith.constant 1 : i32
    %sub3A_124 = arith.subi %div3A_103, %sub3A_123 : i32
    %select_n3A_125 = arith.select %and3A_122, %sub3A_124, %div3A_103 : i32
    %jit3A_126 = arith.constant 16 : i32
    %eq3A_127 = arith.constant 0 : i32
    %eq3A_128 = arith.cmpi eq, %jit3A_126, %eq3A_127 : i32
    %jit3A_129 = arith.constant 1 : i32
    %select_n3A_130 = arith.select %eq3A_128, %jit3A_129, %jit3A_126 : i32
    %rem3A_131 = arith.remsi %add3A_101, %select_n3A_130 : i32
    %ne3A_132 = arith.constant 0 : i32
    %ne3A_133 = arith.cmpi ne, %rem3A_131, %ne3A_132 : i32
    %lt3A_134 = arith.constant 0 : i32
    %lt3A_135 = arith.cmpi slt, %rem3A_131, %lt3A_134 : i32
    %lt3A_136 = arith.constant 0 : i32
    %lt3A_137 = arith.cmpi slt, %select_n3A_130, %lt3A_136 : i32
    %ne3A_138 = arith.xori %lt3A_135, %lt3A_137 : i1
    %and3A_139 = arith.andi %ne3A_138, %ne3A_133 : i1
    %add3A_140 = arith.addi %rem3A_131, %select_n3A_130 : i32
    %select_n3A_141 = arith.select %and3A_139, %add3A_140, %rem3A_131 : i32
    %mul3A_142 = arith.constant 256 : i32
    %mul3A_143 = arith.muli %select_n3A_141, %mul3A_142 : i32
    %add3A_144 = arith.constant 8192 : i32
    %add3A_145 = arith.addi %add3A_144, %mul3A_143 : i32
    %dma_start3A_146 = arith.constant 512 : i32
    %dma_start3A_147 = tpu.memref_slice %arg5[%dma_start3A_146] : memref<768xi32, #tpu.memory_space<vmem>> -> memref<256xi32, #tpu.memory_space<vmem>>
    %dma_start3A_148 = tpu.memref_slice %arg3[%select_n3A_125, %add3A_145] : memref<6x16384xi32, #tpu.memory_space<hbm>> -> memref<1x256xi32, #tpu.memory_space<hbm>>
    %dma_start3A_149 = tpu.memref_squeeze %dma_start3A_148 : memref<1x256xi32, #tpu.memory_space<hbm>> -> memref<256xi32, #tpu.memory_space<hbm>>
    %dma_start3A_150 = arith.constant 512 : i32
    %dma_start3A_151 = tpu.memref_slice %arg5[%dma_start3A_150] : memref<768xi32, #tpu.memory_space<vmem>> -> memref<256xi32, #tpu.memory_space<vmem>>
    %dma_start3A_152 = tpu.memref_slice %arg3[%select_n3A_125, %add3A_145] : memref<6x16384xi32, #tpu.memory_space<hbm>> -> memref<1x256xi32, #tpu.memory_space<hbm>>
    %dma_start3A_153 = tpu.memref_squeeze %dma_start3A_152 : memref<1x256xi32, #tpu.memory_space<hbm>> -> memref<256xi32, #tpu.memory_space<hbm>>
    tpu.enqueue_dma source(%dma_start3A_153 : memref<256xi32, #tpu.memory_space<hbm>>) target(%dma_start3A_151 : memref<256xi32, #tpu.memory_space<vmem>>) target_semaphore(%arg12 : memref<!tpu.dma_semaphore, #tpu.memory_space<semaphore_mem>>)
    %dma_wait3A = arith.constant 0 : i32
    %dma_wait3A_154 = tpu.memref_slice %arg5[%dma_wait3A] : memref<768xi32, #tpu.memory_space<vmem>> -> memref<256xi32, #tpu.memory_space<vmem>>
    %dma_wait3A_155 = tpu.memref_slice %arg3[%select_n3A, %add3A_38] : memref<6x16384xi32, #tpu.memory_space<hbm>> -> memref<1x256xi32, #tpu.memory_space<hbm>>
    %dma_wait3A_156 = tpu.memref_squeeze %dma_wait3A_155 : memref<1x256xi32, #tpu.memory_space<hbm>> -> memref<256xi32, #tpu.memory_space<hbm>>
    %dma_wait3A_157 = arith.constant 0 : i32
    %dma_wait3A_158 = tpu.memref_slice %arg5[%dma_wait3A_157] : memref<768xi32, #tpu.memory_space<vmem>> -> memref<256xi32, #tpu.memory_space<vmem>>
    %dma_wait3A_159 = tpu.memref_slice %arg3[%select_n3A, %add3A_38] : memref<6x16384xi32, #tpu.memory_space<hbm>> -> memref<1x256xi32, #tpu.memory_space<hbm>>
    %dma_wait3A_160 = tpu.memref_squeeze %dma_wait3A_159 : memref<1x256xi32, #tpu.memory_space<hbm>> -> memref<256xi32, #tpu.memory_space<hbm>>
    tpu.wait_dma2 semaphore(%arg12 : memref<!tpu.dma_semaphore, #tpu.memory_space<semaphore_mem>>) src(%dma_wait3A_160 : memref<256xi32, #tpu.memory_space<hbm>>) dst(%dma_wait3A_158 : memref<256xi32, #tpu.memory_space<vmem>>)
    %dma_wait3A_161 = arith.constant 256 : i32
    %dma_wait3A_162 = tpu.memref_slice %arg5[%dma_wait3A_161] : memref<768xi32, #tpu.memory_space<vmem>> -> memref<256xi32, #tpu.memory_space<vmem>>
    %dma_wait3A_163 = tpu.memref_slice %arg3[%select_n3A_71, %add3A_91] : memref<6x16384xi32, #tpu.memory_space<hbm>> -> memref<1x256xi32, #tpu.memory_space<hbm>>
    %dma_wait3A_164 = tpu.memref_squeeze %dma_wait3A_163 : memref<1x256xi32, #tpu.memory_space<hbm>> -> memref<256xi32, #tpu.memory_space<hbm>>
    %dma_wait3A_165 = arith.constant 256 : i32
    %dma_wait3A_166 = tpu.memref_slice %arg5[%dma_wait3A_165] : memref<768xi32, #tpu.memory_space<vmem>> -> memref<256xi32, #tpu.memory_space<vmem>>
    %dma_wait3A_167 = tpu.memref_slice %arg3[%select_n3A_71, %add3A_91] : memref<6x16384xi32, #tpu.memory_space<hbm>> -> memref<1x256xi32, #tpu.memory_space<hbm>>
    %dma_wait3A_168 = tpu.memref_squeeze %dma_wait3A_167 : memref<1x256xi32, #tpu.memory_space<hbm>> -> memref<256xi32, #tpu.memory_space<hbm>>
    tpu.wait_dma2 semaphore(%arg12 : memref<!tpu.dma_semaphore, #tpu.memory_space<semaphore_mem>>) src(%dma_wait3A_168 : memref<256xi32, #tpu.memory_space<hbm>>) dst(%dma_wait3A_166 : memref<256xi32, #tpu.memory_space<vmem>>)
    %dma_wait3A_169 = arith.constant 512 : i32
    %dma_wait3A_170 = tpu.memref_slice %arg5[%dma_wait3A_169] : memref<768xi32, #tpu.memory_space<vmem>> -> memref<256xi32, #tpu.memory_space<vmem>>
    %dma_wait3A_171 = tpu.memref_slice %arg3[%select_n3A_125, %add3A_145] : memref<6x16384xi32, #tpu.memory_space<hbm>> -> memref<1x256xi32, #tpu.memory_space<hbm>>
    %dma_wait3A_172 = tpu.memref_squeeze %dma_wait3A_171 : memref<1x256xi32, #tpu.memory_space<hbm>> -> memref<256xi32, #tpu.memory_space<hbm>>
    %dma_wait3A_173 = arith.constant 512 : i32
    %dma_wait3A_174 = tpu.memref_slice %arg5[%dma_wait3A_173] : memref<768xi32, #tpu.memory_space<vmem>> -> memref<256xi32, #tpu.memory_space<vmem>>
    %dma_wait3A_175 = tpu.memref_slice %arg3[%select_n3A_125, %add3A_145] : memref<6x16384xi32, #tpu.memory_space<hbm>> -> memref<1x256xi32, #tpu.memory_space<hbm>>
    %dma_wait3A_176 = tpu.memref_squeeze %dma_wait3A_175 : memref<1x256xi32, #tpu.memory_space<hbm>> -> memref<256xi32, #tpu.memory_space<hbm>>
    tpu.wait_dma2 semaphore(%arg12 : memref<!tpu.dma_semaphore, #tpu.memory_space<semaphore_mem>>) src(%dma_wait3A_176 : memref<256xi32, #tpu.memory_space<hbm>>) dst(%dma_wait3A_174 : memref<256xi32, #tpu.memory_space<vmem>>)
    %dma_start3A_177 = arith.constant 0 : i32
    %dma_start3A_178 = tpu.memref_slice %arg5[%dma_start3A_177] : memref<768xi32, #tpu.memory_space<vmem>> -> memref<256xi32, #tpu.memory_space<vmem>>
    %dma_start3A_179 = arith.constant 0 : i32
    %dma_start3A_180 = arith.constant 0 : i32
    %dma_start3A_181 = tpu.memref_slice %arg2[%dma_start3A_179, %dma_start3A_180] : memref<100000x128xf32, #tpu.memory_space<hbm>> -> memref<100000x128xf32, #tpu.memory_space<hbm>>
    tpu.enqueue_indirect_dma source(%dma_start3A_181 : memref<100000x128xf32, #tpu.memory_space<hbm>>) target(%arg6 : memref<256x128xf32, #tpu.memory_space<vmem>>) offsets(%dma_start3A_178 : memref<256xi32, #tpu.memory_space<vmem>>) semaphore(%arg9 : memref<!tpu.dma_semaphore, #tpu.memory_space<semaphore_mem>>)
    %dma_start3A_182 = arith.constant 256 : i32
    %dma_start3A_183 = tpu.memref_slice %arg5[%dma_start3A_182] : memref<768xi32, #tpu.memory_space<vmem>> -> memref<256xi32, #tpu.memory_space<vmem>>
    %dma_start3A_184 = arith.constant 0 : i32
    %dma_start3A_185 = arith.constant 0 : i32
    %dma_start3A_186 = tpu.memref_slice %arg2[%dma_start3A_184, %dma_start3A_185] : memref<100000x128xf32, #tpu.memory_space<hbm>> -> memref<100000x128xf32, #tpu.memory_space<hbm>>
    tpu.enqueue_indirect_dma source(%dma_start3A_186 : memref<100000x128xf32, #tpu.memory_space<hbm>>) target(%arg7 : memref<256x128xf32, #tpu.memory_space<vmem>>) offsets(%dma_start3A_183 : memref<256xi32, #tpu.memory_space<vmem>>) semaphore(%arg10 : memref<!tpu.dma_semaphore, #tpu.memory_space<semaphore_mem>>)
    %dma_start3A_187 = arith.constant 512 : i32
    %dma_start3A_188 = tpu.memref_slice %arg5[%dma_start3A_187] : memref<768xi32, #tpu.memory_space<vmem>> -> memref<256xi32, #tpu.memory_space<vmem>>
    %dma_start3A_189 = arith.constant 0 : i32
    %dma_start3A_190 = arith.constant 0 : i32
    %dma_start3A_191 = tpu.memref_slice %arg2[%dma_start3A_189, %dma_start3A_190] : memref<100000x128xf32, #tpu.memory_space<hbm>> -> memref<100000x128xf32, #tpu.memory_space<hbm>>
    tpu.enqueue_indirect_dma source(%dma_start3A_191 : memref<100000x128xf32, #tpu.memory_space<hbm>>) target(%arg8 : memref<256x128xf32, #tpu.memory_space<vmem>>) offsets(%dma_start3A_188 : memref<256xi32, #tpu.memory_space<vmem>>) semaphore(%arg11 : memref<!tpu.dma_semaphore, #tpu.memory_space<semaphore_mem>>)
    %dma_wait3A_192 = arith.constant 0 : i32
    %dma_wait3A_193 = tpu.memref_slice %arg5[%dma_wait3A_192] : memref<768xi32, #tpu.memory_space<vmem>> -> memref<256xi32, #tpu.memory_space<vmem>>
    %dma_wait3A_194 = arith.constant 0 : i32
    %dma_wait3A_195 = arith.constant 0 : i32
    %dma_wait3A_196 = tpu.memref_slice %arg2[%dma_wait3A_194, %dma_wait3A_195] : memref<100000x128xf32, #tpu.memory_space<hbm>> -> memref<100000x128xf32, #tpu.memory_space<hbm>>
    tpu.wait_indirect_dma semaphore(%arg9 : memref<!tpu.dma_semaphore, #tpu.memory_space<semaphore_mem>>) src(%dma_wait3A_196 : memref<100000x128xf32, #tpu.memory_space<hbm>>) dst(%arg6 : memref<256x128xf32, #tpu.memory_space<vmem>>)
    %mul3A_197 = arith.constant 4096 : i32
    %mul3A_198 = arith.muli %select_n3A, %mul3A_197 : i32
    %mul3A_199 = arith.constant 256 : i32
    %mul3A_200 = arith.muli %select_n3A_34, %mul3A_199 : i32
    %add3A_201 = arith.addi %mul3A_198, %mul3A_200 : i32
    "tpu.region"() ({
      %run_scoped3A = tpu.sem_alloc : memref<!tpu.dma_semaphore, #tpu.memory_space<semaphore_mem>>
      %dma_start3A_222 = arith.constant 0 : i32
      %dma_start3A_223 = tpu.memref_slice %arg4[%add3A_201, %dma_start3A_222] : memref<24576x128xf32, #tpu.memory_space<hbm>> -> memref<256x128xf32, #tpu.memory_space<hbm>>
      %dma_start3A_224 = arith.constant 0 : i32
      %dma_start3A_225 = tpu.memref_slice %arg4[%add3A_201, %dma_start3A_224] : memref<24576x128xf32, #tpu.memory_space<hbm>> -> memref<256x128xf32, #tpu.memory_space<hbm>>
      tpu.enqueue_dma source(%arg6 : memref<256x128xf32, #tpu.memory_space<vmem>>) target(%dma_start3A_225 : memref<256x128xf32, #tpu.memory_space<hbm>>) target_semaphore(%run_scoped3A : memref<!tpu.dma_semaphore, #tpu.memory_space<semaphore_mem>>)
      %dma_wait3A_226 = arith.constant 0 : i32
      %dma_wait3A_227 = tpu.memref_slice %arg4[%add3A_201, %dma_wait3A_226] : memref<24576x128xf32, #tpu.memory_space<hbm>> -> memref<256x128xf32, #tpu.memory_space<hbm>>
      %dma_wait3A_228 = arith.constant 0 : i32
      %dma_wait3A_229 = tpu.memref_slice %arg4[%add3A_201, %dma_wait3A_228] : memref<24576x128xf32, #tpu.memory_space<hbm>> -> memref<256x128xf32, #tpu.memory_space<hbm>>
      tpu.wait_dma2 semaphore(%run_scoped3A : memref<!tpu.dma_semaphore, #tpu.memory_space<semaphore_mem>>) src(%arg6 : memref<256x128xf32, #tpu.memory_space<vmem>>) dst(%dma_wait3A_229 : memref<256x128xf32, #tpu.memory_space<hbm>>)
      tpu.yield
    }) : () -> ()
    %dma_wait3A_202 = arith.constant 256 : i32
    %dma_wait3A_203 = tpu.memref_slice %arg5[%dma_wait3A_202] : memref<768xi32, #tpu.memory_space<vmem>> -> memref<256xi32, #tpu.memory_space<vmem>>
    %dma_wait3A_204 = arith.constant 0 : i32
    %dma_wait3A_205 = arith.constant 0 : i32
    %dma_wait3A_206 = tpu.memref_slice %arg2[%dma_wait3A_204, %dma_wait3A_205] : memref<100000x128xf32, #tpu.memory_space<hbm>> -> memref<100000x128xf32, #tpu.memory_space<hbm>>
    tpu.wait_indirect_dma semaphore(%arg10 : memref<!tpu.dma_semaphore, #tpu.memory_space<semaphore_mem>>) src(%dma_wait3A_206 : memref<100000x128xf32, #tpu.memory_space<hbm>>) dst(%arg7 : memref<256x128xf32, #tpu.memory_space<vmem>>)
    %mul3A_207 = arith.constant 4096 : i32
    %mul3A_208 = arith.muli %select_n3A_71, %mul3A_207 : i32
    %mul3A_209 = arith.constant 256 : i32
    %mul3A_210 = arith.muli %select_n3A_87, %mul3A_209 : i32
    %add3A_211 = arith.addi %mul3A_208, %mul3A_210 : i32
    "tpu.region"() ({
      %run_scoped3A = tpu.sem_alloc : memref<!tpu.dma_semaphore, #tpu.memory_space<semaphore_mem>>
      %dma_start3A_222 = arith.constant 0 : i32
      %dma_start3A_223 = tpu.memref_slice %arg4[%add3A_211, %dma_start3A_222] : memref<24576x128xf32, #tpu.memory_space<hbm>> -> memref<256x128xf32, #tpu.memory_space<hbm>>
      %dma_start3A_224 = arith.constant 0 : i32
      %dma_start3A_225 = tpu.memref_slice %arg4[%add3A_211, %dma_start3A_224] : memref<24576x128xf32, #tpu.memory_space<hbm>> -> memref<256x128xf32, #tpu.memory_space<hbm>>
      tpu.enqueue_dma source(%arg7 : memref<256x128xf32, #tpu.memory_space<vmem>>) target(%dma_start3A_225 : memref<256x128xf32, #tpu.memory_space<hbm>>) target_semaphore(%run_scoped3A : memref<!tpu.dma_semaphore, #tpu.memory_space<semaphore_mem>>)
      %dma_wait3A_226 = arith.constant 0 : i32
      %dma_wait3A_227 = tpu.memref_slice %arg4[%add3A_211, %dma_wait3A_226] : memref<24576x128xf32, #tpu.memory_space<hbm>> -> memref<256x128xf32, #tpu.memory_space<hbm>>
      %dma_wait3A_228 = arith.constant 0 : i32
      %dma_wait3A_229 = tpu.memref_slice %arg4[%add3A_211, %dma_wait3A_228] : memref<24576x128xf32, #tpu.memory_space<hbm>> -> memref<256x128xf32, #tpu.memory_space<hbm>>
      tpu.wait_dma2 semaphore(%run_scoped3A : memref<!tpu.dma_semaphore, #tpu.memory_space<semaphore_mem>>) src(%arg7 : memref<256x128xf32, #tpu.memory_space<vmem>>) dst(%dma_wait3A_229 : memref<256x128xf32, #tpu.memory_space<hbm>>)
      tpu.yield
    }) : () -> ()
    %dma_wait3A_212 = arith.constant 512 : i32
    %dma_wait3A_213 = tpu.memref_slice %arg5[%dma_wait3A_212] : memref<768xi32, #tpu.memory_space<vmem>> -> memref<256xi32, #tpu.memory_space<vmem>>
    %dma_wait3A_214 = arith.constant 0 : i32
    %dma_wait3A_215 = arith.constant 0 : i32
    %dma_wait3A_216 = tpu.memref_slice %arg2[%dma_wait3A_214, %dma_wait3A_215] : memref<100000x128xf32, #tpu.memory_space<hbm>> -> memref<100000x128xf32, #tpu.memory_space<hbm>>
    tpu.wait_indirect_dma semaphore(%arg11 : memref<!tpu.dma_semaphore, #tpu.memory_space<semaphore_mem>>) src(%dma_wait3A_216 : memref<100000x128xf32, #tpu.memory_space<hbm>>) dst(%arg8 : memref<256x128xf32, #tpu.memory_space<vmem>>)
    %mul3A_217 = arith.constant 4096 : i32
    %mul3A_218 = arith.muli %select_n3A_125, %mul3A_217 : i32
    %mul3A_219 = arith.constant 256 : i32
    %mul3A_220 = arith.muli %select_n3A_141, %mul3A_219 : i32
    %add3A_221 = arith.addi %mul3A_218, %mul3A_220 : i32
    "tpu.region"() ({
      %run_scoped3A = tpu.sem_alloc : memref<!tpu.dma_semaphore, #tpu.memory_space<semaphore_mem>>
      %dma_start3A_222 = arith.constant 0 : i32
      %dma_start3A_223 = tpu.memref_slice %arg4[%add3A_221, %dma_start3A_222] : memref<24576x128xf32, #tpu.memory_space<hbm>> -> memref<256x128xf32, #tpu.memory_space<hbm>>
      %dma_start3A_224 = arith.constant 0 : i32
      %dma_start3A_225 = tpu.memref_slice %arg4[%add3A_221, %dma_start3A_224] : memref<24576x128xf32, #tpu.memory_space<hbm>> -> memref<256x128xf32, #tpu.memory_space<hbm>>
      tpu.enqueue_dma source(%arg8 : memref<256x128xf32, #tpu.memory_space<vmem>>) target(%dma_start3A_225 : memref<256x128xf32, #tpu.memory_space<hbm>>) target_semaphore(%run_scoped3A : memref<!tpu.dma_semaphore, #tpu.memory_space<semaphore_mem>>)
      %dma_wait3A_226 = arith.constant 0 : i32
      %dma_wait3A_227 = tpu.memref_slice %arg4[%add3A_221, %dma_wait3A_226] : memref<24576x128xf32, #tpu.memory_space<hbm>> -> memref<256x128xf32, #tpu.memory_space<hbm>>
      %dma_wait3A_228 = arith.constant 0 : i32
      %dma_wait3A_229 = tpu.memref_slice %arg4[%add3A_221, %dma_wait3A_228] : memref<24576x128xf32, #tpu.memory_space<hbm>> -> memref<256x128xf32, #tpu.memory_space<hbm>>
      tpu.wait_dma2 semaphore(%run_scoped3A : memref<!tpu.dma_semaphore, #tpu.memory_space<semaphore_mem>>) src(%arg8 : memref<256x128xf32, #tpu.memory_space<vmem>>) dst(%dma_wait3A_229 : memref<256x128xf32, #tpu.memory_space<hbm>>)
      tpu.yield
    }) : () -> ()
    return
  }
}

module attributes {stable_mosaic.version = 14 : i64} {
  func.func @_mlp_body(%arg0: i32, %arg1: memref<6x1024x128xf32, #tpu.memory_space<vmem>>, %arg2: memref<6x128x128xf32, #tpu.memory_space<vmem>>, %arg3: memref<1x128xf32, #tpu.memory_space<vmem>>, %arg4: memref<91x128xf32, #tpu.memory_space<vmem>>, %arg5: memref<91x1xf32, #tpu.memory_space<vmem>>, %arg6: memref<91x1024xf32, #tpu.memory_space<vmem>>, %arg7: memref<91x1024xf32, #tpu.memory_space<vmem>>) attributes {dimension_semantics = [#tpu.dimension_semantics<arbitrary>], iteration_bounds = array<i64: 4>, scalar_prefetch = 0 : i64, scratch_operands = 0 : i64, tpu.core_type = #tpu.core_type<tc>, window_params = [{transform_indices = @transform_0, window_bounds = array<i64: 6, 1024, 128>}, {pipeline_mode = #tpu.pipeline_mode<synchronous>, transform_indices = @transform_1, window_bounds = array<i64: 6, 128, 128>}, {pipeline_mode = #tpu.pipeline_mode<synchronous>, transform_indices = @transform_2, window_bounds = array<i64: 1, 128>}, {pipeline_mode = #tpu.pipeline_mode<synchronous>, transform_indices = @transform_3, window_bounds = array<i64: 91, 128>}, {pipeline_mode = #tpu.pipeline_mode<synchronous>, transform_indices = @transform_4, window_bounds = array<i64: 91, 1>}, {transform_indices = @transform_5, window_bounds = array<i64: 91, 1024>}, {transform_indices = @transform_6, window_bounds = array<i64: 91, 1024>}]} {
    %get3A = arith.constant 0 : index
    %get3A_0 = arith.constant 0 : index
    %get3A_1 = vector.load %arg3[%get3A, %get3A_0] : memref<1x128xf32, #tpu.memory_space<vmem>>, vector<1x128xf32>
    %broadcast_in_dim3A = vector.shape_cast %get3A_1 : vector<1x128xf32> to vector<1x128xf32>
    %broadcast_in_dim3A_2 = vector.broadcast %broadcast_in_dim3A : vector<1x128xf32> to vector<1024x128xf32>
    %get3A_3 = arith.constant 0 : index
    %get3A_4 = arith.constant 0 : index
    %get3A_5 = arith.constant 0 : index
    %get3A_6 = vector.load %arg1[%get3A_3, %get3A_4, %get3A_5] : memref<6x1024x128xf32, #tpu.memory_space<vmem>>, vector<1x1024x128xf32>
    %get3A_7 = vector.shape_cast %get3A_6 : vector<1x1024x128xf32> to vector<1024x128xf32>
    %get3A_8 = arith.constant 0 : index
    %get3A_9 = arith.constant 0 : index
    %get3A_10 = arith.constant 0 : index
    %get3A_11 = vector.load %arg2[%get3A_8, %get3A_9, %get3A_10] : memref<6x128x128xf32, #tpu.memory_space<vmem>>, vector<1x128x128xf32>
    %get3A_12 = vector.shape_cast %get3A_11 : vector<1x128x128xf32> to vector<128x128xf32>
    %dot_general3A = arith.constant dense<0.000000e+00> : vector<1024x128xf32>
    %dot_general3A_13 = tpu.matmul %get3A_7, %get3A_12, %dot_general3A {dimension_numbers = #tpu.dot_dimension_numbers<[1], [0], [0], [1], [0, 0, 1, 1], [], []>, transpose_lhs_hint = false} : vector<1024x128xf32>, vector<128x128xf32>, vector<1024x128xf32> -> vector<1024x128xf32>
    %add3A = arith.addf %broadcast_in_dim3A_2, %dot_general3A_13 : vector<1024x128xf32>
    %get3A_14 = arith.constant 1 : index
    %get3A_15 = arith.constant 0 : index
    %get3A_16 = arith.constant 0 : index
    %get3A_17 = vector.load %arg1[%get3A_14, %get3A_15, %get3A_16] : memref<6x1024x128xf32, #tpu.memory_space<vmem>>, vector<1x1024x128xf32>
    %get3A_18 = vector.shape_cast %get3A_17 : vector<1x1024x128xf32> to vector<1024x128xf32>
    %get3A_19 = arith.constant 1 : index
    %get3A_20 = arith.constant 0 : index
    %get3A_21 = arith.constant 0 : index
    %get3A_22 = vector.load %arg2[%get3A_19, %get3A_20, %get3A_21] : memref<6x128x128xf32, #tpu.memory_space<vmem>>, vector<1x128x128xf32>
    %get3A_23 = vector.shape_cast %get3A_22 : vector<1x128x128xf32> to vector<128x128xf32>
    %dot_general3A_24 = arith.constant dense<0.000000e+00> : vector<1024x128xf32>
    %dot_general3A_25 = tpu.matmul %get3A_18, %get3A_23, %dot_general3A_24 {dimension_numbers = #tpu.dot_dimension_numbers<[1], [0], [0], [1], [0, 0, 1, 1], [], []>, transpose_lhs_hint = false} : vector<1024x128xf32>, vector<128x128xf32>, vector<1024x128xf32> -> vector<1024x128xf32>
    %add3A_26 = arith.addf %add3A, %dot_general3A_25 : vector<1024x128xf32>
    %get3A_27 = arith.constant 2 : index
    %get3A_28 = arith.constant 0 : index
    %get3A_29 = arith.constant 0 : index
    %get3A_30 = vector.load %arg1[%get3A_27, %get3A_28, %get3A_29] : memref<6x1024x128xf32, #tpu.memory_space<vmem>>, vector<1x1024x128xf32>
    %get3A_31 = vector.shape_cast %get3A_30 : vector<1x1024x128xf32> to vector<1024x128xf32>
    %get3A_32 = arith.constant 2 : index
    %get3A_33 = arith.constant 0 : index
    %get3A_34 = arith.constant 0 : index
    %get3A_35 = vector.load %arg2[%get3A_32, %get3A_33, %get3A_34] : memref<6x128x128xf32, #tpu.memory_space<vmem>>, vector<1x128x128xf32>
    %get3A_36 = vector.shape_cast %get3A_35 : vector<1x128x128xf32> to vector<128x128xf32>
    %dot_general3A_37 = arith.constant dense<0.000000e+00> : vector<1024x128xf32>
    %dot_general3A_38 = tpu.matmul %get3A_31, %get3A_36, %dot_general3A_37 {dimension_numbers = #tpu.dot_dimension_numbers<[1], [0], [0], [1], [0, 0, 1, 1], [], []>, transpose_lhs_hint = false} : vector<1024x128xf32>, vector<128x128xf32>, vector<1024x128xf32> -> vector<1024x128xf32>
    %add3A_39 = arith.addf %add3A_26, %dot_general3A_38 : vector<1024x128xf32>
    %get3A_40 = arith.constant 3 : index
    %get3A_41 = arith.constant 0 : index
    %get3A_42 = arith.constant 0 : index
    %get3A_43 = vector.load %arg1[%get3A_40, %get3A_41, %get3A_42] : memref<6x1024x128xf32, #tpu.memory_space<vmem>>, vector<1x1024x128xf32>
    %get3A_44 = vector.shape_cast %get3A_43 : vector<1x1024x128xf32> to vector<1024x128xf32>
    %get3A_45 = arith.constant 3 : index
    %get3A_46 = arith.constant 0 : index
    %get3A_47 = arith.constant 0 : index
    %get3A_48 = vector.load %arg2[%get3A_45, %get3A_46, %get3A_47] : memref<6x128x128xf32, #tpu.memory_space<vmem>>, vector<1x128x128xf32>
    %get3A_49 = vector.shape_cast %get3A_48 : vector<1x128x128xf32> to vector<128x128xf32>
    %dot_general3A_50 = arith.constant dense<0.000000e+00> : vector<1024x128xf32>
    %dot_general3A_51 = tpu.matmul %get3A_44, %get3A_49, %dot_general3A_50 {dimension_numbers = #tpu.dot_dimension_numbers<[1], [0], [0], [1], [0, 0, 1, 1], [], []>, transpose_lhs_hint = false} : vector<1024x128xf32>, vector<128x128xf32>, vector<1024x128xf32> -> vector<1024x128xf32>
    %add3A_52 = arith.addf %add3A_39, %dot_general3A_51 : vector<1024x128xf32>
    %get3A_53 = arith.constant 4 : index
    %get3A_54 = arith.constant 0 : index
    %get3A_55 = arith.constant 0 : index
    %get3A_56 = vector.load %arg1[%get3A_53, %get3A_54, %get3A_55] : memref<6x1024x128xf32, #tpu.memory_space<vmem>>, vector<1x1024x128xf32>
    %get3A_57 = vector.shape_cast %get3A_56 : vector<1x1024x128xf32> to vector<1024x128xf32>
    %get3A_58 = arith.constant 4 : index
    %get3A_59 = arith.constant 0 : index
    %get3A_60 = arith.constant 0 : index
    %get3A_61 = vector.load %arg2[%get3A_58, %get3A_59, %get3A_60] : memref<6x128x128xf32, #tpu.memory_space<vmem>>, vector<1x128x128xf32>
    %get3A_62 = vector.shape_cast %get3A_61 : vector<1x128x128xf32> to vector<128x128xf32>
    %dot_general3A_63 = arith.constant dense<0.000000e+00> : vector<1024x128xf32>
    %dot_general3A_64 = tpu.matmul %get3A_57, %get3A_62, %dot_general3A_63 {dimension_numbers = #tpu.dot_dimension_numbers<[1], [0], [0], [1], [0, 0, 1, 1], [], []>, transpose_lhs_hint = false} : vector<1024x128xf32>, vector<128x128xf32>, vector<1024x128xf32> -> vector<1024x128xf32>
    %add3A_65 = arith.addf %add3A_52, %dot_general3A_64 : vector<1024x128xf32>
    %get3A_66 = arith.constant 5 : index
    %get3A_67 = arith.constant 0 : index
    %get3A_68 = arith.constant 0 : index
    %get3A_69 = vector.load %arg1[%get3A_66, %get3A_67, %get3A_68] : memref<6x1024x128xf32, #tpu.memory_space<vmem>>, vector<1x1024x128xf32>
    %get3A_70 = vector.shape_cast %get3A_69 : vector<1x1024x128xf32> to vector<1024x128xf32>
    %get3A_71 = arith.constant 5 : index
    %get3A_72 = arith.constant 0 : index
    %get3A_73 = arith.constant 0 : index
    %get3A_74 = vector.load %arg2[%get3A_71, %get3A_72, %get3A_73] : memref<6x128x128xf32, #tpu.memory_space<vmem>>, vector<1x128x128xf32>
    %get3A_75 = vector.shape_cast %get3A_74 : vector<1x128x128xf32> to vector<128x128xf32>
    %dot_general3A_76 = arith.constant dense<0.000000e+00> : vector<1024x128xf32>
    %dot_general3A_77 = tpu.matmul %get3A_70, %get3A_75, %dot_general3A_76 {dimension_numbers = #tpu.dot_dimension_numbers<[1], [0], [0], [1], [0, 0, 1, 1], [], []>, transpose_lhs_hint = false} : vector<1024x128xf32>, vector<128x128xf32>, vector<1024x128xf32> -> vector<1024x128xf32>
    %add3A_78 = arith.addf %add3A_65, %dot_general3A_77 : vector<1024x128xf32>
    %max3A = arith.constant 0.000000e+00 : f32
    %max3A_79 = vector.broadcast %max3A : f32 to vector<1024x128xf32>
    %max3A_80 = arith.maximumf %add3A_78, %max3A_79 : vector<1024x128xf32>
    %get3A_81 = arith.constant 0 : index
    %get3A_82 = arith.constant 0 : index
    %get3A_83 = vector.load %arg4[%get3A_81, %get3A_82] : memref<91x128xf32, #tpu.memory_space<vmem>>, vector<91x128xf32>
    %dot_general3A_84 = arith.constant dense<0.000000e+00> : vector<91x1024xf32>
    %dot_general3A_85 = tpu.matmul %get3A_83, %max3A_80, %dot_general3A_84 {dimension_numbers = #tpu.dot_dimension_numbers<[1], [1], [0], [0], [0, 0, 1, 0], [], []>, transpose_lhs_hint = false} : vector<91x128xf32>, vector<1024x128xf32>, vector<91x1024xf32> -> vector<91x1024xf32>
    %get3A_86 = arith.constant 0 : index
    %get3A_87 = arith.constant 0 : index
    %get3A_88 = vector.load %arg5[%get3A_86, %get3A_87] : memref<91x1xf32, #tpu.memory_space<vmem>>, vector<91x1xf32>
    %add3A_89 = vector.broadcast %get3A_88 : vector<91x1xf32> to vector<91x1024xf32>
    %add3A_90 = arith.addf %dot_general3A_85, %add3A_89 : vector<91x1024xf32>
    %reduce_max3A = arith.constant dense<0xFF800000> : vector<1024xf32>
    %reduce_max3A_91 = vector.multi_reduction <maximumf>, %add3A_90, %reduce_max3A [0] : vector<91x1024xf32> to vector<1024xf32>
    %broadcast_in_dim3A_92 = vector.shape_cast %reduce_max3A_91 : vector<1024xf32> to vector<1x1024xf32>
    %sub3A = vector.broadcast %broadcast_in_dim3A_92 : vector<1x1024xf32> to vector<91x1024xf32>
    %sub3A_93 = arith.subf %add3A_90, %sub3A : vector<91x1024xf32>
    %exp3A = math.exp %sub3A_93 : vector<91x1024xf32>
    %reduce_sum3A = arith.constant dense<0.000000e+00> : vector<1024xf32>
    %reduce_sum3A_94 = vector.multi_reduction <add>, %exp3A, %reduce_sum3A [0] : vector<91x1024xf32> to vector<1024xf32>
    %broadcast_in_dim3A_95 = vector.shape_cast %reduce_sum3A_94 : vector<1024xf32> to vector<1x1024xf32>
    %log3A = math.log %broadcast_in_dim3A_95 : vector<1x1024xf32>
    %sub3A_96 = vector.broadcast %log3A : vector<1x1024xf32> to vector<91x1024xf32>
    %sub3A_97 = arith.subf %sub3A_93, %sub3A_96 : vector<91x1024xf32>
    %swap3A = arith.constant 0 : index
    %swap3A_98 = arith.constant 0 : index
    %swap3A_99 = vector.load %arg7[%swap3A, %swap3A_98] : memref<91x1024xf32, #tpu.memory_space<vmem>>, vector<91x1024xf32>
    tpu.vector_store %arg7[%swap3A, %swap3A_98], %sub3A_97 {strides = array<i32>} : memref<91x1024xf32, #tpu.memory_space<vmem>>, vector<91x1024xf32>,
    return
  }
  func.func @transform_0(%arg0: i32) -> (i32, i32, i32) {
    %c0_i32 = arith.constant 0 : i32
    %c0_i32_0 = arith.constant 0 : i32
    %c0_i32_1 = arith.constant 0 : i32
    return %c0_i32, %arg0, %c0_i32_0 : i32, i32, i32
  }
  func.func @transform_1(%arg0: i32) -> (i32, i32, i32) {
    %c0_i32 = arith.constant 0 : i32
    %c0_i32_0 = arith.constant 0 : i32
    %c0_i32_1 = arith.constant 0 : i32
    %c0_i32_2 = arith.constant 0 : i32
    return %c0_i32, %c0_i32_0, %c0_i32_1 : i32, i32, i32
  }
  func.func @transform_2(%arg0: i32) -> (i32, i32) {
    %c0_i32 = arith.constant 0 : i32
    %c0_i32_0 = arith.constant 0 : i32
    %c0_i32_1 = arith.constant 0 : i32
    return %c0_i32, %c0_i32_0 : i32, i32
  }
  func.func @transform_3(%arg0: i32) -> (i32, i32) {
    %c0_i32 = arith.constant 0 : i32
    %c0_i32_0 = arith.constant 0 : i32
    %c0_i32_1 = arith.constant 0 : i32
    return %c0_i32, %c0_i32_0 : i32, i32
  }
  func.func @transform_4(%arg0: i32) -> (i32, i32) {
    %c0_i32 = arith.constant 0 : i32
    %c0_i32_0 = arith.constant 0 : i32
    %c0_i32_1 = arith.constant 0 : i32
    return %c0_i32, %c0_i32_0 : i32, i32
  }
  func.func @transform_5(%arg0: i32) -> (i32, i32) {
    %add3A = arith.constant 8 : i32
    %add3A_0 = arith.addi %arg0, %add3A : i32
    %c0_i32 = arith.constant 0 : i32
    %c0_i32_1 = arith.constant 0 : i32
    return %c0_i32, %add3A_0 : i32, i32
  }
  func.func @transform_6(%arg0: i32) -> (i32, i32) {
    %add3A = arith.constant 8 : i32
    %add3A_0 = arith.addi %arg0, %add3A : i32
    %c0_i32 = arith.constant 0 : i32
    %c0_i32_1 = arith.constant 0 : i32
    return %c0_i32, %add3A_0 : i32, i32
  }
}

module attributes {stable_mosaic.version = 14 : i64} {
  func.func @_mlp_body(%arg0: i32, %arg1: memref<6x1024x128xf32, #tpu.memory_space<vmem>>, %arg2: memref<6x128x128xf32, #tpu.memory_space<vmem>>, %arg3: memref<1x128xf32, #tpu.memory_space<vmem>>, %arg4: memref<91x128xf32, #tpu.memory_space<vmem>>, %arg5: memref<91x1xf32, #tpu.memory_space<vmem>>, %arg6: memref<91x1024xf32, #tpu.memory_space<vmem>>, %arg7: memref<91x1024xf32, #tpu.memory_space<vmem>>) attributes {dimension_semantics = [#tpu.dimension_semantics<arbitrary>], iteration_bounds = array<i64: 4>, scalar_prefetch = 0 : i64, scratch_operands = 0 : i64, tpu.core_type = #tpu.core_type<tc>, window_params = [{transform_indices = @transform_0, window_bounds = array<i64: 6, 1024, 128>}, {pipeline_mode = #tpu.pipeline_mode<synchronous>, transform_indices = @transform_1, window_bounds = array<i64: 6, 128, 128>}, {pipeline_mode = #tpu.pipeline_mode<synchronous>, transform_indices = @transform_2, window_bounds = array<i64: 1, 128>}, {pipeline_mode = #tpu.pipeline_mode<synchronous>, transform_indices = @transform_3, window_bounds = array<i64: 91, 128>}, {pipeline_mode = #tpu.pipeline_mode<synchronous>, transform_indices = @transform_4, window_bounds = array<i64: 91, 1>}, {transform_indices = @transform_5, window_bounds = array<i64: 91, 1024>}, {transform_indices = @transform_6, window_bounds = array<i64: 91, 1024>}]} {
    %get3A = arith.constant 0 : index
    %get3A_0 = arith.constant 0 : index
    %get3A_1 = vector.load %arg3[%get3A, %get3A_0] : memref<1x128xf32, #tpu.memory_space<vmem>>, vector<1x128xf32>
    %broadcast_in_dim3A = vector.shape_cast %get3A_1 : vector<1x128xf32> to vector<1x128xf32>
    %broadcast_in_dim3A_2 = vector.broadcast %broadcast_in_dim3A : vector<1x128xf32> to vector<1024x128xf32>
    %get3A_3 = arith.constant 0 : index
    %get3A_4 = arith.constant 0 : index
    %get3A_5 = arith.constant 0 : index
    %get3A_6 = vector.load %arg1[%get3A_3, %get3A_4, %get3A_5] : memref<6x1024x128xf32, #tpu.memory_space<vmem>>, vector<1x1024x128xf32>
    %get3A_7 = vector.shape_cast %get3A_6 : vector<1x1024x128xf32> to vector<1024x128xf32>
    %get3A_8 = arith.constant 0 : index
    %get3A_9 = arith.constant 0 : index
    %get3A_10 = arith.constant 0 : index
    %get3A_11 = vector.load %arg2[%get3A_8, %get3A_9, %get3A_10] : memref<6x128x128xf32, #tpu.memory_space<vmem>>, vector<1x128x128xf32>
    %get3A_12 = vector.shape_cast %get3A_11 : vector<1x128x128xf32> to vector<128x128xf32>
    %dot_general3A = arith.constant dense<0.000000e+00> : vector<1024x128xf32>
    %dot_general3A_13 = tpu.matmul %get3A_7, %get3A_12, %dot_general3A {dimension_numbers = #tpu.dot_dimension_numbers<[1], [0], [0], [1], [0, 0, 1, 1], [], []>, transpose_lhs_hint = false} : vector<1024x128xf32>, vector<128x128xf32>, vector<1024x128xf32> -> vector<1024x128xf32>
    %add3A = arith.addf %broadcast_in_dim3A_2, %dot_general3A_13 : vector<1024x128xf32>
    %get3A_14 = arith.constant 1 : index
    %get3A_15 = arith.constant 0 : index
    %get3A_16 = arith.constant 0 : index
    %get3A_17 = vector.load %arg1[%get3A_14, %get3A_15, %get3A_16] : memref<6x1024x128xf32, #tpu.memory_space<vmem>>, vector<1x1024x128xf32>
    %get3A_18 = vector.shape_cast %get3A_17 : vector<1x1024x128xf32> to vector<1024x128xf32>
    %get3A_19 = arith.constant 1 : index
    %get3A_20 = arith.constant 0 : index
    %get3A_21 = arith.constant 0 : index
    %get3A_22 = vector.load %arg2[%get3A_19, %get3A_20, %get3A_21] : memref<6x128x128xf32, #tpu.memory_space<vmem>>, vector<1x128x128xf32>
    %get3A_23 = vector.shape_cast %get3A_22 : vector<1x128x128xf32> to vector<128x128xf32>
    %dot_general3A_24 = arith.constant dense<0.000000e+00> : vector<1024x128xf32>
    %dot_general3A_25 = tpu.matmul %get3A_18, %get3A_23, %dot_general3A_24 {dimension_numbers = #tpu.dot_dimension_numbers<[1], [0], [0], [1], [0, 0, 1, 1], [], []>, transpose_lhs_hint = false} : vector<1024x128xf32>, vector<128x128xf32>, vector<1024x128xf32> -> vector<1024x128xf32>
    %add3A_26 = arith.addf %add3A, %dot_general3A_25 : vector<1024x128xf32>
    %get3A_27 = arith.constant 2 : index
    %get3A_28 = arith.constant 0 : index
    %get3A_29 = arith.constant 0 : index
    %get3A_30 = vector.load %arg1[%get3A_27, %get3A_28, %get3A_29] : memref<6x1024x128xf32, #tpu.memory_space<vmem>>, vector<1x1024x128xf32>
    %get3A_31 = vector.shape_cast %get3A_30 : vector<1x1024x128xf32> to vector<1024x128xf32>
    %get3A_32 = arith.constant 2 : index
    %get3A_33 = arith.constant 0 : index
    %get3A_34 = arith.constant 0 : index
    %get3A_35 = vector.load %arg2[%get3A_32, %get3A_33, %get3A_34] : memref<6x128x128xf32, #tpu.memory_space<vmem>>, vector<1x128x128xf32>
    %get3A_36 = vector.shape_cast %get3A_35 : vector<1x128x128xf32> to vector<128x128xf32>
    %dot_general3A_37 = arith.constant dense<0.000000e+00> : vector<1024x128xf32>
    %dot_general3A_38 = tpu.matmul %get3A_31, %get3A_36, %dot_general3A_37 {dimension_numbers = #tpu.dot_dimension_numbers<[1], [0], [0], [1], [0, 0, 1, 1], [], []>, transpose_lhs_hint = false} : vector<1024x128xf32>, vector<128x128xf32>, vector<1024x128xf32> -> vector<1024x128xf32>
    %add3A_39 = arith.addf %add3A_26, %dot_general3A_38 : vector<1024x128xf32>
    %get3A_40 = arith.constant 3 : index
    %get3A_41 = arith.constant 0 : index
    %get3A_42 = arith.constant 0 : index
    %get3A_43 = vector.load %arg1[%get3A_40, %get3A_41, %get3A_42] : memref<6x1024x128xf32, #tpu.memory_space<vmem>>, vector<1x1024x128xf32>
    %get3A_44 = vector.shape_cast %get3A_43 : vector<1x1024x128xf32> to vector<1024x128xf32>
    %get3A_45 = arith.constant 3 : index
    %get3A_46 = arith.constant 0 : index
    %get3A_47 = arith.constant 0 : index
    %get3A_48 = vector.load %arg2[%get3A_45, %get3A_46, %get3A_47] : memref<6x128x128xf32, #tpu.memory_space<vmem>>, vector<1x128x128xf32>
    %get3A_49 = vector.shape_cast %get3A_48 : vector<1x128x128xf32> to vector<128x128xf32>
    %dot_general3A_50 = arith.constant dense<0.000000e+00> : vector<1024x128xf32>
    %dot_general3A_51 = tpu.matmul %get3A_44, %get3A_49, %dot_general3A_50 {dimension_numbers = #tpu.dot_dimension_numbers<[1], [0], [0], [1], [0, 0, 1, 1], [], []>, transpose_lhs_hint = false} : vector<1024x128xf32>, vector<128x128xf32>, vector<1024x128xf32> -> vector<1024x128xf32>
    %add3A_52 = arith.addf %add3A_39, %dot_general3A_51 : vector<1024x128xf32>
    %get3A_53 = arith.constant 4 : index
    %get3A_54 = arith.constant 0 : index
    %get3A_55 = arith.constant 0 : index
    %get3A_56 = vector.load %arg1[%get3A_53, %get3A_54, %get3A_55] : memref<6x1024x128xf32, #tpu.memory_space<vmem>>, vector<1x1024x128xf32>
    %get3A_57 = vector.shape_cast %get3A_56 : vector<1x1024x128xf32> to vector<1024x128xf32>
    %get3A_58 = arith.constant 4 : index
    %get3A_59 = arith.constant 0 : index
    %get3A_60 = arith.constant 0 : index
    %get3A_61 = vector.load %arg2[%get3A_58, %get3A_59, %get3A_60] : memref<6x128x128xf32, #tpu.memory_space<vmem>>, vector<1x128x128xf32>
    %get3A_62 = vector.shape_cast %get3A_61 : vector<1x128x128xf32> to vector<128x128xf32>
    %dot_general3A_63 = arith.constant dense<0.000000e+00> : vector<1024x128xf32>
    %dot_general3A_64 = tpu.matmul %get3A_57, %get3A_62, %dot_general3A_63 {dimension_numbers = #tpu.dot_dimension_numbers<[1], [0], [0], [1], [0, 0, 1, 1], [], []>, transpose_lhs_hint = false} : vector<1024x128xf32>, vector<128x128xf32>, vector<1024x128xf32> -> vector<1024x128xf32>
    %add3A_65 = arith.addf %add3A_52, %dot_general3A_64 : vector<1024x128xf32>
    %get3A_66 = arith.constant 5 : index
    %get3A_67 = arith.constant 0 : index
    %get3A_68 = arith.constant 0 : index
    %get3A_69 = vector.load %arg1[%get3A_66, %get3A_67, %get3A_68] : memref<6x1024x128xf32, #tpu.memory_space<vmem>>, vector<1x1024x128xf32>
    %get3A_70 = vector.shape_cast %get3A_69 : vector<1x1024x128xf32> to vector<1024x128xf32>
    %get3A_71 = arith.constant 5 : index
    %get3A_72 = arith.constant 0 : index
    %get3A_73 = arith.constant 0 : index
    %get3A_74 = vector.load %arg2[%get3A_71, %get3A_72, %get3A_73] : memref<6x128x128xf32, #tpu.memory_space<vmem>>, vector<1x128x128xf32>
    %get3A_75 = vector.shape_cast %get3A_74 : vector<1x128x128xf32> to vector<128x128xf32>
    %dot_general3A_76 = arith.constant dense<0.000000e+00> : vector<1024x128xf32>
    %dot_general3A_77 = tpu.matmul %get3A_70, %get3A_75, %dot_general3A_76 {dimension_numbers = #tpu.dot_dimension_numbers<[1], [0], [0], [1], [0, 0, 1, 1], [], []>, transpose_lhs_hint = false} : vector<1024x128xf32>, vector<128x128xf32>, vector<1024x128xf32> -> vector<1024x128xf32>
    %add3A_78 = arith.addf %add3A_65, %dot_general3A_77 : vector<1024x128xf32>
    %max3A = arith.constant 0.000000e+00 : f32
    %max3A_79 = vector.broadcast %max3A : f32 to vector<1024x128xf32>
    %max3A_80 = arith.maximumf %add3A_78, %max3A_79 : vector<1024x128xf32>
    %get3A_81 = arith.constant 0 : index
    %get3A_82 = arith.constant 0 : index
    %get3A_83 = vector.load %arg4[%get3A_81, %get3A_82] : memref<91x128xf32, #tpu.memory_space<vmem>>, vector<91x128xf32>
    %dot_general3A_84 = arith.constant dense<0.000000e+00> : vector<91x1024xf32>
    %dot_general3A_85 = tpu.matmul %get3A_83, %max3A_80, %dot_general3A_84 {dimension_numbers = #tpu.dot_dimension_numbers<[1], [1], [0], [0], [0, 0, 1, 0], [], []>, transpose_lhs_hint = false} : vector<91x128xf32>, vector<1024x128xf32>, vector<91x1024xf32> -> vector<91x1024xf32>
    %get3A_86 = arith.constant 0 : index
    %get3A_87 = arith.constant 0 : index
    %get3A_88 = vector.load %arg5[%get3A_86, %get3A_87] : memref<91x1xf32, #tpu.memory_space<vmem>>, vector<91x1xf32>
    %add3A_89 = vector.broadcast %get3A_88 : vector<91x1xf32> to vector<91x1024xf32>
    %add3A_90 = arith.addf %dot_general3A_85, %add3A_89 : vector<91x1024xf32>
    %reduce_max3A = arith.constant dense<0xFF800000> : vector<1024xf32>
    %reduce_max3A_91 = vector.multi_reduction <maximumf>, %add3A_90, %reduce_max3A [0] : vector<91x1024xf32> to vector<1024xf32>
    %broadcast_in_dim3A_92 = vector.shape_cast %reduce_max3A_91 : vector<1024xf32> to vector<1x1024xf32>
    %sub3A = vector.broadcast %broadcast_in_dim3A_92 : vector<1x1024xf32> to vector<91x1024xf32>
    %sub3A_93 = arith.subf %add3A_90, %sub3A : vector<91x1024xf32>
    %exp3A = math.exp %sub3A_93 : vector<91x1024xf32>
    %reduce_sum3A = arith.constant dense<0.000000e+00> : vector<1024xf32>
    %reduce_sum3A_94 = vector.multi_reduction <add>, %exp3A, %reduce_sum3A [0] : vector<91x1024xf32> to vector<1024xf32>
    %broadcast_in_dim3A_95 = vector.shape_cast %reduce_sum3A_94 : vector<1024xf32> to vector<1x1024xf32>
    %log3A = math.log %broadcast_in_dim3A_95 : vector<1x1024xf32>
    %sub3A_96 = vector.broadcast %log3A : vector<1x1024xf32> to vector<91x1024xf32>
    %sub3A_97 = arith.subf %sub3A_93, %sub3A_96 : vector<91x1024xf32>
    %swap3A = arith.constant 0 : index
    %swap3A_98 = arith.constant 0 : index
    %swap3A_99 = vector.load %arg7[%swap3A, %swap3A_98] : memref<91x1024xf32, #tpu.memory_space<vmem>>, vector<91x1024xf32>
    tpu.vector_store %arg7[%swap3A, %swap3A_98], %sub3A_97 {strides = array<i32>} : memref<91x1024xf32, #tpu.memory_space<vmem>>, vector<91x1024xf32>,
    return
  }
  func.func @transform_0(%arg0: i32) -> (i32, i32, i32) {
    %c0_i32 = arith.constant 0 : i32
    %c0_i32_0 = arith.constant 0 : i32
    %c0_i32_1 = arith.constant 0 : i32
    return %c0_i32, %arg0, %c0_i32_0 : i32, i32, i32
  }
  func.func @transform_1(%arg0: i32) -> (i32, i32, i32) {
    %c0_i32 = arith.constant 0 : i32
    %c0_i32_0 = arith.constant 0 : i32
    %c0_i32_1 = arith.constant 0 : i32
    %c0_i32_2 = arith.constant 0 : i32
    return %c0_i32, %c0_i32_0, %c0_i32_1 : i32, i32, i32
  }
  func.func @transform_2(%arg0: i32) -> (i32, i32) {
    %c0_i32 = arith.constant 0 : i32
    %c0_i32_0 = arith.constant 0 : i32
    %c0_i32_1 = arith.constant 0 : i32
    return %c0_i32, %c0_i32_0 : i32, i32
  }
  func.func @transform_3(%arg0: i32) -> (i32, i32) {
    %c0_i32 = arith.constant 0 : i32
    %c0_i32_0 = arith.constant 0 : i32
    %c0_i32_1 = arith.constant 0 : i32
    return %c0_i32, %c0_i32_0 : i32, i32
  }
  func.func @transform_4(%arg0: i32) -> (i32, i32) {
    %c0_i32 = arith.constant 0 : i32
    %c0_i32_0 = arith.constant 0 : i32
    %c0_i32_1 = arith.constant 0 : i32
    return %c0_i32, %c0_i32_0 : i32, i32
  }
  func.func @transform_5(%arg0: i32) -> (i32, i32) {
    %add3A = arith.constant 12 : i32
    %add3A_0 = arith.addi %arg0, %add3A : i32
    %c0_i32 = arith.constant 0 : i32
    %c0_i32_1 = arith.constant 0 : i32
    return %c0_i32, %add3A_0 : i32, i32
  }
  func.func @transform_6(%arg0: i32) -> (i32, i32) {
    %add3A = arith.constant 12 : i32
    %add3A_0 = arith.addi %arg0, %add3A : i32
    %c0_i32 = arith.constant 0 : i32
    %c0_i32_1 = arith.constant 0 : i32
    return %c0_i32, %add3A_0 : i32, i32
  }
}

module attributes {stable_mosaic.version = 14 : i64} {
  func.func @_mlp_body(%arg0: i32, %arg1: memref<6x1024x128xf32, #tpu.memory_space<vmem>>, %arg2: memref<6x128x128xf32, #tpu.memory_space<vmem>>, %arg3: memref<1x128xf32, #tpu.memory_space<vmem>>, %arg4: memref<91x128xf32, #tpu.memory_space<vmem>>, %arg5: memref<91x1xf32, #tpu.memory_space<vmem>>, %arg6: memref<91x1024xf32, #tpu.memory_space<vmem>>) attributes {dimension_semantics = [#tpu.dimension_semantics<arbitrary>], iteration_bounds = array<i64: 8>, scalar_prefetch = 0 : i64, scratch_operands = 0 : i64, tpu.core_type = #tpu.core_type<tc>, window_params = [{transform_indices = @transform_0, window_bounds = array<i64: 6, 1024, 128>}, {pipeline_mode = #tpu.pipeline_mode<synchronous>, transform_indices = @transform_1, window_bounds = array<i64: 6, 128, 128>}, {pipeline_mode = #tpu.pipeline_mode<synchronous>, transform_indices = @transform_2, window_bounds = array<i64: 1, 128>}, {pipeline_mode = #tpu.pipeline_mode<synchronous>, transform_indices = @transform_3, window_bounds = array<i64: 91, 128>}, {pipeline_mode = #tpu.pipeline_mode<synchronous>, transform_indices = @transform_4, window_bounds = array<i64: 91, 1>}, {transform_indices = @transform_5, window_bounds = array<i64: 91, 1024>}]} {
    %get3A = arith.constant 0 : index
    %get3A_0 = arith.constant 0 : index
    %get3A_1 = vector.load %arg3[%get3A, %get3A_0] : memref<1x128xf32, #tpu.memory_space<vmem>>, vector<1x128xf32>
    %broadcast_in_dim3A = vector.shape_cast %get3A_1 : vector<1x128xf32> to vector<1x128xf32>
    %broadcast_in_dim3A_2 = vector.broadcast %broadcast_in_dim3A : vector<1x128xf32> to vector<1024x128xf32>
    %get3A_3 = arith.constant 0 : index
    %get3A_4 = arith.constant 0 : index
    %get3A_5 = arith.constant 0 : index
    %get3A_6 = vector.load %arg1[%get3A_3, %get3A_4, %get3A_5] : memref<6x1024x128xf32, #tpu.memory_space<vmem>>, vector<1x1024x128xf32>
    %get3A_7 = vector.shape_cast %get3A_6 : vector<1x1024x128xf32> to vector<1024x128xf32>
    %get3A_8 = arith.constant 0 : index
    %get3A_9 = arith.constant 0 : index
    %get3A_10 = arith.constant 0 : index
    %get3A_11 = vector.load %arg2[%get3A_8, %get3A_9, %get3A_10] : memref<6x128x128xf32, #tpu.memory_space<vmem>>, vector<1x128x128xf32>
    %get3A_12 = vector.shape_cast %get3A_11 : vector<1x128x128xf32> to vector<128x128xf32>
    %dot_general3A = arith.constant dense<0.000000e+00> : vector<1024x128xf32>
    %dot_general3A_13 = tpu.matmul %get3A_7, %get3A_12, %dot_general3A {dimension_numbers = #tpu.dot_dimension_numbers<[1], [0], [0], [1], [0, 0, 1, 1], [], []>, transpose_lhs_hint = false} : vector<1024x128xf32>, vector<128x128xf32>, vector<1024x128xf32> -> vector<1024x128xf32>
    %add3A = arith.addf %broadcast_in_dim3A_2, %dot_general3A_13 : vector<1024x128xf32>
    %get3A_14 = arith.constant 1 : index
    %get3A_15 = arith.constant 0 : index
    %get3A_16 = arith.constant 0 : index
    %get3A_17 = vector.load %arg1[%get3A_14, %get3A_15, %get3A_16] : memref<6x1024x128xf32, #tpu.memory_space<vmem>>, vector<1x1024x128xf32>
    %get3A_18 = vector.shape_cast %get3A_17 : vector<1x1024x128xf32> to vector<1024x128xf32>
    %get3A_19 = arith.constant 1 : index
    %get3A_20 = arith.constant 0 : index
    %get3A_21 = arith.constant 0 : index
    %get3A_22 = vector.load %arg2[%get3A_19, %get3A_20, %get3A_21] : memref<6x128x128xf32, #tpu.memory_space<vmem>>, vector<1x128x128xf32>
    %get3A_23 = vector.shape_cast %get3A_22 : vector<1x128x128xf32> to vector<128x128xf32>
    %dot_general3A_24 = arith.constant dense<0.000000e+00> : vector<1024x128xf32>
    %dot_general3A_25 = tpu.matmul %get3A_18, %get3A_23, %dot_general3A_24 {dimension_numbers = #tpu.dot_dimension_numbers<[1], [0], [0], [1], [0, 0, 1, 1], [], []>, transpose_lhs_hint = false} : vector<1024x128xf32>, vector<128x128xf32>, vector<1024x128xf32> -> vector<1024x128xf32>
    %add3A_26 = arith.addf %add3A, %dot_general3A_25 : vector<1024x128xf32>
    %get3A_27 = arith.constant 2 : index
    %get3A_28 = arith.constant 0 : index
    %get3A_29 = arith.constant 0 : index
    %get3A_30 = vector.load %arg1[%get3A_27, %get3A_28, %get3A_29] : memref<6x1024x128xf32, #tpu.memory_space<vmem>>, vector<1x1024x128xf32>
    %get3A_31 = vector.shape_cast %get3A_30 : vector<1x1024x128xf32> to vector<1024x128xf32>
    %get3A_32 = arith.constant 2 : index
    %get3A_33 = arith.constant 0 : index
    %get3A_34 = arith.constant 0 : index
    %get3A_35 = vector.load %arg2[%get3A_32, %get3A_33, %get3A_34] : memref<6x128x128xf32, #tpu.memory_space<vmem>>, vector<1x128x128xf32>
    %get3A_36 = vector.shape_cast %get3A_35 : vector<1x128x128xf32> to vector<128x128xf32>
    %dot_general3A_37 = arith.constant dense<0.000000e+00> : vector<1024x128xf32>
    %dot_general3A_38 = tpu.matmul %get3A_31, %get3A_36, %dot_general3A_37 {dimension_numbers = #tpu.dot_dimension_numbers<[1], [0], [0], [1], [0, 0, 1, 1], [], []>, transpose_lhs_hint = false} : vector<1024x128xf32>, vector<128x128xf32>, vector<1024x128xf32> -> vector<1024x128xf32>
    %add3A_39 = arith.addf %add3A_26, %dot_general3A_38 : vector<1024x128xf32>
    %get3A_40 = arith.constant 3 : index
    %get3A_41 = arith.constant 0 : index
    %get3A_42 = arith.constant 0 : index
    %get3A_43 = vector.load %arg1[%get3A_40, %get3A_41, %get3A_42] : memref<6x1024x128xf32, #tpu.memory_space<vmem>>, vector<1x1024x128xf32>
    %get3A_44 = vector.shape_cast %get3A_43 : vector<1x1024x128xf32> to vector<1024x128xf32>
    %get3A_45 = arith.constant 3 : index
    %get3A_46 = arith.constant 0 : index
    %get3A_47 = arith.constant 0 : index
    %get3A_48 = vector.load %arg2[%get3A_45, %get3A_46, %get3A_47] : memref<6x128x128xf32, #tpu.memory_space<vmem>>, vector<1x128x128xf32>
    %get3A_49 = vector.shape_cast %get3A_48 : vector<1x128x128xf32> to vector<128x128xf32>
    %dot_general3A_50 = arith.constant dense<0.000000e+00> : vector<1024x128xf32>
    %dot_general3A_51 = tpu.matmul %get3A_44, %get3A_49, %dot_general3A_50 {dimension_numbers = #tpu.dot_dimension_numbers<[1], [0], [0], [1], [0, 0, 1, 1], [], []>, transpose_lhs_hint = false} : vector<1024x128xf32>, vector<128x128xf32>, vector<1024x128xf32> -> vector<1024x128xf32>
    %add3A_52 = arith.addf %add3A_39, %dot_general3A_51 : vector<1024x128xf32>
    %get3A_53 = arith.constant 4 : index
    %get3A_54 = arith.constant 0 : index
    %get3A_55 = arith.constant 0 : index
    %get3A_56 = vector.load %arg1[%get3A_53, %get3A_54, %get3A_55] : memref<6x1024x128xf32, #tpu.memory_space<vmem>>, vector<1x1024x128xf32>
    %get3A_57 = vector.shape_cast %get3A_56 : vector<1x1024x128xf32> to vector<1024x128xf32>
    %get3A_58 = arith.constant 4 : index
    %get3A_59 = arith.constant 0 : index
    %get3A_60 = arith.constant 0 : index
    %get3A_61 = vector.load %arg2[%get3A_58, %get3A_59, %get3A_60] : memref<6x128x128xf32, #tpu.memory_space<vmem>>, vector<1x128x128xf32>
    %get3A_62 = vector.shape_cast %get3A_61 : vector<1x128x128xf32> to vector<128x128xf32>
    %dot_general3A_63 = arith.constant dense<0.000000e+00> : vector<1024x128xf32>
    %dot_general3A_64 = tpu.matmul %get3A_57, %get3A_62, %dot_general3A_63 {dimension_numbers = #tpu.dot_dimension_numbers<[1], [0], [0], [1], [0, 0, 1, 1], [], []>, transpose_lhs_hint = false} : vector<1024x128xf32>, vector<128x128xf32>, vector<1024x128xf32> -> vector<1024x128xf32>
    %add3A_65 = arith.addf %add3A_52, %dot_general3A_64 : vector<1024x128xf32>
    %get3A_66 = arith.constant 5 : index
    %get3A_67 = arith.constant 0 : index
    %get3A_68 = arith.constant 0 : index
    %get3A_69 = vector.load %arg1[%get3A_66, %get3A_67, %get3A_68] : memref<6x1024x128xf32, #tpu.memory_space<vmem>>, vector<1x1024x128xf32>
    %get3A_70 = vector.shape_cast %get3A_69 : vector<1x1024x128xf32> to vector<1024x128xf32>
    %get3A_71 = arith.constant 5 : index
    %get3A_72 = arith.constant 0 : index
    %get3A_73 = arith.constant 0 : index
    %get3A_74 = vector.load %arg2[%get3A_71, %get3A_72, %get3A_73] : memref<6x128x128xf32, #tpu.memory_space<vmem>>, vector<1x128x128xf32>
    %get3A_75 = vector.shape_cast %get3A_74 : vector<1x128x128xf32> to vector<128x128xf32>
    %dot_general3A_76 = arith.constant dense<0.000000e+00> : vector<1024x128xf32>
    %dot_general3A_77 = tpu.matmul %get3A_70, %get3A_75, %dot_general3A_76 {dimension_numbers = #tpu.dot_dimension_numbers<[1], [0], [0], [1], [0, 0, 1, 1], [], []>, transpose_lhs_hint = false} : vector<1024x128xf32>, vector<128x128xf32>, vector<1024x128xf32> -> vector<1024x128xf32>
    %add3A_78 = arith.addf %add3A_65, %dot_general3A_77 : vector<1024x128xf32>
    %max3A = arith.constant 0.000000e+00 : f32
    %max3A_79 = vector.broadcast %max3A : f32 to vector<1024x128xf32>
    %max3A_80 = arith.maximumf %add3A_78, %max3A_79 : vector<1024x128xf32>
    %get3A_81 = arith.constant 0 : index
    %get3A_82 = arith.constant 0 : index
    %get3A_83 = vector.load %arg4[%get3A_81, %get3A_82] : memref<91x128xf32, #tpu.memory_space<vmem>>, vector<91x128xf32>
    %dot_general3A_84 = arith.constant dense<0.000000e+00> : vector<91x1024xf32>
    %dot_general3A_85 = tpu.matmul %get3A_83, %max3A_80, %dot_general3A_84 {dimension_numbers = #tpu.dot_dimension_numbers<[1], [1], [0], [0], [0, 0, 1, 0], [], []>, transpose_lhs_hint = false} : vector<91x128xf32>, vector<1024x128xf32>, vector<91x1024xf32> -> vector<91x1024xf32>
    %get3A_86 = arith.constant 0 : index
    %get3A_87 = arith.constant 0 : index
    %get3A_88 = vector.load %arg5[%get3A_86, %get3A_87] : memref<91x1xf32, #tpu.memory_space<vmem>>, vector<91x1xf32>
    %add3A_89 = vector.broadcast %get3A_88 : vector<91x1xf32> to vector<91x1024xf32>
    %add3A_90 = arith.addf %dot_general3A_85, %add3A_89 : vector<91x1024xf32>
    %reduce_max3A = arith.constant dense<0xFF800000> : vector<1024xf32>
    %reduce_max3A_91 = vector.multi_reduction <maximumf>, %add3A_90, %reduce_max3A [0] : vector<91x1024xf32> to vector<1024xf32>
    %broadcast_in_dim3A_92 = vector.shape_cast %reduce_max3A_91 : vector<1024xf32> to vector<1x1024xf32>
    %sub3A = vector.broadcast %broadcast_in_dim3A_92 : vector<1x1024xf32> to vector<91x1024xf32>
    %sub3A_93 = arith.subf %add3A_90, %sub3A : vector<91x1024xf32>
    %exp3A = math.exp %sub3A_93 : vector<91x1024xf32>
    %reduce_sum3A = arith.constant dense<0.000000e+00> : vector<1024xf32>
    %reduce_sum3A_94 = vector.multi_reduction <add>, %exp3A, %reduce_sum3A [0] : vector<91x1024xf32> to vector<1024xf32>
    %broadcast_in_dim3A_95 = vector.shape_cast %reduce_sum3A_94 : vector<1024xf32> to vector<1x1024xf32>
    %log3A = math.log %broadcast_in_dim3A_95 : vector<1x1024xf32>
    %sub3A_96 = vector.broadcast %log3A : vector<1x1024xf32> to vector<91x1024xf32>
    %sub3A_97 = arith.subf %sub3A_93, %sub3A_96 : vector<91x1024xf32>
    %swap3A = arith.constant 0 : index
    %swap3A_98 = arith.constant 0 : index
    %swap3A_99 = vector.load %arg6[%swap3A, %swap3A_98] : memref<91x1024xf32, #tpu.memory_space<vmem>>, vector<91x1024xf32>
    tpu.vector_store %arg6[%swap3A, %swap3A_98], %sub3A_97 {strides = array<i32>} : memref<91x1024xf32, #tpu.memory_space<vmem>>, vector<91x1024xf32>,
    return
  }
  func.func @transform_0(%arg0: i32) -> (i32, i32, i32) {
    %c0_i32 = arith.constant 0 : i32
    %c0_i32_0 = arith.constant 0 : i32
    %c0_i32_1 = arith.constant 0 : i32
    return %c0_i32, %arg0, %c0_i32_0 : i32, i32, i32
  }
  func.func @transform_1(%arg0: i32) -> (i32, i32, i32) {
    %c0_i32 = arith.constant 0 : i32
    %c0_i32_0 = arith.constant 0 : i32
    %c0_i32_1 = arith.constant 0 : i32
    %c0_i32_2 = arith.constant 0 : i32
    return %c0_i32, %c0_i32_0, %c0_i32_1 : i32, i32, i32
  }
  func.func @transform_2(%arg0: i32) -> (i32, i32) {
    %c0_i32 = arith.constant 0 : i32
    %c0_i32_0 = arith.constant 0 : i32
    %c0_i32_1 = arith.constant 0 : i32
    return %c0_i32, %c0_i32_0 : i32, i32
  }
  func.func @transform_3(%arg0: i32) -> (i32, i32) {
    %c0_i32 = arith.constant 0 : i32
    %c0_i32_0 = arith.constant 0 : i32
    %c0_i32_1 = arith.constant 0 : i32
    return %c0_i32, %c0_i32_0 : i32, i32
  }
  func.func @transform_4(%arg0: i32) -> (i32, i32) {
    %c0_i32 = arith.constant 0 : i32
    %c0_i32_0 = arith.constant 0 : i32
    %c0_i32_1 = arith.constant 0 : i32
    return %c0_i32, %c0_i32_0 : i32, i32
  }
  func.func @transform_5(%arg0: i32) -> (i32, i32) {
    %add3A = arith.constant 0 : i32
    %add3A_0 = arith.addi %arg0, %add3A : i32
    %c0_i32 = arith.constant 0 : i32
    %c0_i32_1 = arith.constant 0 : i32
    return %c0_i32, %add3A_0 : i32, i32
  }
}

</mosaic_0001>

<sc_bundles>
// kernel: kernel.11.cloned.1.call-start
scs
__scs_entry_jumppad:
0x0: {  	(pc) =	sbr.rel $0x88, $3  }
0x1: {  	(tag) =	ssettag $0x0;
	lr =	simm.s32 $0x1  }
0x2: {  	[smem:$0x3F9B] =	sst lr;
	_ =	strace $0xD0000000  }
0x3: {  	_ = 	snop  }
0x4: {  	_ = 	snop  }
0x5: {  	_ = 	snop  }
0x6: {  	_ = 	snop  }
0x7: {  	_ = 	snop  }
__scs_overlays_trampoline_lowered:
0x8: {  	[smem:$0x3FAA] =	sst s0  }
0x9: {  	[smem:$0x3FAB] =	sst s1  }
0xa: {  	[smem:$0x3FAC] =	sst s2  }
0xb: {  	[smem:$0x3FAD] =	sst s3  }
0xc: {  	[smem:$0x3FAE] =	sst s4  }
0xd: {  	[smem:$0x3FAF] =	sst s5  }
0xe: {  	[smem:$0x3FB0] =	sst s6  }
0xf: {  	[smem:$0x3FB1] =	sst s7  }
0x10: {  	[smem:$0x3FB2] =	sst s8  }
0x11: {  	[smem:$0x3FB3] =	sst s9;
	s0 =	simm.s32 @!p0 $0x0  }
0x12: {  	s1 =	sld [smem:$0x3F99];
	s0 =	simm.s32 @p0 $0x1  }
0x13: {  	[smem:$0x3FB4] =	sst s0;
	s0 =	simm.s32 @!p1 $0x0  }
0x14: {  	s2 =	sld [smem:$0x3F98];
	s0 =	simm.s32 @p1 $0x1  }
0x15: {  	[smem:$0x3FB5] =	sst s0;
	s0 =	simm.s32 @!p2 $0x0  }
0x16: {  	s3 =	sld [smem:$0x3FDB];
	s0 =	simm.s32 @p2 $0x1  }
0x17: {  	s4 =	simm.s32 $0x1BF5;
	[smem:$0x3FB7] =	sst s0  }
0x18: {  	s0 =	sld [smem:$0x3F9A];
	_ =	swait.ge [sflag:s4], $0x0  }
0x19: {  	s7 =	sld [smem:$0x3F9B]  }
0x1a: {  	s8 =	sadd.s32 $0xFFFFE003, lr  }
0x1b: {  	s9 =	sadd.s32 $0xFFFFFEF7, lr;
	s5 =	simm.s32 $0xFFFFFFFF;
	p2 =	slt.u32 s8, $0xFFFFF086  }
0x1c: {  	p1 =	slt.u32 s9, $0xF7A;
	s5 =	simm.s32 @!p2 $0x0  }
0x1d: {  	s5 =	simm.s32 @p1 $0x1;
	p0 =	seq.s32 s7, s2  }
0x1e: {  	s7 =	smul.u32 @!p0 $0xF7A, s2;
	p2 =	seq.s32 @!p0 s5, $0x0  }
0x1f: {  	s9 =	smul.u32 $0xF7A, s1;
	s8 =	simm.s32 @!p0 $0x1BF5;
	p2 =	por !p2, p0  }
0x20: {  	[sflag:s8] =	ssyncset.s32 @!p0 $0xFFFFF086;
	s6 =	sadd.s32 @!p0 s3, s7;
	s7 =	simm.s32 @!p0 $0x108  }
0x21: {  	s3 =	sadd.s32 s3, s9;
	s6 =	sadd.s32 @!p0 $0x88, s6;
	s7 =	simm.s32 @p2 $0x1082  }
0x22: {  	[simem:s7], [sflag:s8] =	dma.local @!p0 [hbm:s6], $0xF7A  }
0x23: {  	s9 =	sor.u32 $0xD0000000, s2;
	s6 =	simm.s32 $0x108;
	_ =	swait.ge @!p0 [sflag:s8], $0x0  }
0x24: {  	s3 =	sadd.s32 $0x88, s3;
	s6 =	simm.s32 @!p1 $0x1082;
	[sflag:s4] =	ssyncset.s32 $0xFFFFF086  }
0x25: {  	[simem:s6], [sflag:s4] =	dma.local [hbm:s3], $0xF7A  }
0x26: {  	[smem:$0x3F9B] =	sst s1;
	(tag) =	ssettag s2;
	_ =	strace s9  }
0x27: {  	s1 =	sld [smem:$0x3FAB]  }
0x28: {  	s2 =	sld [smem:$0x3FAC]  }
0x29: {  	s4 =	sld [smem:$0x3FAE]  }
0x2a: {  	p0 =	seq.s32 s5, $0x0;
	s5 =	sld [smem:$0x3FAF]  }
0x2b: {  	s6 =	sld [smem:$0x3FB0]  }
0x2c: {  	s7 =	sld [smem:$0x3FB1]  }
0x2d: {  	s3 =	simm.s32 $0x108;
	s8 =	sld [smem:$0x3FB2]  }
0x2e: {  	s3 =	simm.s32 @!p0 $0x1082;
	s9 =	sld [smem:$0x3FB3]  }
0x2f: {  	lr =	sadd.s32 s0, s3;
	s0 =	sld [smem:$0x3FAA]  }
0x30: {  	s3 =	sld [smem:$0x3FAD]  }
0x31: {  	[smem:$0x3FB6] =	sst s10  }
0x32: {  	s10 =	sld [smem:$0x3FB4];
	_ =	sdelay $0x3  }
0x33: {  	p0 =	seq.s32 s10, $0x1;
	s10 =	sld [smem:$0x3FB6];
	_ =	sdelay $0x3  }
0x34: {  	[smem:$0x3FB6] =	sst s10  }
0x35: {  	s10 =	sld [smem:$0x3FB5];
	_ =	sdelay $0x3  }
0x36: {  	p1 =	seq.s32 s10, $0x1;
	s10 =	sld [smem:$0x3FB6];
	_ =	sdelay $0x3  }
0x37: {  	[smem:$0x3FB6] =	sst s10  }
0x38: {  	s10 =	sld [smem:$0x3FB7]  }
0x39: {  	_ = 	snop;
	(pc) =	sbr.ind lr, $3  }
0x3a: {  	_ = 	snop  }
0x3b: {  	_ = 	snop  }
0x3c: {  	p2 =	seq.s32 s10, $0x1;
	s10 =	sld [smem:$0x3FB6]  }
0x3d: {  	_ =	shalt  }
0x3e: {  	_ =	shalt  }
0x3f: {  	_ =	shalt  }
0x40: {  	_ =	shalt  }
0x41: {  	_ =	shalt  }
0x42: {  	_ =	shalt  }
0x43: {  	_ =	shalt  }
0x44: {  	_ =	shalt  }
0x45: {  	_ =	shalt  }
0x46: {  	_ =	shalt  }
0x47: {  	_ =	shalt  }
0x48: {  	_ =	shalt  }
0x49: {  	_ =	shalt  }
0x4a: {  	_ =	shalt  }
0x4b: {  	_ =	shalt  }
0x4c: {  	_ =	shalt  }
0x4d: {  	_ =	shalt  }
0x4e: {  	_ =	shalt  }
0x4f: {  	_ =	shalt  }
0x50: {  	_ =	shalt  }
0x51: {  	_ =	shalt  }
0x52: {  	_ =	shalt  }
0x53: {  	_ =	shalt  }
0x54: {  	_ =	shalt  }
0x55: {  	_ =	shalt  }
0x56: {  	_ =	shalt  }
0x57: {  	_ =	shalt  }
0x58: {  	_ =	shalt  }
0x59: {  	_ =	shalt  }
0x5a: {  	_ =	shalt  }
0x5b: {  	_ =	shalt  }
0x5c: {  	_ =	shalt  }
0x5d: {  	_ =	shalt  }
0x5e: {  	_ =	shalt  }
0x5f: {  	_ =	shalt  }
0x60: {  	_ =	shalt  }
0x61: {  	_ =	shalt  }
0x62: {  	_ =	shalt  }
0x63: {  	_ =	shalt  }
0x64: {  	_ =	shalt  }
0x65: {  	_ =	shalt  }
0x66: {  	_ =	shalt  }
0x67: {  	_ =	shalt  }
0x68: {  	_ =	shalt  }
0x69: {  	_ =	shalt  }
0x6a: {  	_ =	shalt  }
0x6b: {  	_ =	shalt  }
0x6c: {  	_ =	shalt  }
0x6d: {  	_ =	shalt  }
0x6e: {  	_ =	shalt  }
0x6f: {  	_ =	shalt  }
0x70: {  	_ =	shalt  }
0x71: {  	_ =	shalt  }
0x72: {  	_ =	shalt  }
0x73: {  	_ =	shalt  }
0x74: {  	_ =	shalt  }
0x75: {  	_ =	shalt  }
0x76: {  	_ =	shalt  }
0x77: {  	_ =	shalt  }
0x78: {  	_ =	shalt  }
0x79: {  	_ =	shalt  }
0x7a: {  	_ =	shalt  }
0x7b: {  	_ =	shalt  }
0x7c: {  	_ =	shalt  }
0x7d: {  	_ =	shalt  }
0x7e: {  	_ =	shalt  }
0x7f: {  	_ =	shalt  }
0x80: {  	_ =	shalt  }
0x81: {  	_ =	shalt  }
0x82: {  	_ =	shalt  }
0x83: {  	_ =	shalt  }
0x84: {  	_ =	shalt  }
0x85: {  	_ =	shalt  }
0x86: {  	_ =	shalt  }
0x87: {  	_ =	shalt  }
.Lfunc_end0:
.L_simem_size_0:
called_computation.1_lowered:
.L_overlay_start_0:
0x88: {  	s2 =	sld [smem:$0x3FD9]  }
0x89: {  	s3 =	sld [smem:$0x3FFE];
	_ =	sdelay $0x1  }
0x8a: {  	s1 =	srdreg.scid  }
0x8b: {  	s0 =	sand.u32 $0x1, s1  }
0x8c: {  	s17 =	sshll.u32 s0, $0xA;
	s2 =	sadd.s32 s3, s2  }
0x8d: {  	s2 =	sadd.s32 s2, s17  }
0x8e: {  	[smem:$0x3FC2] =	sst s2  }
0x8f: {  	_ = 	snop  }
0x90: {  	s18 =	sld [smem:$0x3FC9]  }
0x91: {  	s4 =	sld [smem:$0x3FC8];
	(tm) =	ssettm $0x1  }
0x92: {  	s19 =	sld [smem:$0x3FFB];
	_ =	sdelay $0x3  }
0x93: {  	_ =	strace s19  }
0x94: {  	s2 =	sld [smem:$0x3FFC];
	_ =	sdelay $0x3  }
0x95: {  	_ =	strace s2  }
0x96: {  	s2 =	sld [smem:$0x3FFD];
	_ =	sdelay $0x3  }
0x97: {  	_ =	strace s2  }
0x98: {  	_ =	strace $0x8FFFFFFF  }
0x99: {  	s20 =	sld [smem:$0x3FDB];
	_ =	sdelay $0x1  }
0x9a: {  	s5 =	simm.s32 $_scs_section_size  }
0x9b: {  	s6 =	simm.s32 $_size__tile_overlayer_lowered;
	s7 =	simm.s32 $_tile_overlayer_lowered  }
0x9c: {  	s8 =	simm.s32 $0x1BFF;
	s21 =	sshll.u32 s7, $0x1;
	s5 =	sadd.s32 s5, s20  }
0x9d: {  	s22 =	simm.s32 $0x0;
	s6 =	sshll.u32 s6, $0x1;
	s7 =	sadd.s32 s21, s5  }
0x9e: {  	[timem:s22], [sflag:s8] =	dma.local [hbm:s7], s6  }
0x9f: {  	_ =	swait.ge [sflag:s8], s6  }
0xa0: {  	s6 =	ssub.s32 $0x0, s6;
	[sflag:s8] =	ssyncset.done $0x0  }
0xa1: {  	[sflag:s8] =	ssyncadd.s32 s6;
	_ =	sdelay $0x1  }
0xa2: {  	s23 =	simm.s32 $0x1B8B  }
0xa3: {  	_ =	swait.ge [sflag:s23], $0x1  }
0xa4: {  	[sflag:s23] =	ssyncset.done $0x0  }
0xa5: {  	[sflag:s23] =	ssyncadd.s32 $0xFFFFFFFF  }
0xa6: {  	s6 =	sld [smem:$0x0]  }
0xa7: {  	s7 =	sand.u32 $0xFFFFFFFE, s1  }
0xa8: {  	p0 =	sne.s32 s1, s7  }
0xa9: {  	s7 =	sshll.u32 @p0 s7, $0xE  }
0xaa: {  	s7 =	sadd.s32 @p0 $0x11B8D, s7;
	s8 =	sshll.u32 @p0 s6, $0x11  }
0xab: {  	s7 =	sor.u32 @p0 s8, s7  }
0xac: {  	[sflag:s7] =	ssyncadd.remote.s32 @p0 $0x1;
	_ =	sdelay $0x1  }
0xad: {  	s7 =	simm.s32 @p0 $0x1B8D  }
0xae: {  	_ =	swait.eq @p0 [sflag:s7], $0x1  }
0xaf: {  	[sflag:s7] =	ssyncadd.s32 @p0 $0xFFFFFFFF  }
0xb0: {  	s8 =	sshll.u32 @!p0 s1, $0xE  }
0xb1: {  	s8 =	sor.u32 @!p0 $0x4000, s8;
	s7 =	simm.s32 @!p0 $0x1B8D  }
0xb2: {  	s6 =	sshll.u32 @!p0 s6, $0x11;
	s8 =	sadd.s32 @!p0 $0x11B8D, s8;
	_ =	swait.eq @!p0 [sflag:s7], $0x1  }
0xb3: {  	s6 =	sor.u32 @!p0 s6, s8;
	[sflag:s7] =	ssyncadd.s32 @!p0 $0xFFFFFFFF  }
0xb4: {  	s25 =	simm.s32 $0x1B8E;
	s24 =	sld [smem:$0x3FFE];
	[sflag:s6] =	ssyncadd.remote.s32 @!p0 $0x1  }
0xb5: {  	s26 =	simm.s32 $execute0_lowered;
	[smem:$0x3FD2] =	sst s25  }
0xb6: {  	s7 =	sshll.u32 s26, $0x1;
	_ =	strace $0x80000049;
	[dreg:$0x1] =	wrdreg $0xFFFFFFFF  }
0xb7: {  	s28 =	simm.s32 $_size_execute0_lowered;
	s5 =	sadd.s32 s5, s7;
	[dreg:$0x0] =	wrdreg $0x0  }
0xb8: {  	s7 =	sshll.u32 s28, $0x1;
	[dreg:$0x2] =	wrdreg s5  }
0xb9: {  	[dreg:$0x3] =	wrdreg s7  }
0xba: {  	[dreg:$0x4] =	wrdreg $0xC0  }
0xbb: {  	_ =	task [dreg:s22], $0x5FFFF  }
0xbc: {  	[dreg:$0x1] =	wrdreg $0xFFFFFFFF  }
0xbd: {  	[dreg:$0x0] =	wrdreg $0x60  }
0xbe: {  	[dreg:$0x2] =	wrdreg s4  }
0xbf: {  	[dreg:$0x3] =	wrdreg s18  }
0xc0: {  	[dreg:$0x4] =	wrdreg s24  }
0xc1: {  	[dreg:$0x5] =	wrdreg $0xA  }
0xc2: {  	_ =	task.clear_ibuf [dreg:s22], $0x6FFFF;
	_ =	strace $0x90000049  }
0xc3: {  	s29 =	simm.s32 $0xA;
	_ =	strace $0x8000004B  }
0xc4: {  	_ =	swait.ge [sflag:s29], $0x1  }
0xc5: {  	[sflag:s29] =	ssyncadd.s32 $0xFFFFFFFF  }
0xc6: {  	_ =	strace $0x9000004B  }
0xc7: {  	_ =	sfence  }
0xc8: {  	s30 =	sld [smem:$0x0];
	_ =	sdelay $0x2  }
0xc9: {  	s31 =	sshll.u32 s1, $0xD;
	s1 =	sshrl.u32 s1, $0x2  }
0xca: {  	s4 =	sand.u32 $0x4000, s31;
	s1 =	sadd.s32 s1, s30  }
0xcb: {  	s0 =	sor.u32 s4, s0;
	s1 =	sshll.u32 s1, $0x11  }
0xcc: {  	s0 =	sor.u32 s1, s0  }
0xcd: {  	s0 =	sadd.s32 $0x8F2B, s0  }
0xce: {  	[sflag:s0] =	ssyncadd.remote.s32 $0x1  }
0xcf: {  	_ =	sfence.sel $0xFFFF  }
0xd0: {  	[dreg:$0x0] =	wrdreg $0xFFFFFFFF;
	(pc) =	sbr.abs _section_cstart, $3  }
0xd1: {  	[dreg:$0x1] =	wrdreg $0xFFFFFFFF  }
0xd2: {  	_ =	task.clear_ibuf [dreg:s22], $0x2FFFF;
	_ =	strace $0x9FFFFFFF  }
0xd3: {  	(tm) =	ssettm $0x7FFFFFFF  }
tec
execute0_lowered:
.L_overlay_start_1:
0x0: {  	(tag) =	ssettag $0x1  }
0x1: {  	s1 =	srdreg.scid;
	s0 =	stileid.u32  }
0x2: {  	s2 =	rddreg [dreg:$0x0];
	s20 =	sand.u32 $0x1, s1;
	s25 =	sshll.u32 s0, $0x1  }
0x3: {  	s4 =	rddreg [dreg:$0x1];
	s12 =	sor.u32 s20, s25  }
0x4: {  	s16 =	rddreg [dreg:$0x2];
	s3 =	simm.s32 $0x0;
	s5 =	smul.u32 $0x3, s12  }
0x5: {  	[smem:$0x7FF] =	sst s3;
	s13 =	smul.u32 $0x300, s12  }
0x6: {  	s1 =	rddreg [dreg:$0x3];
	s9 =	sadd.s32 $0x2000, s4;
	_ =	strace $0x8000004A  }
0x7: {  	s6 =	sor.u32 s5, s13;
	s18 =	sadd.s32 $0x1, s5;
	s21 =	sadd.s32 $0x2, s5  }
0x8: {  	s6 =	sand.u32 $0xF70, s6;
	s7 =	sshll.u32 s18, $0x8;
	s5 =	sshll.u32 s21, $0x8  }
0x9: {  	s7 =	sor.u32 s7, s18;
	s4 =	sadd.s32 s6, s9;
	s8 =	sor.u32 s5, s21  }
0xa: {  	s5 =	simm.s32 $0x80;
	s6 =	simm.s32 $0x400;
	s7 =	sand.u32 $0xF70, s7  }
0xb: {  	[tilespmem:s3], [sflag:$0x4] =	stream.strided.gather [hbm4b:s4+s5], $0x100, s6, s5, $0x38;
	[tilespmem:$0x18300] =	vst v63  }
0xc: {  	s10 =	sand.u32 $0xF70, s8;
	s8 =	simm.s32 $0x100;
	s7 =	sadd.s32 s7, s9  }
0xd: {  	[tilespmem:s8], [sflag:$0x4] =	stream.strided.gather [hbm4b:s7+s5], $0x100, s6, s5, $0x38;
	[tilespmem:$0x18300] =	vst v63  }
0xe: {  	s11 =	simm.s32 $0x4;
	s9 =	sadd.s32 s10, s9;
	s10 =	simm.s32 $0x200  }
0xf: {  	[tilespmem:s10], [sflag:$0x4] =	stream.strided.gather [hbm4b:s9+s5], $0x100, s6, s5, $0x38;
	[tilespmem:$0x18300] =	vst v63  }
0x10: {  	_ =	swait.ge [sflag:s11], $0x100  }
0x11: {  	[sflag:s11] =	ssyncset.done $0x0  }
0x12: {  	[sflag:s11] =	ssyncadd.s32 $0xFFFFFF00  }
0x13: {  	_ =	swait.ge [sflag:s11], $0x100  }
0x14: {  	[sflag:s11] =	ssyncset.done $0x0  }
0x15: {  	[sflag:s11] =	ssyncadd.s32 $0xFFFFFF00  }
0x16: {  	_ =	swait.ge [sflag:s11], $0x100  }
0x17: {  	[sflag:s11] =	ssyncset.done $0x0  }
0x18: {  	s14 =	smul.u32 $0x18000, s12;
	s12 =	simm.s32 $0x300;
	[sflag:s11] =	ssyncadd.s32 $0xFFFFFF00  }
0x19: {  	[tilespmem:s12], [sflag:$0x1] =	stream.indirect.gather [hbm4b:s2+s8], $0x80, s3, s8, $0xb8;
	[tilespmem:$0x18300] =	vst v63  }
0x1a: {  	s15 =	sand.u32 $0xF00, s13;
	s17 =	sand.u32 $0x380000, s14;
	s13 =	simm.s32 $0x8300  }
0x1b: {  	[tilespmem:s13], [sflag:$0x2] =	stream.indirect.gather [hbm4b:s2+s8], $0x80, s8, s8, $0xb8;
	[tilespmem:$0x18300] =	vst v63  }
0x1c: {  	s14 =	simm.s32 $0x10300;
	s19 =	sshll.u32 s15, $0x7;
	s15 =	simm.s32 $0x1  }
0x1d: {  	[tilespmem:s14], [sflag:$0x3] =	stream.indirect.gather [hbm4b:s2+s8], $0x80, s10, s8, $0xb8;
	[tilespmem:$0x18300] =	vst v63  }
0x1e: {  	s17 =	sor.u32 s17, s19;
	_ =	swait.ge [sflag:s15], $0x8000  }
0x1f: {  	s22 =	sadd.s32 $0xC1800, s16;
	s26 =	sshrl.u32 s17, $0x3;
	[sflag:s15] =	ssyncset.done $0x0  }
0x20: {  	s16 =	simm.s32 $0x5;
	s17 =	sadd.s32 s22, s26;
	[sflag:s15] =	ssyncadd.s32 $0xFFFF8000  }
0x21: {  	[hbm4b:s17+s3] =	stream.linear.scatter [tilespmem:s12], [sflag:$0x5], $0x8000, $0x38;
	[tilespmem:$0x18300] =	vst v63  }
0x22: {  	_ =	swait.ge [sflag:s16], $0x8000  }
0x23: {  	[sflag:s16] =	ssyncset.done $0x0  }
0x24: {  	s28 =	sshll.u32 s18, $0xC;
	s18 =	simm.s32 $0x2;
	[sflag:s16] =	ssyncadd.s32 $0xFFFF8000  }
0x25: {  	s23 =	sand.u32 $0xF0000, s28;
	_ =	swait.ge [sflag:s18], $0x8000  }
0x26: {  	s19 =	sand.u32 $0xF000, s28;
	s23 =	sadd.s32 s22, s23;
	[sflag:s18] =	ssyncset.done $0x0  }
0x27: {  	s29 =	ssub.s32 $0x2, s20;
	s19 =	sadd.s32 s19, s23;
	[sflag:s18] =	ssyncadd.s32 $0xFFFF8000  }
0x28: {  	[hbm4b:s19+s3] =	stream.linear.scatter [tilespmem:s13], [sflag:$0x5], $0x8000, $0x38;
	[tilespmem:$0x18300] =	vst v63  }
0x29: {  	s20 =	simm.s32 $0x3;
	s24 =	sshrl.u32 s29, $0x1;
	_ =	swait.ge [sflag:s16], $0x8000  }
0x2a: {  	s21 =	sshll.u32 s21, $0xC;
	s23 =	ssub.s32 s29, s24;
	[sflag:s16] =	ssyncset.done $0x0  }
0x2b: {  	s30 =	sand.u32 $0xF0000, s21;
	s31 =	smax.u32 s23, $0x1;
	[sflag:s16] =	ssyncadd.s32 $0xFFFF8000  }
0x2c: {  	s21 =	sand.u32 $0xF000, s21;
	p0 =	sne.s32 s31, $0x1;
	_ =	swait.ge [sflag:s20], $0x8000  }
.Ltmp0:
0x2d: {  	s22 =	sadd.s32 s22, s30;
	[sflag:s20] =	ssyncset.done $0x0;
	(pc) =	sbr.rel @!p0 .LBB2_2-.Ltmp0, $4  }
0x2e: {  	s21 =	sadd.s32 s21, s22;
	[sflag:s20] =	ssyncadd.s32 $0xFFFF8000  }
0x2f: {  	[hbm4b:s21+s3] =	stream.linear.scatter [tilespmem:s14], [sflag:$0x5], $0x8000, $0x38;
	[tilespmem:$0x18300] =	vst v63  }
0x30: {  	_ =	swait.ge [sflag:s16], $0x8000  }
0x31: {  	s22 =	sadd.s32 $0xFFFFFFFF, s31;
	[sflag:s16] =	ssyncset.done $0x0  }
.LBB2_1:
0x32: {  	p0 =	sne.s32 s22, $0x1;
	s22 =	sadd.s32 $0xFFFFFFFF, s22;
	[sflag:s16] =	ssyncadd.s32 $0xFFFF8000  }
0x33: {  	[tilespmem:s3], [sflag:$0x4] =	stream.strided.gather [hbm4b:s4+s5], $0x100, s6, s5, $0x38;
	[tilespmem:$0x18300] =	vst v63  }
0x34: {  	_ = 	snop  }
0x35: {  	[tilespmem:s8], [sflag:$0x4] =	stream.strided.gather [hbm4b:s7+s5], $0x100, s6, s5, $0x38;
	[tilespmem:$0x18300] =	vst v63  }
0x36: {  	_ = 	snop  }
0x37: {  	[tilespmem:s10], [sflag:$0x4] =	stream.strided.gather [hbm4b:s9+s5], $0x100, s6, s5, $0x38;
	[tilespmem:$0x18300] =	vst v63  }
0x38: {  	_ =	swait.ge [sflag:s11], $0x100  }
0x39: {  	[sflag:s11] =	ssyncset.done $0x0  }
0x3a: {  	[sflag:s11] =	ssyncadd.s32 $0xFFFFFF00  }
0x3b: {  	_ =	swait.ge [sflag:s11], $0x100  }
0x3c: {  	[sflag:s11] =	ssyncset.done $0x0  }
0x3d: {  	[sflag:s11] =	ssyncadd.s32 $0xFFFFFF00  }
0x3e: {  	_ =	swait.ge [sflag:s11], $0x100  }
0x3f: {  	[sflag:s11] =	ssyncset.done $0x0  }
0x40: {  	[sflag:s11] =	ssyncadd.s32 $0xFFFFFF00  }
0x41: {  	[tilespmem:s12], [sflag:$0x1] =	stream.indirect.gather [hbm4b:s2+s8], $0x80, s3, s8, $0xb8;
	[tilespmem:$0x18300] =	vst v63  }
0x42: {  	_ = 	snop  }
0x43: {  	[tilespmem:s13], [sflag:$0x2] =	stream.indirect.gather [hbm4b:s2+s8], $0x80, s8, s8, $0xb8;
	[tilespmem:$0x18300] =	vst v63  }
0x44: {  	_ = 	snop  }
0x45: {  	[tilespmem:s14], [sflag:$0x3] =	stream.indirect.gather [hbm4b:s2+s8], $0x80, s10, s8, $0xb8;
	[tilespmem:$0x18300] =	vst v63  }
0x46: {  	_ =	swait.ge [sflag:s15], $0x8000  }
0x47: {  	[sflag:s15] =	ssyncset.done $0x0  }
0x48: {  	[sflag:s15] =	ssyncadd.s32 $0xFFFF8000  }
0x49: {  	[hbm4b:s17+s3] =	stream.linear.scatter [tilespmem:s12], [sflag:$0x5], $0x8000, $0x38;
	[tilespmem:$0x18300] =	vst v63  }
0x4a: {  	_ =	swait.ge [sflag:s16], $0x8000  }
0x4b: {  	[sflag:s16] =	ssyncset.done $0x0  }
0x4c: {  	[sflag:s16] =	ssyncadd.s32 $0xFFFF8000  }
0x4d: {  	_ =	swait.ge [sflag:s18], $0x8000  }
0x4e: {  	[sflag:s18] =	ssyncset.done $0x0  }
0x4f: {  	[sflag:s18] =	ssyncadd.s32 $0xFFFF8000  }
0x50: {  	[hbm4b:s19+s3] =	stream.linear.scatter [tilespmem:s13], [sflag:$0x5], $0x8000, $0x38;
	[tilespmem:$0x18300] =	vst v63  }
0x51: {  	_ =	swait.ge [sflag:s16], $0x8000  }
0x52: {  	[sflag:s16] =	ssyncset.done $0x0  }
0x53: {  	[sflag:s16] =	ssyncadd.s32 $0xFFFF8000  }
0x54: {  	_ =	swait.ge [sflag:s20], $0x8000  }
.Ltmp1:
0x55: {  	[sflag:s20] =	ssyncset.done $0x0;
	(pc) =	sbr.rel @p0 .LBB2_1-.Ltmp1, $4  }
0x56: {  	[sflag:s20] =	ssyncadd.s32 $0xFFFF8000  }
0x57: {  	[hbm4b:s21+s3] =	stream.linear.scatter [tilespmem:s14], [sflag:$0x5], $0x8000, $0x38;
	[tilespmem:$0x18300] =	vst v63  }
0x58: {  	_ =	swait.ge [sflag:s16], $0x8000  }
0x59: {  	[sflag:s16] =	ssyncset.done $0x0  }
.LBB2_2:
0x5a: {  	[sflag:s16] =	ssyncadd.s32 $0xFFFF8000  }
0x5b: {  	_ =	sfence.sel $0x180000  }
0x5c: {  	[bflag:$0x0] =	sbarrier.arrive $0xFFFF  }
0x5d: {  	p0 =	sne.s32 s0, $0x0;
	_ =	strace $0x9000004A  }
0x5e: {  	s0 =	sadd.s32 @!p0 $0x100000, s1;
	[bflag:$0x2] =	sbarrier.arrive $0xFFFF  }
0x5f: {  	[sflag:s0] =	ssyncadd.tile.s32 @!p0 $0x1;
	_ =	shalt  }
.Lfunc_end2:
_tile_overlayer_lowered:
.L_overlay_start_2:
0x60: {  	(tag) =	ssettag $0x2  }
0x61: {  	s0 =	rddreg [dreg:$0x0];
	s2 =	stileid.u32  }
0x62: {  	s1 =	rddreg [dreg:$0x1];
	p0 =	sne.s32 s2, $0x0  }
0x63: {  	s3 =	rddreg [dreg:$0x2];
	[bflag:$0x3] =	sbarrier.arrive $0xFFFF;
	s2 =	simm.s32 @!p0 $0x1C05  }
0x64: {  	[timem:s3], [sflag:s2] =	dma.local @!p0 [hbm:s0], s1  }
0x65: {  	s0 =	simm.s32 @!p0 $0x5  }
0x66: {  	_ =	swait.ge @!p0 [sflag:s0], s1  }
0x67: {  	s1 =	ssub.s32 @!p0 $0x0, s1;
	[sflag:s0] =	ssyncset.done @!p0 $0x0  }
0x68: {  	[sflag:s0] =	ssyncadd.s32 @!p0 s1  }
0x69: {  	[bflag:$0x3] =	sbarrier.arrive $0xFFFF  }
0x6a: {  	_ =	shalt  }

// kernel: kernel.14.cloned.1.call-start
scs
__scs_entry_jumppad:
0x0: {  	(pc) =	sbr.rel $0x88, $3  }
0x1: {  	(tag) =	ssettag $0x0;
	lr =	simm.s32 $0x1  }
0x2: {  	[smem:$0x3F9B] =	sst lr;
	_ =	strace $0xD0000000  }
0x3: {  	_ = 	snop  }
0x4: {  	_ = 	snop  }
0x5: {  	_ = 	snop  }
0x6: {  	_ = 	snop  }
0x7: {  	_ = 	snop  }
__scs_overlays_trampoline_lowered:
0x8: {  	[smem:$0x3FAA] =	sst s0  }
0x9: {  	[smem:$0x3FAB] =	sst s1  }
0xa: {  	[smem:$0x3FAC] =	sst s2  }
0xb: {  	[smem:$0x3FAD] =	sst s3  }
0xc: {  	[smem:$0x3FAE] =	sst s4  }
0xd: {  	[smem:$0x3FAF] =	sst s5  }
0xe: {  	[smem:$0x3FB0] =	sst s6  }
0xf: {  	[smem:$0x3FB1] =	sst s7  }
0x10: {  	[smem:$0x3FB2] =	sst s8  }
0x11: {  	[smem:$0x3FB3] =	sst s9;
	s0 =	simm.s32 @!p0 $0x0  }
0x12: {  	s1 =	sld [smem:$0x3F99];
	s0 =	simm.s32 @p0 $0x1  }
0x13: {  	[smem:$0x3FB4] =	sst s0;
	s0 =	simm.s32 @!p1 $0x0  }
0x14: {  	s2 =	sld [smem:$0x3F98];
	s0 =	simm.s32 @p1 $0x1  }
0x15: {  	[smem:$0x3FB5] =	sst s0;
	s0 =	simm.s32 @!p2 $0x0  }
0x16: {  	s3 =	sld [smem:$0x3FDB];
	s0 =	simm.s32 @p2 $0x1  }
0x17: {  	s4 =	simm.s32 $0x1BF5;
	[smem:$0x3FB7] =	sst s0  }
0x18: {  	s0 =	sld [smem:$0x3F9A];
	_ =	swait.ge [sflag:s4], $0x0  }
0x19: {  	s7 =	sld [smem:$0x3F9B]  }
0x1a: {  	s8 =	sadd.s32 $0xFFFFE003, lr  }
0x1b: {  	s9 =	sadd.s32 $0xFFFFFEF7, lr;
	s5 =	simm.s32 $0xFFFFFFFF;
	p2 =	slt.u32 s8, $0xFFFFF086  }
0x1c: {  	p1 =	slt.u32 s9, $0xF7A;
	s5 =	simm.s32 @!p2 $0x0  }
0x1d: {  	s5 =	simm.s32 @p1 $0x1;
	p0 =	seq.s32 s7, s2  }
0x1e: {  	s7 =	smul.u32 @!p0 $0xF7A, s2;
	p2 =	seq.s32 @!p0 s5, $0x0  }
0x1f: {  	s9 =	smul.u32 $0xF7A, s1;
	s8 =	simm.s32 @!p0 $0x1BF5;
	p2 =	por !p2, p0  }
0x20: {  	[sflag:s8] =	ssyncset.s32 @!p0 $0xFFFFF086;
	s6 =	sadd.s32 @!p0 s3, s7;
	s7 =	simm.s32 @!p0 $0x108  }
0x21: {  	s3 =	sadd.s32 s3, s9;
	s6 =	sadd.s32 @!p0 $0x88, s6;
	s7 =	simm.s32 @p2 $0x1082  }
0x22: {  	[simem:s7], [sflag:s8] =	dma.local @!p0 [hbm:s6], $0xF7A  }
0x23: {  	s9 =	sor.u32 $0xD0000000, s2;
	s6 =	simm.s32 $0x108;
	_ =	swait.ge @!p0 [sflag:s8], $0x0  }
0x24: {  	s3 =	sadd.s32 $0x88, s3;
	s6 =	simm.s32 @!p1 $0x1082;
	[sflag:s4] =	ssyncset.s32 $0xFFFFF086  }
0x25: {  	[simem:s6], [sflag:s4] =	dma.local [hbm:s3], $0xF7A  }
0x26: {  	[smem:$0x3F9B] =	sst s1;
	(tag) =	ssettag s2;
	_ =	strace s9  }
0x27: {  	s1 =	sld [smem:$0x3FAB]  }
0x28: {  	s2 =	sld [smem:$0x3FAC]  }
0x29: {  	s4 =	sld [smem:$0x3FAE]  }
0x2a: {  	p0 =	seq.s32 s5, $0x0;
	s5 =	sld [smem:$0x3FAF]  }
0x2b: {  	s6 =	sld [smem:$0x3FB0]  }
0x2c: {  	s7 =	sld [smem:$0x3FB1]  }
0x2d: {  	s3 =	simm.s32 $0x108;
	s8 =	sld [smem:$0x3FB2]  }
0x2e: {  	s3 =	simm.s32 @!p0 $0x1082;
	s9 =	sld [smem:$0x3FB3]  }
0x2f: {  	lr =	sadd.s32 s0, s3;
	s0 =	sld [smem:$0x3FAA]  }
0x30: {  	s3 =	sld [smem:$0x3FAD]  }
0x31: {  	[smem:$0x3FB6] =	sst s10  }
0x32: {  	s10 =	sld [smem:$0x3FB4];
	_ =	sdelay $0x3  }
0x33: {  	p0 =	seq.s32 s10, $0x1;
	s10 =	sld [smem:$0x3FB6];
	_ =	sdelay $0x3  }
0x34: {  	[smem:$0x3FB6] =	sst s10  }
0x35: {  	s10 =	sld [smem:$0x3FB5];
	_ =	sdelay $0x3  }
0x36: {  	p1 =	seq.s32 s10, $0x1;
	s10 =	sld [smem:$0x3FB6];
	_ =	sdelay $0x3  }
0x37: {  	[smem:$0x3FB6] =	sst s10  }
0x38: {  	s10 =	sld [smem:$0x3FB7]  }
0x39: {  	_ = 	snop;
	(pc) =	sbr.ind lr, $3  }
0x3a: {  	_ = 	snop  }
0x3b: {  	_ = 	snop  }
0x3c: {  	p2 =	seq.s32 s10, $0x1;
	s10 =	sld [smem:$0x3FB6]  }
0x3d: {  	_ =	shalt  }
0x3e: {  	_ =	shalt  }
0x3f: {  	_ =	shalt  }
0x40: {  	_ =	shalt  }
0x41: {  	_ =	shalt  }
0x42: {  	_ =	shalt  }
0x43: {  	_ =	shalt  }
0x44: {  	_ =	shalt  }
0x45: {  	_ =	shalt  }
0x46: {  	_ =	shalt  }
0x47: {  	_ =	shalt  }
0x48: {  	_ =	shalt  }
0x49: {  	_ =	shalt  }
0x4a: {  	_ =	shalt  }
0x4b: {  	_ =	shalt  }
0x4c: {  	_ =	shalt  }
0x4d: {  	_ =	shalt  }
0x4e: {  	_ =	shalt  }
0x4f: {  	_ =	shalt  }
0x50: {  	_ =	shalt  }
0x51: {  	_ =	shalt  }
0x52: {  	_ =	shalt  }
0x53: {  	_ =	shalt  }
0x54: {  	_ =	shalt  }
0x55: {  	_ =	shalt  }
0x56: {  	_ =	shalt  }
0x57: {  	_ =	shalt  }
0x58: {  	_ =	shalt  }
0x59: {  	_ =	shalt  }
0x5a: {  	_ =	shalt  }
0x5b: {  	_ =	shalt  }
0x5c: {  	_ =	shalt  }
0x5d: {  	_ =	shalt  }
0x5e: {  	_ =	shalt  }
0x5f: {  	_ =	shalt  }
0x60: {  	_ =	shalt  }
0x61: {  	_ =	shalt  }
0x62: {  	_ =	shalt  }
0x63: {  	_ =	shalt  }
0x64: {  	_ =	shalt  }
0x65: {  	_ =	shalt  }
0x66: {  	_ =	shalt  }
0x67: {  	_ =	shalt  }
0x68: {  	_ =	shalt  }
0x69: {  	_ =	shalt  }
0x6a: {  	_ =	shalt  }
0x6b: {  	_ =	shalt  }
0x6c: {  	_ =	shalt  }
0x6d: {  	_ =	shalt  }
0x6e: {  	_ =	shalt  }
0x6f: {  	_ =	shalt  }
0x70: {  	_ =	shalt  }
0x71: {  	_ =	shalt  }
0x72: {  	_ =	shalt  }
0x73: {  	_ =	shalt  }
0x74: {  	_ =	shalt  }
0x75: {  	_ =	shalt  }
0x76: {  	_ =	shalt  }
0x77: {  	_ =	shalt  }
0x78: {  	_ =	shalt  }
0x79: {  	_ =	shalt  }
0x7a: {  	_ =	shalt  }
0x7b: {  	_ =	shalt  }
0x7c: {  	_ =	shalt  }
0x7d: {  	_ =	shalt  }
0x7e: {  	_ =	shalt  }
0x7f: {  	_ =	shalt  }
0x80: {  	_ =	shalt  }
0x81: {  	_ =	shalt  }
0x82: {  	_ =	shalt  }
0x83: {  	_ =	shalt  }
0x84: {  	_ =	shalt  }
0x85: {  	_ =	shalt  }
0x86: {  	_ =	shalt  }
0x87: {  	_ =	shalt  }
.Lfunc_end0:
.L_simem_size_0:
called_computation.2_lowered:
.L_overlay_start_0:
0x88: {  	s2 =	sld [smem:$0x3FD9]  }
0x89: {  	s3 =	sld [smem:$0x3FFE];
	_ =	sdelay $0x1  }
0x8a: {  	s1 =	srdreg.scid  }
0x8b: {  	s0 =	sand.u32 $0x1, s1  }
0x8c: {  	s17 =	sshll.u32 s0, $0xA;
	s2 =	sadd.s32 s3, s2  }
0x8d: {  	s2 =	sadd.s32 s2, s17  }
0x8e: {  	[smem:$0x3FC2] =	sst s2  }
0x8f: {  	_ = 	snop  }
0x90: {  	s18 =	sld [smem:$0x3FC9]  }
0x91: {  	s4 =	sld [smem:$0x3FC8];
	(tm) =	ssettm $0x1  }
0x92: {  	s19 =	sld [smem:$0x3FFB];
	_ =	sdelay $0x3  }
0x93: {  	_ =	strace s19  }
0x94: {  	s2 =	sld [smem:$0x3FFC];
	_ =	sdelay $0x3  }
0x95: {  	_ =	strace s2  }
0x96: {  	s2 =	sld [smem:$0x3FFD];
	_ =	sdelay $0x3  }
0x97: {  	_ =	strace s2  }
0x98: {  	_ =	strace $0x8FFFFFFF  }
0x99: {  	s20 =	sld [smem:$0x3FDB];
	_ =	sdelay $0x1  }
0x9a: {  	s5 =	simm.s32 $_scs_section_size  }
0x9b: {  	s6 =	simm.s32 $_size__tile_overlayer_lowered;
	s7 =	simm.s32 $_tile_overlayer_lowered  }
0x9c: {  	s8 =	simm.s32 $0x1BFF;
	s21 =	sshll.u32 s7, $0x1;
	s5 =	sadd.s32 s5, s20  }
0x9d: {  	s22 =	simm.s32 $0x0;
	s6 =	sshll.u32 s6, $0x1;
	s7 =	sadd.s32 s21, s5  }
0x9e: {  	[timem:s22], [sflag:s8] =	dma.local [hbm:s7], s6  }
0x9f: {  	_ =	swait.ge [sflag:s8], s6  }
0xa0: {  	s6 =	ssub.s32 $0x0, s6;
	[sflag:s8] =	ssyncset.done $0x0  }
0xa1: {  	[sflag:s8] =	ssyncadd.s32 s6;
	_ =	sdelay $0x1  }
0xa2: {  	s23 =	simm.s32 $0x1B8B  }
0xa3: {  	_ =	swait.ge [sflag:s23], $0x1  }
0xa4: {  	[sflag:s23] =	ssyncset.done $0x0  }
0xa5: {  	[sflag:s23] =	ssyncadd.s32 $0xFFFFFFFF  }
0xa6: {  	s6 =	sld [smem:$0x0]  }
0xa7: {  	s7 =	sand.u32 $0xFFFFFFFE, s1  }
0xa8: {  	p0 =	sne.s32 s1, s7  }
0xa9: {  	s7 =	sshll.u32 @p0 s7, $0xE  }
0xaa: {  	s7 =	sadd.s32 @p0 $0x11B8D, s7;
	s8 =	sshll.u32 @p0 s6, $0x11  }
0xab: {  	s7 =	sor.u32 @p0 s8, s7  }
0xac: {  	[sflag:s7] =	ssyncadd.remote.s32 @p0 $0x1;
	_ =	sdelay $0x1  }
0xad: {  	s7 =	simm.s32 @p0 $0x1B8D  }
0xae: {  	_ =	swait.eq @p0 [sflag:s7], $0x1  }
0xaf: {  	[sflag:s7] =	ssyncadd.s32 @p0 $0xFFFFFFFF  }
0xb0: {  	s8 =	sshll.u32 @!p0 s1, $0xE  }
0xb1: {  	s8 =	sor.u32 @!p0 $0x4000, s8;
	s7 =	simm.s32 @!p0 $0x1B8D  }
0xb2: {  	s6 =	sshll.u32 @!p0 s6, $0x11;
	s8 =	sadd.s32 @!p0 $0x11B8D, s8;
	_ =	swait.eq @!p0 [sflag:s7], $0x1  }
0xb3: {  	s6 =	sor.u32 @!p0 s6, s8;
	[sflag:s7] =	ssyncadd.s32 @!p0 $0xFFFFFFFF  }
0xb4: {  	s25 =	simm.s32 $0x1B8E;
	s24 =	sld [smem:$0x3FFE];
	[sflag:s6] =	ssyncadd.remote.s32 @!p0 $0x1  }
0xb5: {  	s26 =	simm.s32 $execute0_lowered;
	[smem:$0x3FD2] =	sst s25  }
0xb6: {  	s7 =	sshll.u32 s26, $0x1;
	_ =	strace $0x8000004C;
	[dreg:$0x1] =	wrdreg $0xFFFFFFFF  }
0xb7: {  	s28 =	simm.s32 $_size_execute0_lowered;
	s5 =	sadd.s32 s5, s7;
	[dreg:$0x0] =	wrdreg $0x0  }
0xb8: {  	s7 =	sshll.u32 s28, $0x1;
	[dreg:$0x2] =	wrdreg s5  }
0xb9: {  	[dreg:$0x3] =	wrdreg s7  }
0xba: {  	[dreg:$0x4] =	wrdreg $0xC0  }
0xbb: {  	_ =	task [dreg:s22], $0x5FFFF  }
0xbc: {  	[dreg:$0x1] =	wrdreg $0xFFFFFFFF  }
0xbd: {  	[dreg:$0x0] =	wrdreg $0x60  }
0xbe: {  	[dreg:$0x2] =	wrdreg s4  }
0xbf: {  	[dreg:$0x3] =	wrdreg s18  }
0xc0: {  	[dreg:$0x4] =	wrdreg s24  }
0xc1: {  	[dreg:$0x5] =	wrdreg $0xB  }
0xc2: {  	_ =	task.clear_ibuf [dreg:s22], $0x6FFFF;
	_ =	strace $0x9000004C  }
0xc3: {  	s29 =	simm.s32 $0xB;
	_ =	strace $0x8000004E  }
0xc4: {  	_ =	swait.ge [sflag:s29], $0x1  }
0xc5: {  	[sflag:s29] =	ssyncadd.s32 $0xFFFFFFFF  }
0xc6: {  	_ =	strace $0x9000004E  }
0xc7: {  	_ =	sfence  }
0xc8: {  	s30 =	sld [smem:$0x0];
	_ =	sdelay $0x2  }
0xc9: {  	s31 =	sshll.u32 s1, $0xD;
	s1 =	sshrl.u32 s1, $0x2  }
0xca: {  	s4 =	sand.u32 $0x4000, s31;
	s1 =	sadd.s32 s1, s30  }
0xcb: {  	s0 =	sor.u32 s4, s0;
	s1 =	sshll.u32 s1, $0x11  }
0xcc: {  	s0 =	sor.u32 s1, s0  }
0xcd: {  	s0 =	sadd.s32 $0x8F2B, s0  }
0xce: {  	[sflag:s0] =	ssyncadd.remote.s32 $0x1  }
0xcf: {  	_ =	sfence.sel $0xFFFF  }
0xd0: {  	[dreg:$0x0] =	wrdreg $0xFFFFFFFF;
	(pc) =	sbr.abs _section_cstart, $3  }
0xd1: {  	[dreg:$0x1] =	wrdreg $0xFFFFFFFF  }
0xd2: {  	_ =	task.clear_ibuf [dreg:s22], $0x2FFFF;
	_ =	strace $0x9FFFFFFF  }
0xd3: {  	(tm) =	ssettm $0x7FFFFFFF  }
tec
execute0_lowered:
.L_overlay_start_1:
0x0: {  	(tag) =	ssettag $0x1  }
0x1: {  	s1 =	srdreg.scid;
	s0 =	stileid.u32  }
0x2: {  	s2 =	rddreg [dreg:$0x0];
	s20 =	sand.u32 $0x1, s1;
	s25 =	sshll.u32 s0, $0x1  }
0x3: {  	s4 =	rddreg [dreg:$0x1];
	s12 =	sor.u32 s20, s25  }
0x4: {  	s16 =	rddreg [dreg:$0x2];
	s3 =	simm.s32 $0x0;
	s5 =	smul.u32 $0x3, s12  }
0x5: {  	[smem:$0x7FF] =	sst s3;
	s13 =	smul.u32 $0x300, s12  }
0x6: {  	s1 =	rddreg [dreg:$0x3];
	s9 =	sadd.s32 $0x3000, s4;
	_ =	strace $0x8000004D  }
0x7: {  	s6 =	sor.u32 s5, s13;
	s18 =	sadd.s32 $0x1, s5;
	s21 =	sadd.s32 $0x2, s5  }
0x8: {  	s6 =	sand.u32 $0xF70, s6;
	s7 =	sshll.u32 s18, $0x8;
	s5 =	sshll.u32 s21, $0x8  }
0x9: {  	s7 =	sor.u32 s7, s18;
	s4 =	sadd.s32 s6, s9;
	s8 =	sor.u32 s5, s21  }
0xa: {  	s5 =	simm.s32 $0x80;
	s6 =	simm.s32 $0x400;
	s7 =	sand.u32 $0xF70, s7  }
0xb: {  	[tilespmem:s3], [sflag:$0x4] =	stream.strided.gather [hbm4b:s4+s5], $0x100, s6, s5, $0x38;
	[tilespmem:$0x18300] =	vst v63  }
0xc: {  	s10 =	sand.u32 $0xF70, s8;
	s8 =	simm.s32 $0x100;
	s7 =	sadd.s32 s7, s9  }
0xd: {  	[tilespmem:s8], [sflag:$0x4] =	stream.strided.gather [hbm4b:s7+s5], $0x100, s6, s5, $0x38;
	[tilespmem:$0x18300] =	vst v63  }
0xe: {  	s11 =	simm.s32 $0x4;
	s9 =	sadd.s32 s10, s9;
	s10 =	simm.s32 $0x200  }
0xf: {  	[tilespmem:s10], [sflag:$0x4] =	stream.strided.gather [hbm4b:s9+s5], $0x100, s6, s5, $0x38;
	[tilespmem:$0x18300] =	vst v63  }
0x10: {  	_ =	swait.ge [sflag:s11], $0x100  }
0x11: {  	[sflag:s11] =	ssyncset.done $0x0  }
0x12: {  	[sflag:s11] =	ssyncadd.s32 $0xFFFFFF00  }
0x13: {  	_ =	swait.ge [sflag:s11], $0x100  }
0x14: {  	[sflag:s11] =	ssyncset.done $0x0  }
0x15: {  	[sflag:s11] =	ssyncadd.s32 $0xFFFFFF00  }
0x16: {  	_ =	swait.ge [sflag:s11], $0x100  }
0x17: {  	[sflag:s11] =	ssyncset.done $0x0  }
0x18: {  	s14 =	smul.u32 $0x18000, s12;
	s12 =	simm.s32 $0x300;
	[sflag:s11] =	ssyncadd.s32 $0xFFFFFF00  }
0x19: {  	[tilespmem:s12], [sflag:$0x1] =	stream.indirect.gather [hbm4b:s2+s8], $0x80, s3, s8, $0xb8;
	[tilespmem:$0x18300] =	vst v63  }
0x1a: {  	s15 =	sand.u32 $0xF00, s13;
	s17 =	sand.u32 $0x380000, s14;
	s13 =	simm.s32 $0x8300  }
0x1b: {  	[tilespmem:s13], [sflag:$0x2] =	stream.indirect.gather [hbm4b:s2+s8], $0x80, s8, s8, $0xb8;
	[tilespmem:$0x18300] =	vst v63  }
0x1c: {  	s14 =	simm.s32 $0x10300;
	s19 =	sshll.u32 s15, $0x7;
	s15 =	simm.s32 $0x1  }
0x1d: {  	[tilespmem:s14], [sflag:$0x3] =	stream.indirect.gather [hbm4b:s2+s8], $0x80, s10, s8, $0xb8;
	[tilespmem:$0x18300] =	vst v63  }
0x1e: {  	s17 =	sor.u32 s17, s19;
	_ =	swait.ge [sflag:s15], $0x8000  }
0x1f: {  	s22 =	sadd.s32 $0x121800, s16;
	s26 =	sshrl.u32 s17, $0x3;
	[sflag:s15] =	ssyncset.done $0x0  }
0x20: {  	s16 =	simm.s32 $0x5;
	s17 =	sadd.s32 s22, s26;
	[sflag:s15] =	ssyncadd.s32 $0xFFFF8000  }
0x21: {  	[hbm4b:s17+s3] =	stream.linear.scatter [tilespmem:s12], [sflag:$0x5], $0x8000, $0x38;
	[tilespmem:$0x18300] =	vst v63  }
0x22: {  	_ =	swait.ge [sflag:s16], $0x8000  }
0x23: {  	[sflag:s16] =	ssyncset.done $0x0  }
0x24: {  	s28 =	sshll.u32 s18, $0xC;
	s18 =	simm.s32 $0x2;
	[sflag:s16] =	ssyncadd.s32 $0xFFFF8000  }
0x25: {  	s23 =	sand.u32 $0xF0000, s28;
	_ =	swait.ge [sflag:s18], $0x8000  }
0x26: {  	s19 =	sand.u32 $0xF000, s28;
	s23 =	sadd.s32 s22, s23;
	[sflag:s18] =	ssyncset.done $0x0  }
0x27: {  	s29 =	ssub.s32 $0x2, s20;
	s19 =	sadd.s32 s19, s23;
	[sflag:s18] =	ssyncadd.s32 $0xFFFF8000  }
0x28: {  	[hbm4b:s19+s3] =	stream.linear.scatter [tilespmem:s13], [sflag:$0x5], $0x8000, $0x38;
	[tilespmem:$0x18300] =	vst v63  }
0x29: {  	s20 =	simm.s32 $0x3;
	s24 =	sshrl.u32 s29, $0x1;
	_ =	swait.ge [sflag:s16], $0x8000  }
0x2a: {  	s21 =	sshll.u32 s21, $0xC;
	s23 =	ssub.s32 s29, s24;
	[sflag:s16] =	ssyncset.done $0x0  }
0x2b: {  	s30 =	sand.u32 $0xF0000, s21;
	s31 =	smax.u32 s23, $0x1;
	[sflag:s16] =	ssyncadd.s32 $0xFFFF8000  }
0x2c: {  	s21 =	sand.u32 $0xF000, s21;
	p0 =	sne.s32 s31, $0x1;
	_ =	swait.ge [sflag:s20], $0x8000  }
.Ltmp0:
0x2d: {  	s22 =	sadd.s32 s22, s30;
	[sflag:s20] =	ssyncset.done $0x0;
	(pc) =	sbr.rel @!p0 .LBB2_2-.Ltmp0, $4  }
0x2e: {  	s21 =	sadd.s32 s21, s22;
	[sflag:s20] =	ssyncadd.s32 $0xFFFF8000  }
0x2f: {  	[hbm4b:s21+s3] =	stream.linear.scatter [tilespmem:s14], [sflag:$0x5], $0x8000, $0x38;
	[tilespmem:$0x18300] =	vst v63  }
0x30: {  	_ =	swait.ge [sflag:s16], $0x8000  }
0x31: {  	s22 =	sadd.s32 $0xFFFFFFFF, s31;
	[sflag:s16] =	ssyncset.done $0x0  }
.LBB2_1:
0x32: {  	p0 =	sne.s32 s22, $0x1;
	s22 =	sadd.s32 $0xFFFFFFFF, s22;
	[sflag:s16] =	ssyncadd.s32 $0xFFFF8000  }
0x33: {  	[tilespmem:s3], [sflag:$0x4] =	stream.strided.gather [hbm4b:s4+s5], $0x100, s6, s5, $0x38;
	[tilespmem:$0x18300] =	vst v63  }
0x34: {  	_ = 	snop  }
0x35: {  	[tilespmem:s8], [sflag:$0x4] =	stream.strided.gather [hbm4b:s7+s5], $0x100, s6, s5, $0x38;
	[tilespmem:$0x18300] =	vst v63  }
0x36: {  	_ = 	snop  }
0x37: {  	[tilespmem:s10], [sflag:$0x4] =	stream.strided.gather [hbm4b:s9+s5], $0x100, s6, s5, $0x38;
	[tilespmem:$0x18300] =	vst v63  }
0x38: {  	_ =	swait.ge [sflag:s11], $0x100  }
0x39: {  	[sflag:s11] =	ssyncset.done $0x0  }
0x3a: {  	[sflag:s11] =	ssyncadd.s32 $0xFFFFFF00  }
0x3b: {  	_ =	swait.ge [sflag:s11], $0x100  }
0x3c: {  	[sflag:s11] =	ssyncset.done $0x0  }
0x3d: {  	[sflag:s11] =	ssyncadd.s32 $0xFFFFFF00  }
0x3e: {  	_ =	swait.ge [sflag:s11], $0x100  }
0x3f: {  	[sflag:s11] =	ssyncset.done $0x0  }
0x40: {  	[sflag:s11] =	ssyncadd.s32 $0xFFFFFF00  }
0x41: {  	[tilespmem:s12], [sflag:$0x1] =	stream.indirect.gather [hbm4b:s2+s8], $0x80, s3, s8, $0xb8;
	[tilespmem:$0x18300] =	vst v63  }
0x42: {  	_ = 	snop  }
0x43: {  	[tilespmem:s13], [sflag:$0x2] =	stream.indirect.gather [hbm4b:s2+s8], $0x80, s8, s8, $0xb8;
	[tilespmem:$0x18300] =	vst v63  }
0x44: {  	_ = 	snop  }
0x45: {  	[tilespmem:s14], [sflag:$0x3] =	stream.indirect.gather [hbm4b:s2+s8], $0x80, s10, s8, $0xb8;
	[tilespmem:$0x18300] =	vst v63  }
0x46: {  	_ =	swait.ge [sflag:s15], $0x8000  }
0x47: {  	[sflag:s15] =	ssyncset.done $0x0  }
0x48: {  	[sflag:s15] =	ssyncadd.s32 $0xFFFF8000  }
0x49: {  	[hbm4b:s17+s3] =	stream.linear.scatter [tilespmem:s12], [sflag:$0x5], $0x8000, $0x38;
	[tilespmem:$0x18300] =	vst v63  }
0x4a: {  	_ =	swait.ge [sflag:s16], $0x8000  }
0x4b: {  	[sflag:s16] =	ssyncset.done $0x0  }
0x4c: {  	[sflag:s16] =	ssyncadd.s32 $0xFFFF8000  }
0x4d: {  	_ =	swait.ge [sflag:s18], $0x8000  }
0x4e: {  	[sflag:s18] =	ssyncset.done $0x0  }
0x4f: {  	[sflag:s18] =	ssyncadd.s32 $0xFFFF8000  }
0x50: {  	[hbm4b:s19+s3] =	stream.linear.scatter [tilespmem:s13], [sflag:$0x5], $0x8000, $0x38;
	[tilespmem:$0x18300] =	vst v63  }
0x51: {  	_ =	swait.ge [sflag:s16], $0x8000  }
0x52: {  	[sflag:s16] =	ssyncset.done $0x0  }
0x53: {  	[sflag:s16] =	ssyncadd.s32 $0xFFFF8000  }
0x54: {  	_ =	swait.ge [sflag:s20], $0x8000  }
.Ltmp1:
0x55: {  	[sflag:s20] =	ssyncset.done $0x0;
	(pc) =	sbr.rel @p0 .LBB2_1-.Ltmp1, $4  }
0x56: {  	[sflag:s20] =	ssyncadd.s32 $0xFFFF8000  }
0x57: {  	[hbm4b:s21+s3] =	stream.linear.scatter [tilespmem:s14], [sflag:$0x5], $0x8000, $0x38;
	[tilespmem:$0x18300] =	vst v63  }
0x58: {  	_ =	swait.ge [sflag:s16], $0x8000  }
0x59: {  	[sflag:s16] =	ssyncset.done $0x0  }
.LBB2_2:
0x5a: {  	[sflag:s16] =	ssyncadd.s32 $0xFFFF8000  }
0x5b: {  	_ =	sfence.sel $0x180000  }
0x5c: {  	[bflag:$0x0] =	sbarrier.arrive $0xFFFF  }
0x5d: {  	p0 =	sne.s32 s0, $0x0;
	_ =	strace $0x9000004D  }
0x5e: {  	s0 =	sadd.s32 @!p0 $0x100000, s1;
	[bflag:$0x2] =	sbarrier.arrive $0xFFFF  }
0x5f: {  	[sflag:s0] =	ssyncadd.tile.s32 @!p0 $0x1;
	_ =	shalt  }
.Lfunc_end2:
_tile_overlayer_lowered:
.L_overlay_start_2:
0x60: {  	(tag) =	ssettag $0x2  }
0x61: {  	s0 =	rddreg [dreg:$0x0];
	s2 =	stileid.u32  }
0x62: {  	s1 =	rddreg [dreg:$0x1];
	p0 =	sne.s32 s2, $0x0  }
0x63: {  	s3 =	rddreg [dreg:$0x2];
	[bflag:$0x3] =	sbarrier.arrive $0xFFFF;
	s2 =	simm.s32 @!p0 $0x1C05  }
0x64: {  	[timem:s3], [sflag:s2] =	dma.local @!p0 [hbm:s0], s1  }
0x65: {  	s0 =	simm.s32 @!p0 $0x5  }
0x66: {  	_ =	swait.ge @!p0 [sflag:s0], s1  }
0x67: {  	s1 =	ssub.s32 @!p0 $0x0, s1;
	[sflag:s0] =	ssyncset.done @!p0 $0x0  }
0x68: {  	[sflag:s0] =	ssyncadd.s32 @!p0 s1  }
0x69: {  	[bflag:$0x3] =	sbarrier.arrive $0xFFFF  }
0x6a: {  	_ =	shalt  }

// kernel: kernel.8.cloned.1.call-start
scs
__scs_entry_jumppad:
0x0: {  	(pc) =	sbr.rel $0x88, $3  }
0x1: {  	(tag) =	ssettag $0x0;
	lr =	simm.s32 $0x1  }
0x2: {  	[smem:$0x3F9B] =	sst lr;
	_ =	strace $0xD0000000  }
0x3: {  	_ = 	snop  }
0x4: {  	_ = 	snop  }
0x5: {  	_ = 	snop  }
0x6: {  	_ = 	snop  }
0x7: {  	_ = 	snop  }
__scs_overlays_trampoline_lowered:
0x8: {  	[smem:$0x3FAA] =	sst s0  }
0x9: {  	[smem:$0x3FAB] =	sst s1  }
0xa: {  	[smem:$0x3FAC] =	sst s2  }
0xb: {  	[smem:$0x3FAD] =	sst s3  }
0xc: {  	[smem:$0x3FAE] =	sst s4  }
0xd: {  	[smem:$0x3FAF] =	sst s5  }
0xe: {  	[smem:$0x3FB0] =	sst s6  }
0xf: {  	[smem:$0x3FB1] =	sst s7  }
0x10: {  	[smem:$0x3FB2] =	sst s8  }
0x11: {  	[smem:$0x3FB3] =	sst s9;
	s0 =	simm.s32 @!p0 $0x0  }
0x12: {  	s1 =	sld [smem:$0x3F99];
	s0 =	simm.s32 @p0 $0x1  }
0x13: {  	[smem:$0x3FB4] =	sst s0;
	s0 =	simm.s32 @!p1 $0x0  }
0x14: {  	s2 =	sld [smem:$0x3F98];
	s0 =	simm.s32 @p1 $0x1  }
0x15: {  	[smem:$0x3FB5] =	sst s0;
	s0 =	simm.s32 @!p2 $0x0  }
0x16: {  	s3 =	sld [smem:$0x3FDB];
	s0 =	simm.s32 @p2 $0x1  }
0x17: {  	s4 =	simm.s32 $0x1BF5;
	[smem:$0x3FB7] =	sst s0  }
0x18: {  	s0 =	sld [smem:$0x3F9A];
	_ =	swait.ge [sflag:s4], $0x0  }
0x19: {  	s7 =	sld [smem:$0x3F9B]  }
0x1a: {  	s8 =	sadd.s32 $0xFFFFE003, lr  }
0x1b: {  	s9 =	sadd.s32 $0xFFFFFEF7, lr;
	s5 =	simm.s32 $0xFFFFFFFF;
	p2 =	slt.u32 s8, $0xFFFFF086  }
0x1c: {  	p1 =	slt.u32 s9, $0xF7A;
	s5 =	simm.s32 @!p2 $0x0  }
0x1d: {  	s5 =	simm.s32 @p1 $0x1;
	p0 =	seq.s32 s7, s2  }
0x1e: {  	s7 =	smul.u32 @!p0 $0xF7A, s2;
	p2 =	seq.s32 @!p0 s5, $0x0  }
0x1f: {  	s9 =	smul.u32 $0xF7A, s1;
	s8 =	simm.s32 @!p0 $0x1BF5;
	p2 =	por !p2, p0  }
0x20: {  	[sflag:s8] =	ssyncset.s32 @!p0 $0xFFFFF086;
	s6 =	sadd.s32 @!p0 s3, s7;
	s7 =	simm.s32 @!p0 $0x108  }
0x21: {  	s3 =	sadd.s32 s3, s9;
	s6 =	sadd.s32 @!p0 $0x88, s6;
	s7 =	simm.s32 @p2 $0x1082  }
0x22: {  	[simem:s7], [sflag:s8] =	dma.local @!p0 [hbm:s6], $0xF7A  }
0x23: {  	s9 =	sor.u32 $0xD0000000, s2;
	s6 =	simm.s32 $0x108;
	_ =	swait.ge @!p0 [sflag:s8], $0x0  }
0x24: {  	s3 =	sadd.s32 $0x88, s3;
	s6 =	simm.s32 @!p1 $0x1082;
	[sflag:s4] =	ssyncset.s32 $0xFFFFF086  }
0x25: {  	[simem:s6], [sflag:s4] =	dma.local [hbm:s3], $0xF7A  }
0x26: {  	[smem:$0x3F9B] =	sst s1;
	(tag) =	ssettag s2;
	_ =	strace s9  }
0x27: {  	s1 =	sld [smem:$0x3FAB]  }
0x28: {  	s2 =	sld [smem:$0x3FAC]  }
0x29: {  	s4 =	sld [smem:$0x3FAE]  }
0x2a: {  	p0 =	seq.s32 s5, $0x0;
	s5 =	sld [smem:$0x3FAF]  }
0x2b: {  	s6 =	sld [smem:$0x3FB0]  }
0x2c: {  	s7 =	sld [smem:$0x3FB1]  }
0x2d: {  	s3 =	simm.s32 $0x108;
	s8 =	sld [smem:$0x3FB2]  }
0x2e: {  	s3 =	simm.s32 @!p0 $0x1082;
	s9 =	sld [smem:$0x3FB3]  }
0x2f: {  	lr =	sadd.s32 s0, s3;
	s0 =	sld [smem:$0x3FAA]  }
0x30: {  	s3 =	sld [smem:$0x3FAD]  }
0x31: {  	[smem:$0x3FB6] =	sst s10  }
0x32: {  	s10 =	sld [smem:$0x3FB4];
	_ =	sdelay $0x3  }
0x33: {  	p0 =	seq.s32 s10, $0x1;
	s10 =	sld [smem:$0x3FB6];
	_ =	sdelay $0x3  }
0x34: {  	[smem:$0x3FB6] =	sst s10  }
0x35: {  	s10 =	sld [smem:$0x3FB5];
	_ =	sdelay $0x3  }
0x36: {  	p1 =	seq.s32 s10, $0x1;
	s10 =	sld [smem:$0x3FB6];
	_ =	sdelay $0x3  }
0x37: {  	[smem:$0x3FB6] =	sst s10  }
0x38: {  	s10 =	sld [smem:$0x3FB7]  }
0x39: {  	_ = 	snop;
	(pc) =	sbr.ind lr, $3  }
0x3a: {  	_ = 	snop  }
0x3b: {  	_ = 	snop  }
0x3c: {  	p2 =	seq.s32 s10, $0x1;
	s10 =	sld [smem:$0x3FB6]  }
0x3d: {  	_ =	shalt  }
0x3e: {  	_ =	shalt  }
0x3f: {  	_ =	shalt  }
0x40: {  	_ =	shalt  }
0x41: {  	_ =	shalt  }
0x42: {  	_ =	shalt  }
0x43: {  	_ =	shalt  }
0x44: {  	_ =	shalt  }
0x45: {  	_ =	shalt  }
0x46: {  	_ =	shalt  }
0x47: {  	_ =	shalt  }
0x48: {  	_ =	shalt  }
0x49: {  	_ =	shalt  }
0x4a: {  	_ =	shalt  }
0x4b: {  	_ =	shalt  }
0x4c: {  	_ =	shalt  }
0x4d: {  	_ =	shalt  }
0x4e: {  	_ =	shalt  }
0x4f: {  	_ =	shalt  }
0x50: {  	_ =	shalt  }
0x51: {  	_ =	shalt  }
0x52: {  	_ =	shalt  }
0x53: {  	_ =	shalt  }
0x54: {  	_ =	shalt  }
0x55: {  	_ =	shalt  }
0x56: {  	_ =	shalt  }
0x57: {  	_ =	shalt  }
0x58: {  	_ =	shalt  }
0x59: {  	_ =	shalt  }
0x5a: {  	_ =	shalt  }
0x5b: {  	_ =	shalt  }
0x5c: {  	_ =	shalt  }
0x5d: {  	_ =	shalt  }
0x5e: {  	_ =	shalt  }
0x5f: {  	_ =	shalt  }
0x60: {  	_ =	shalt  }
0x61: {  	_ =	shalt  }
0x62: {  	_ =	shalt  }
0x63: {  	_ =	shalt  }
0x64: {  	_ =	shalt  }
0x65: {  	_ =	shalt  }
0x66: {  	_ =	shalt  }
0x67: {  	_ =	shalt  }
0x68: {  	_ =	shalt  }
0x69: {  	_ =	shalt  }
0x6a: {  	_ =	shalt  }
0x6b: {  	_ =	shalt  }
0x6c: {  	_ =	shalt  }
0x6d: {  	_ =	shalt  }
0x6e: {  	_ =	shalt  }
0x6f: {  	_ =	shalt  }
0x70: {  	_ =	shalt  }
0x71: {  	_ =	shalt  }
0x72: {  	_ =	shalt  }
0x73: {  	_ =	shalt  }
0x74: {  	_ =	shalt  }
0x75: {  	_ =	shalt  }
0x76: {  	_ =	shalt  }
0x77: {  	_ =	shalt  }
0x78: {  	_ =	shalt  }
0x79: {  	_ =	shalt  }
0x7a: {  	_ =	shalt  }
0x7b: {  	_ =	shalt  }
0x7c: {  	_ =	shalt  }
0x7d: {  	_ =	shalt  }
0x7e: {  	_ =	shalt  }
0x7f: {  	_ =	shalt  }
0x80: {  	_ =	shalt  }
0x81: {  	_ =	shalt  }
0x82: {  	_ =	shalt  }
0x83: {  	_ =	shalt  }
0x84: {  	_ =	shalt  }
0x85: {  	_ =	shalt  }
0x86: {  	_ =	shalt  }
0x87: {  	_ =	shalt  }
.Lfunc_end0:
.L_simem_size_0:
called_computation_lowered:
.L_overlay_start_0:
0x88: {  	s2 =	sld [smem:$0x3FD9]  }
0x89: {  	s3 =	sld [smem:$0x3FFE];
	_ =	sdelay $0x1  }
0x8a: {  	s1 =	srdreg.scid  }
0x8b: {  	s0 =	sand.u32 $0x1, s1  }
0x8c: {  	s17 =	sshll.u32 s0, $0xA;
	s2 =	sadd.s32 s3, s2  }
0x8d: {  	s2 =	sadd.s32 s2, s17  }
0x8e: {  	[smem:$0x3FC2] =	sst s2  }
0x8f: {  	_ = 	snop  }
0x90: {  	s2 =	sld [smem:$0x3FC9]  }
0x91: {  	s18 =	sld [smem:$0x3FC8];
	(tm) =	ssettm $0x1  }
0x92: {  	s4 =	sld [smem:$0x3FFB];
	_ =	sdelay $0x3  }
0x93: {  	_ =	strace s4  }
0x94: {  	s4 =	sld [smem:$0x3FFC];
	_ =	sdelay $0x3  }
0x95: {  	_ =	strace s4  }
0x96: {  	s4 =	sld [smem:$0x3FFD];
	_ =	sdelay $0x3  }
0x97: {  	_ =	strace s4  }
0x98: {  	_ =	strace $0x8FFFFFFF  }
0x99: {  	s19 =	sld [smem:$0x3FDB];
	_ =	sdelay $0x1  }
0x9a: {  	s5 =	simm.s32 $_scs_section_size  }
0x9b: {  	s6 =	simm.s32 $_size__tile_overlayer_lowered;
	s7 =	simm.s32 $_tile_overlayer_lowered  }
0x9c: {  	s22 =	simm.s32 $0x1BFF;
	s21 =	sshll.u32 s7, $0x1;
	s4 =	sadd.s32 s5, s19  }
0x9d: {  	s8 =	simm.s32 $0x0;
	s20 =	sshll.u32 s6, $0x1;
	s6 =	sadd.s32 s21, s4  }
0x9e: {  	[timem:s8], [sflag:s22] =	dma.local [hbm:s6], s20  }
0x9f: {  	_ =	swait.ge [sflag:s22], s20  }
0xa0: {  	s5 =	ssub.s32 $0x0, s20;
	[sflag:s22] =	ssyncset.done $0x0  }
0xa1: {  	[sflag:s22] =	ssyncadd.s32 s5;
	_ =	sdelay $0x1  }
0xa2: {  	s23 =	simm.s32 $0x1B8B  }
0xa3: {  	_ =	swait.ge [sflag:s23], $0x1  }
0xa4: {  	[sflag:s23] =	ssyncset.done $0x0  }
0xa5: {  	s25 =	simm.s32 $0x1B8E;
	s24 =	sld [smem:$0x3FFE];
	[sflag:s23] =	ssyncadd.s32 $0xFFFFFFFF  }
0xa6: {  	s26 =	simm.s32 $execute0_lowered;
	[smem:$0x3FD2] =	sst s25  }
0xa7: {  	s6 =	sshll.u32 s26, $0x1;
	_ =	strace $0x80000046;
	[dreg:$0x1] =	wrdreg $0xFFFFFFFF  }
0xa8: {  	s28 =	simm.s32 $_size_execute0_lowered;
	s4 =	sadd.s32 s4, s6;
	[dreg:$0x0] =	wrdreg $0x0  }
0xa9: {  	s6 =	sshll.u32 s28, $0x1;
	[dreg:$0x2] =	wrdreg s4  }
0xaa: {  	[dreg:$0x3] =	wrdreg s6  }
0xab: {  	[dreg:$0x4] =	wrdreg $0xC0  }
0xac: {  	_ =	task [dreg:s8], $0x5FFFF  }
0xad: {  	[dreg:$0x1] =	wrdreg $0xFFFFFFFF  }
0xae: {  	[dreg:$0x0] =	wrdreg $0x60  }
0xaf: {  	[dreg:$0x2] =	wrdreg s18  }
0xb0: {  	[dreg:$0x3] =	wrdreg s2  }
0xb1: {  	[dreg:$0x4] =	wrdreg s24  }
0xb2: {  	[dreg:$0x5] =	wrdreg $0x9  }
0xb3: {  	_ =	task.clear_ibuf [dreg:s8], $0x6FFFF;
	_ =	strace $0x90000046  }
0xb4: {  	s29 =	simm.s32 $0x9;
	_ =	strace $0x80000048  }
0xb5: {  	_ =	swait.ge [sflag:s29], $0x1  }
0xb6: {  	[sflag:s29] =	ssyncadd.s32 $0xFFFFFFFF  }
0xb7: {  	_ =	strace $0x90000048  }
0xb8: {  	_ =	sfence  }
0xb9: {  	s30 =	sld [smem:$0x0];
	_ =	sdelay $0x2  }
0xba: {  	s31 =	sshll.u32 s1, $0xD;
	s1 =	sshrl.u32 s1, $0x2  }
0xbb: {  	s3 =	sand.u32 $0x4000, s31;
	s1 =	sadd.s32 s1, s30  }
0xbc: {  	s0 =	sor.u32 s3, s0;
	s1 =	sshll.u32 s1, $0x11  }
0xbd: {  	s0 =	sor.u32 s1, s0  }
0xbe: {  	s0 =	sadd.s32 $0x8F2B, s0  }
0xbf: {  	[sflag:s0] =	ssyncadd.remote.s32 $0x1  }
0xc0: {  	_ =	sfence.sel $0xFFFF  }
0xc1: {  	[dreg:$0x0] =	wrdreg $0xFFFFFFFF;
	(pc) =	sbr.abs _section_cstart, $3  }
0xc2: {  	[dreg:$0x1] =	wrdreg $0xFFFFFFFF  }
0xc3: {  	_ =	task.clear_ibuf [dreg:s8], $0x2FFFF;
	_ =	strace $0x9FFFFFFF  }
0xc4: {  	(tm) =	ssettm $0x7FFFFFFF  }
0xc5: {  	_ =	shalt  }
tec
execute0_lowered:
.L_overlay_start_1:
0x0: {  	(tag) =	ssettag $0x1  }
0x1: {  	s0 =	srdreg.scid  }
0x2: {  	s1 =	stileid.u32;
	s2 =	rddreg [dreg:$0x0]  }
0x3: {  	s14 =	rddreg [dreg:$0x1];
	s3 =	sand.u32 $0x1, s0;
	s11 =	sshll.u32 s1, $0x1  }
0x4: {  	s21 =	rddreg [dreg:$0x2];
	s0 =	sor.u32 s3, s11  }
0x5: {  	s7 =	simm.s32 $0x80;
	s8 =	simm.s32 $0x400;
	s19 =	smul.u32 $0x6, s0  }
0x6: {  	[dreg:$0x4] =	wrdreg s3;
	s3 =	simm.s32 $0x0;
	s0 =	smul.u32 $0x600, s0  }
0x7: {  	s9 =	simm.s32 $0x100;
	s10 =	simm.s32 $0x200;
	[smem:$0x7FF] =	sst s3  }
0x8: {  	_ =	strace $0x80000047;
	s20 =	sand.u32 $0x1E00, s0;
	s12 =	sshrl.u32 s19, $0x1  }
0x9: {  	s25 =	sadd.s32 $0x2, s19;
	s28 =	sadd.s32 $0x3, s19;
	s29 =	sadd.s32 $0x4, s19  }
0xa: {  	s30 =	sadd.s32 $0x5, s19;
	s0 =	sand.u32 $0x70, s12;
	s13 =	sadd.s32 s14, s20  }
0xb: {  	s15 =	sshll.u32 s25, $0x8;
	s23 =	sor.u32 $0x100, s20;
	s16 =	sshrl.u32 s25, $0x1  }
0xc: {  	s17 =	sshll.u32 s28, $0x8;
	s22 =	sshrl.u32 s28, $0x1;
	s12 =	simm.s32 $0x300  }
0xd: {  	s24 =	sshll.u32 s29, $0x8;
	s4 =	sadd.s32 s0, s13;
	s26 =	sand.u32 $0x1E00, s15  }
0xe: {  	s5 =	sadd.s32 s14, s23;
	s1 =	sand.u32 $0x70, s16;
	s18 =	sand.u32 $0x1F00, s17  }
0xf: {  	s13 =	sshrl.u32 s29, $0x1;
	s31 =	sand.u32 $0x1E00, s24;
	s16 =	sshll.u32 s30, $0x8  }
0x10: {  	s15 =	sshrl.u32 s30, $0x1;
	s6 =	sadd.s32 s14, s26;
	s5 =	sadd.s32 s0, s5  }
0x11: {  	[tilespmem:s3], [sflag:$0x4] =	stream.strided.gather [hbm4b:s4+s7], $0x100, s8, s7, $0x38;
	[tilespmem:$0x18600] =	vst v63  }
0x12: {  	[dreg:$0x6] =	wrdreg s18;
	s0 =	sand.u32 $0x70, s22;
	s17 =	sand.u32 $0x1F00, s16  }
0x13: {  	[tilespmem:s9], [sflag:$0x4] =	stream.strided.gather [hbm4b:s5+s7], $0x100, s8, s7, $0x38;
	[tilespmem:$0x18600] =	vst v63  }
0x14: {  	s22 =	sand.u32 $0x70, s15;
	s6 =	sadd.s32 s1, s6;
	s1 =	sadd.s32 s14, s18  }
0x15: {  	[tilespmem:s10], [sflag:$0x4] =	stream.strided.gather [hbm4b:s6+s7], $0x100, s8, s7, $0x38;
	[tilespmem:$0x18600] =	vst v63  }
0x16: {  	s18 =	sadd.s32 s14, s31;
	s11 =	sadd.s32 s0, s1;
	s1 =	sand.u32 $0x70, s13  }
0x17: {  	[tilespmem:s12], [sflag:$0x4] =	stream.strided.gather [hbm4b:s11+s7], $0x100, s8, s7, $0x38;
	[tilespmem:$0x18600] =	vst v63  }
0x18: {  	s15 =	simm.s32 $0x500;
	s14 =	sadd.s32 s14, s17;
	s13 =	sadd.s32 s1, s18  }
0x19: {  	[tilespmem:s8], [sflag:$0x4] =	stream.strided.gather [hbm4b:s13+s7], $0x100, s8, s7, $0x38;
	[tilespmem:$0x18600] =	vst v63  }
0x1a: {  	s16 =	simm.s32 $0x4;
	[dreg:$0x5] =	wrdreg s17;
	s14 =	sadd.s32 s22, s14  }
0x1b: {  	[tilespmem:s15], [sflag:$0x4] =	stream.strided.gather [hbm4b:s14+s7], $0x100, s8, s7, $0x38;
	[tilespmem:$0x18600] =	vst v63  }
0x1c: {  	_ =	swait.ge [sflag:s16], $0x100  }
0x1d: {  	[sflag:s16] =	ssyncset.done $0x0  }
0x1e: {  	[sflag:s16] =	ssyncadd.s32 $0xFFFFFF00  }
0x1f: {  	_ =	swait.ge [sflag:s16], $0x100  }
0x20: {  	[sflag:s16] =	ssyncset.done $0x0  }
0x21: {  	[sflag:s16] =	ssyncadd.s32 $0xFFFFFF00  }
0x22: {  	_ =	swait.ge [sflag:s16], $0x100  }
0x23: {  	[sflag:s16] =	ssyncset.done $0x0  }
0x24: {  	[sflag:s16] =	ssyncadd.s32 $0xFFFFFF00  }
0x25: {  	_ =	swait.ge [sflag:s16], $0x100  }
0x26: {  	[sflag:s16] =	ssyncset.done $0x0  }
0x27: {  	[sflag:s16] =	ssyncadd.s32 $0xFFFFFF00  }
0x28: {  	_ =	swait.ge [sflag:s16], $0x100  }
0x29: {  	[sflag:s16] =	ssyncset.done $0x0  }
0x2a: {  	[sflag:s16] =	ssyncadd.s32 $0xFFFFFF00  }
0x2b: {  	_ =	swait.ge [sflag:s16], $0x100  }
0x2c: {  	[sflag:s16] =	ssyncset.done $0x0  }
0x2d: {  	s17 =	simm.s32 $0x600;
	[sflag:s16] =	ssyncadd.s32 $0xFFFFFF00  }
0x2e: {  	[tilespmem:s17], [sflag:$0x1] =	stream.indirect.gather [hbm4b:s2+s9], $0x80, s3, s9, $0xb8;
	[tilespmem:$0x18600] =	vst v63  }
0x2f: {  	s24 =	sshll.u32 s19, $0xF;
	s19 =	simm.s32 $0x10600;
	s18 =	simm.s32 $0x8600  }
0x30: {  	[tilespmem:s18], [sflag:$0x2] =	stream.indirect.gather [hbm4b:s2+s9], $0x80, s9, s9, $0xb8;
	[tilespmem:$0x18600] =	vst v63  }
0x31: {  	s24 =	sand.u32 $0x700000, s24;
	s1 =	sshll.u32 s20, $0x7;
	s20 =	simm.s32 $0x1  }
0x32: {  	[tilespmem:s19], [sflag:$0x3] =	stream.indirect.gather [hbm4b:s2+s9], $0x80, s10, s9, $0xb8;
	[tilespmem:$0x18600] =	vst v63  }
0x33: {  	s22 =	sor.u32 s1, s24;
	_ =	swait.ge [sflag:s20], $0x8000  }
0x34: {  	s0 =	sadd.s32 $0x1800, s21;
	s22 =	sshrl.u32 s22, $0x3;
	[sflag:s20] =	ssyncset.done $0x0  }
0x35: {  	s21 =	sadd.s32 s0, s22;
	s22 =	simm.s32 $0x5;
	[sflag:s20] =	ssyncadd.s32 $0xFFFF8000  }
0x36: {  	[hbm4b:s21+s3] =	stream.linear.scatter [tilespmem:s17], [sflag:$0x5], $0x8000, $0x38;
	[tilespmem:$0x18600] =	vst v63  }
0x37: {  	_ =	swait.ge [sflag:s22], $0x8000  }
0x38: {  	[sflag:s22] =	ssyncset.done $0x0  }
0x39: {  	s1 =	sshll.u32 s23, $0x7;
	s23 =	simm.s32 $0x2;
	[sflag:s22] =	ssyncadd.s32 $0xFFFF8000  }
0x3a: {  	[tilespmem:s17], [sflag:$0x1] =	stream.indirect.gather [hbm4b:s2+s9], $0x80, s12, s9, $0xb8;
	[tilespmem:$0x18600] =	vst v63  }
0x3b: {  	s1 =	sor.u32 s24, s1;
	_ =	swait.ge [sflag:s23], $0x8000  }
0x3c: {  	s1 =	sshrl.u32 s1, $0x3;
	[sflag:s23] =	ssyncset.done $0x0  }
0x3d: {  	s24 =	sadd.s32 s0, s1;
	[sflag:s23] =	ssyncadd.s32 $0xFFFF8000  }
0x3e: {  	[hbm4b:s24+s3] =	stream.linear.scatter [tilespmem:s18], [sflag:$0x5], $0x8000, $0x38;
	[tilespmem:$0x18600] =	vst v63  }
0x3f: {  	_ =	swait.ge [sflag:s22], $0x8000  }
0x40: {  	[sflag:s22] =	ssyncset.done $0x0  }
0x41: {  	s1 =	sshll.u32 s25, $0xC;
	s25 =	simm.s32 $0x3;
	[sflag:s22] =	ssyncadd.s32 $0xFFFF8000  }
0x42: {  	[tilespmem:s18], [sflag:$0x2] =	stream.indirect.gather [hbm4b:s2+s9], $0x80, s8, s9, $0xb8;
	[tilespmem:$0x18600] =	vst v63  }
0x43: {  	s1 =	sand.u32 $0x1E0000, s1;
	_ =	swait.ge [sflag:s25], $0x8000  }
0x44: {  	s26 =	sshll.u32 s26, $0x4;
	s1 =	sadd.s32 s0, s1;
	[sflag:s25] =	ssyncset.done $0x0  }
0x45: {  	s26 =	sadd.s32 s26, s1;
	[sflag:s25] =	ssyncadd.s32 $0xFFFF8000  }
0x46: {  	[hbm4b:s26+s3] =	stream.linear.scatter [tilespmem:s19], [sflag:$0x5], $0x8000, $0x38;
	[tilespmem:$0x18600] =	vst v63  }
0x47: {  	_ =	swait.ge [sflag:s22], $0x8000  }
0x48: {  	[sflag:s22] =	ssyncset.done $0x0  }
0x49: {  	[sflag:s22] =	ssyncadd.s32 $0xFFFF8000  }
0x4a: {  	[tilespmem:s19], [sflag:$0x3] =	stream.indirect.gather [hbm4b:s2+s9], $0x80, s15, s9, $0xb8;
	[tilespmem:$0x18600] =	vst v63  }
0x4b: {  	s1 =	sshll.u32 s28, $0xC;
	_ =	swait.ge [sflag:s20], $0x8000  }
0x4c: {  	s1 =	sand.u32 $0x1E0000, s1;
	s28 =	rddreg [dreg:$0x6]  }
0x4d: {  	s1 =	sadd.s32 s0, s1;
	[sflag:s20] =	ssyncset.done $0x0;
	s28 =	sshll.u32 s28, $0x4  }
0x4e: {  	[sflag:s20] =	ssyncadd.s32 $0xFFFF8000;
	s28 =	sadd.s32 s28, s1  }
0x4f: {  	[hbm4b:s28+s3] =	stream.linear.scatter [tilespmem:s17], [sflag:$0x5], $0x8000, $0x38;
	[tilespmem:$0x18600] =	vst v63  }
0x50: {  	_ =	swait.ge [sflag:s22], $0x8000  }
0x51: {  	[sflag:s22] =	ssyncset.done $0x0  }
0x52: {  	s1 =	sshll.u32 s29, $0xC;
	[sflag:s22] =	ssyncadd.s32 $0xFFFF8000  }
0x53: {  	s1 =	sand.u32 $0x1E0000, s1;
	_ =	swait.ge [sflag:s23], $0x8000  }
0x54: {  	s29 =	sshll.u32 s31, $0x4;
	s1 =	sadd.s32 s0, s1;
	[sflag:s23] =	ssyncset.done $0x0  }
0x55: {  	s29 =	sadd.s32 s29, s1;
	[sflag:s23] =	ssyncadd.s32 $0xFFFF8000  }
0x56: {  	[hbm4b:s29+s3] =	stream.linear.scatter [tilespmem:s18], [sflag:$0x5], $0x8000, $0x38;
	[tilespmem:$0x18600] =	vst v63  }
0x57: {  	_ =	swait.ge [sflag:s22], $0x8000  }
0x58: {  	s1 =	rddreg [dreg:$0x4]  }
0x59: {  	s1 =	ssub.s32 $0x2, s1  }
0x5a: {  	[sflag:s22] =	ssyncset.done $0x0;
	s31 =	sshrl.u32 s1, $0x1  }
0x5b: {  	s30 =	sshll.u32 s30, $0xC;
	[sflag:s22] =	ssyncadd.s32 $0xFFFF8000;
	s1 =	ssub.s32 s1, s31  }
0x5c: {  	s30 =	sand.u32 $0x1E0000, s30;
	_ =	swait.ge [sflag:s25], $0x8000;
	s1 =	smax.u32 s1, $0x1  }
0x5d: {  	s0 =	sadd.s32 s0, s30;
	s30 =	rddreg [dreg:$0x5];
	p0 =	sne.s32 s1, $0x1  }
.Ltmp0:
0x5e: {  	[sflag:s25] =	ssyncset.done $0x0;
	s30 =	sshll.u32 s30, $0x4;
	(pc) =	sbr.rel @!p0 .LBB2_2-.Ltmp0, $4  }
0x5f: {  	[sflag:s25] =	ssyncadd.s32 $0xFFFF8000;
	s30 =	sadd.s32 s30, s0  }
0x60: {  	[hbm4b:s30+s3] =	stream.linear.scatter [tilespmem:s19], [sflag:$0x5], $0x8000, $0x38;
	[tilespmem:$0x18600] =	vst v63  }
0x61: {  	_ =	swait.ge [sflag:s22], $0x8000  }
0x62: {  	s31 =	sadd.s32 $0xFFFFFFFF, s1;
	[sflag:s22] =	ssyncset.done $0x0  }
.LBB2_1:
0x63: {  	p0 =	sne.s32 s31, $0x1;
	s31 =	sadd.s32 $0xFFFFFFFF, s31;
	[sflag:s22] =	ssyncadd.s32 $0xFFFF8000  }
0x64: {  	[tilespmem:s3], [sflag:$0x4] =	stream.strided.gather [hbm4b:s4+s7], $0x100, s8, s7, $0x38;
	[tilespmem:$0x18600] =	vst v63  }
0x65: {  	_ = 	snop  }
0x66: {  	[tilespmem:s9], [sflag:$0x4] =	stream.strided.gather [hbm4b:s5+s7], $0x100, s8, s7, $0x38;
	[tilespmem:$0x18600] =	vst v63  }
0x67: {  	_ = 	snop  }
0x68: {  	[tilespmem:s10], [sflag:$0x4] =	stream.strided.gather [hbm4b:s6+s7], $0x100, s8, s7, $0x38;
	[tilespmem:$0x18600] =	vst v63  }
0x69: {  	_ = 	snop  }
0x6a: {  	[tilespmem:s12], [sflag:$0x4] =	stream.strided.gather [hbm4b:s11+s7], $0x100, s8, s7, $0x38;
	[tilespmem:$0x18600] =	vst v63  }
0x6b: {  	_ = 	snop  }
0x6c: {  	[tilespmem:s8], [sflag:$0x4] =	stream.strided.gather [hbm4b:s13+s7], $0x100, s8, s7, $0x38;
	[tilespmem:$0x18600] =	vst v63  }
0x6d: {  	_ = 	snop  }
0x6e: {  	[tilespmem:s15], [sflag:$0x4] =	stream.strided.gather [hbm4b:s14+s7], $0x100, s8, s7, $0x38;
	[tilespmem:$0x18600] =	vst v63  }
0x6f: {  	_ =	swait.ge [sflag:s16], $0x100  }
0x70: {  	[sflag:s16] =	ssyncset.done $0x0  }
0x71: {  	[sflag:s16] =	ssyncadd.s32 $0xFFFFFF00  }
0x72: {  	_ =	swait.ge [sflag:s16], $0x100  }
0x73: {  	[sflag:s16] =	ssyncset.done $0x0  }
0x74: {  	[sflag:s16] =	ssyncadd.s32 $0xFFFFFF00  }
0x75: {  	_ =	swait.ge [sflag:s16], $0x100  }
0x76: {  	[sflag:s16] =	ssyncset.done $0x0  }
0x77: {  	[sflag:s16] =	ssyncadd.s32 $0xFFFFFF00  }
0x78: {  	_ =	swait.ge [sflag:s16], $0x100  }
0x79: {  	[sflag:s16] =	ssyncset.done $0x0  }
0x7a: {  	[sflag:s16] =	ssyncadd.s32 $0xFFFFFF00  }
0x7b: {  	_ =	swait.ge [sflag:s16], $0x100  }
0x7c: {  	[sflag:s16] =	ssyncset.done $0x0  }
0x7d: {  	[sflag:s16] =	ssyncadd.s32 $0xFFFFFF00  }
0x7e: {  	_ =	swait.ge [sflag:s16], $0x100  }
0x7f: {  	[sflag:s16] =	ssyncset.done $0x0  }
0x80: {  	[sflag:s16] =	ssyncadd.s32 $0xFFFFFF00  }
0x81: {  	[tilespmem:s17], [sflag:$0x1] =	stream.indirect.gather [hbm4b:s2+s9], $0x80, s3, s9, $0xb8;
	[tilespmem:$0x18600] =	vst v63  }
0x82: {  	_ = 	snop  }
0x83: {  	[tilespmem:s18], [sflag:$0x2] =	stream.indirect.gather [hbm4b:s2+s9], $0x80, s9, s9, $0xb8;
	[tilespmem:$0x18600] =	vst v63  }
0x84: {  	_ = 	snop  }
0x85: {  	[tilespmem:s19], [sflag:$0x3] =	stream.indirect.gather [hbm4b:s2+s9], $0x80, s10, s9, $0xb8;
	[tilespmem:$0x18600] =	vst v63  }
0x86: {  	_ =	swait.ge [sflag:s20], $0x8000  }
0x87: {  	[sflag:s20] =	ssyncset.done $0x0  }
0x88: {  	[sflag:s20] =	ssyncadd.s32 $0xFFFF8000  }
0x89: {  	[hbm4b:s21+s3] =	stream.linear.scatter [tilespmem:s17], [sflag:$0x5], $0x8000, $0x38;
	[tilespmem:$0x18600] =	vst v63  }
0x8a: {  	_ =	swait.ge [sflag:s22], $0x8000  }
0x8b: {  	[sflag:s22] =	ssyncset.done $0x0  }
0x8c: {  	[sflag:s22] =	ssyncadd.s32 $0xFFFF8000  }
0x8d: {  	[tilespmem:s17], [sflag:$0x1] =	stream.indirect.gather [hbm4b:s2+s9], $0x80, s12, s9, $0xb8;
	[tilespmem:$0x18600] =	vst v63  }
0x8e: {  	_ =	swait.ge [sflag:s23], $0x8000  }
0x8f: {  	[sflag:s23] =	ssyncset.done $0x0  }
0x90: {  	[sflag:s23] =	ssyncadd.s32 $0xFFFF8000  }
0x91: {  	[hbm4b:s24+s3] =	stream.linear.scatter [tilespmem:s18], [sflag:$0x5], $0x8000, $0x38;
	[tilespmem:$0x18600] =	vst v63  }
0x92: {  	_ =	swait.ge [sflag:s22], $0x8000  }
0x93: {  	[sflag:s22] =	ssyncset.done $0x0  }
0x94: {  	[sflag:s22] =	ssyncadd.s32 $0xFFFF8000  }
0x95: {  	[tilespmem:s18], [sflag:$0x2] =	stream.indirect.gather [hbm4b:s2+s9], $0x80, s8, s9, $0xb8;
	[tilespmem:$0x18600] =	vst v63  }
0x96: {  	_ =	swait.ge [sflag:s25], $0x8000  }
0x97: {  	[sflag:s25] =	ssyncset.done $0x0  }
0x98: {  	[sflag:s25] =	ssyncadd.s32 $0xFFFF8000  }
0x99: {  	[hbm4b:s26+s3] =	stream.linear.scatter [tilespmem:s19], [sflag:$0x5], $0x8000, $0x38;
	[tilespmem:$0x18600] =	vst v63  }
0x9a: {  	_ =	swait.ge [sflag:s22], $0x8000  }
0x9b: {  	[sflag:s22] =	ssyncset.done $0x0  }
0x9c: {  	[sflag:s22] =	ssyncadd.s32 $0xFFFF8000  }
0x9d: {  	[tilespmem:s19], [sflag:$0x3] =	stream.indirect.gather [hbm4b:s2+s9], $0x80, s15, s9, $0xb8;
	[tilespmem:$0x18600] =	vst v63  }
0x9e: {  	_ =	swait.ge [sflag:s20], $0x8000  }
0x9f: {  	[sflag:s20] =	ssyncset.done $0x0  }
0xa0: {  	[sflag:s20] =	ssyncadd.s32 $0xFFFF8000  }
0xa1: {  	[hbm4b:s28+s3] =	stream.linear.scatter [tilespmem:s17], [sflag:$0x5], $0x8000, $0x38;
	[tilespmem:$0x18600] =	vst v63  }
0xa2: {  	_ =	swait.ge [sflag:s22], $0x8000  }
0xa3: {  	[sflag:s22] =	ssyncset.done $0x0  }
0xa4: {  	[sflag:s22] =	ssyncadd.s32 $0xFFFF8000  }
0xa5: {  	_ =	swait.ge [sflag:s23], $0x8000  }
0xa6: {  	[sflag:s23] =	ssyncset.done $0x0  }
0xa7: {  	[sflag:s23] =	ssyncadd.s32 $0xFFFF8000  }
0xa8: {  	[hbm4b:s29+s3] =	stream.linear.scatter [tilespmem:s18], [sflag:$0x5], $0x8000, $0x38;
	[tilespmem:$0x18600] =	vst v63  }
0xa9: {  	_ =	swait.ge [sflag:s22], $0x8000  }
0xaa: {  	[sflag:s22] =	ssyncset.done $0x0  }
0xab: {  	[sflag:s22] =	ssyncadd.s32 $0xFFFF8000  }
0xac: {  	_ =	swait.ge [sflag:s25], $0x8000  }
.Ltmp1:
0xad: {  	[sflag:s25] =	ssyncset.done $0x0;
	(pc) =	sbr.rel @p0 .LBB2_1-.Ltmp1, $4  }
0xae: {  	[sflag:s25] =	ssyncadd.s32 $0xFFFF8000  }
0xaf: {  	[hbm4b:s30+s3] =	stream.linear.scatter [tilespmem:s19], [sflag:$0x5], $0x8000, $0x38;
	[tilespmem:$0x18600] =	vst v63  }
0xb0: {  	_ =	swait.ge [sflag:s22], $0x8000  }
0xb1: {  	[sflag:s22] =	ssyncset.done $0x0  }
.LBB2_2:
0xb2: {  	[sflag:s22] =	ssyncadd.s32 $0xFFFF8000  }
0xb3: {  	_ =	sfence.sel $0x180000  }
0xb4: {  	[bflag:$0x0] =	sbarrier.arrive $0xFFFF  }
0xb5: {  	_ =	strace $0x90000047  }
0xb6: {  	s0 =	stileid.u32;
	[bflag:$0x2] =	sbarrier.arrive $0xFFFF  }
0xb7: {  	p0 =	sne.s32 s0, $0x0;
	s0 =	rddreg [dreg:$0x3]  }
0xb8: {  	s0 =	sadd.s32 @!p0 $0x100000, s0  }
0xb9: {  	[sflag:s0] =	ssyncadd.tile.s32 @!p0 $0x1;
	_ =	shalt  }
.Lfunc_end2:
_tile_overlayer_lowered:
.L_overlay_start_2:
0xba: {  	(tag) =	ssettag $0x2  }
0xbb: {  	s0 =	rddreg [dreg:$0x0];
	s2 =	stileid.u32  }
0xbc: {  	s1 =	rddreg [dreg:$0x1];
	p0 =	sne.s32 s2, $0x0  }
0xbd: {  	s3 =	rddreg [dreg:$0x2];
	[bflag:$0x3] =	sbarrier.arrive $0xFFFF;
	s2 =	simm.s32 @!p0 $0x1C05  }
0xbe: {  	[timem:s3], [sflag:s2] =	dma.local @!p0 [hbm:s0], s1  }
0xbf: {  	s0 =	simm.s32 @!p0 $0x5  }
0xc0: {  	_ =	swait.ge @!p0 [sflag:s0], s1  }
0xc1: {  	s1 =	ssub.s32 @!p0 $0x0, s1;
	[sflag:s0] =	ssyncset.done @!p0 $0x0  }
0xc2: {  	[sflag:s0] =	ssyncadd.s32 @!p0 s1  }
0xc3: {  	[bflag:$0x3] =	sbarrier.arrive $0xFFFF  }
0xc4: {  	_ =	shalt  }

</sc_bundles>
